<compile_context>
chip_gen: v7x
topology: tpu7x:2x2x1
jax: 0.10.2.dev20260603
libtpu: 0.0.44.dev20260713+nightly
codegen_flags: <defaults>
</compile_context>

<pallas_src>
import functools

import jax
import jax.numpy as jnp
from jax import lax
from jax.experimental import pallas as pl
from jax.experimental.pallas import tpu as pltpu
from jax.experimental.pallas import tpu_sc as plsc

_NC = 2
_NS = 16
_NW = _NC * _NS
_L = 16

_CHUNK_ROWS = 8


def _make_sc_add(batch, seq, d):
    rows_per_w = seq // _NW
    n_chunks = rows_per_w // _CHUNK_ROWS
    chunk = _CHUNK_ROWS * d

    mesh = plsc.VectorSubcoreMesh(core_axis_name="c", subcore_axis_name="s")

    nring = 3
    vmem = []
    for _ in range(nring):
        vmem.append(pltpu.VMEM((chunk,), jnp.float32))
        for _ in range(batch):
            vmem.append(pltpu.VMEM((chunk,), jnp.float32))
    sems = [pltpu.SemaphoreType.DMA for _ in range(2 * nring)]

    @functools.partial(
        pl.kernel,
        mesh=mesh,
        out_type=jax.ShapeDtypeStruct((batch, seq * d), jnp.float32),
        scratch_types=vmem + sems,
    )
    def sc_add(x_hbm, pos_hbm, out_hbm, *scratch):
        stride = 1 + batch
        pos_v = tuple(scratch[stride * i] for i in range(nring))
        x_v = tuple(scratch[stride * i + 1:stride * (i + 1)]
                    for i in range(nring))
        sem_l = scratch[stride * nring:]
        in_sem = tuple(sem_l[:nring])
        out_sem = tuple(sem_l[nring:])

        wid = lax.axis_index("s") * _NC + lax.axis_index("c")
        base = wid * rows_per_w * d

        def start_in(c, slot):
            off = base + c * chunk
            copies = [
                pltpu.async_copy(pos_hbm.at[pl.ds(off, chunk)],
                                 pos_v[slot], in_sem[slot]),
            ]
            for b in range(batch):
                copies.append(
                    pltpu.async_copy(x_hbm.at[b, pl.ds(off, chunk)],
                                     x_v[slot][b], in_sem[slot]))
            return copies

        in_handles = [None] * nring
        out_handles = [None] * nring
        in_handles[0] = start_in(0, 0)
        for c in range(n_chunks):
            slot = c % nring
            if c + 1 < n_chunks:
                nxt = (c + 1) % nring
                if out_handles[nxt] is not None:
                    for h in out_handles[nxt]:
                        h.wait()
                    out_handles[nxt] = None
                in_handles[nxt] = start_in(c + 1, nxt)
            for h in in_handles[slot]:
                h.wait()

            @pl.loop(0, chunk, step=_L)
            def _body(r, slot=slot):
                sl = pl.ds(r, _L)
                p = pos_v[slot][sl]
                for b in range(batch):
                    x_v[slot][b][sl] = x_v[slot][b][sl] + p

            off = base + c * chunk
            out_handles[slot] = [
                pltpu.async_copy(x_v[slot][b],
                                 out_hbm.at[b, pl.ds(off, chunk)],
                                 out_sem[slot])
                for b in range(batch)
            ]
        for hs in out_handles:
            if hs is not None:
                for h in hs:
                    h.wait()

    return sc_add


def kernel(x, pos_table):
    batch, seq, d = x.shape
    pos = pos_table[:seq]
    out = _make_sc_add(batch, seq, d)(
        x.reshape(batch, seq * d), pos.reshape(seq * d))
    return out.reshape(batch, seq, d)

# --- scband reference (transcript-rebuilt; emitter-appended) ---
"""Pipeline reference for scband-learnable-positional-embedding-14422500180507 (READ-ONLY COPY).

The authoritative reference and input builder live on the scoring server;
editing this copy changes nothing except your own understanding.
"""

import jax, jax.numpy as jnp
import numpy as np

D_MODEL = 1024
MAX_LEN = 2048
BATCH = 4
SEQ_LEN = 2048

def setup_inputs(seed: int = 0) -> dict:
    key = jax.random.key(seed)
    kx, kw = jax.random.split(key)
    x = jax.random.normal(kx, (BATCH, SEQ_LEN, D_MODEL), dtype=jnp.float32)
    # nn.Embedding default init: N(0, 1)
    pos_table = jax.random.normal(kw, (MAX_LEN, D_MODEL), dtype=jnp.float32)
    return {"x": x, "pos_table": pos_table}

def reference(x, pos_table):
    seq_len = x.shape[1]
    positions = jnp.arange(0, seq_len, dtype=jnp.int32)
    pos = jnp.take(pos_table, positions, axis=0)  # embedding lookup -> gather
    return x + pos[None, :, :]

if __name__ == "__main__":
    import jax
    _d = setup_inputs()
    print(jax.jit(kernel)(*tuple(_d.values())))

</pallas_src>

<mosaic_0001>
#map = affine_map<(d0, d1) -> (0, 0)>
#map1 = affine_map<(d0, d1) -> (0)>
module attributes {stable_mosaic.version = 14 : i64} {
  func.func @sc_add(%arg0: i32, %arg1: i32, %arg2: memref<4x2097152xf32, #tpu.memory_space<hbm>>, %arg3: memref<2097152xf32, #tpu.memory_space<hbm>>, %arg4: memref<4x2097152xf32, #tpu.memory_space<hbm>>, %arg5: memref<8192xf32, #tpu.memory_space<vmem>>, %arg6: memref<8192xf32, #tpu.memory_space<vmem>>, %arg7: memref<8192xf32, #tpu.memory_space<vmem>>, %arg8: memref<8192xf32, #tpu.memory_space<vmem>>, %arg9: memref<8192xf32, #tpu.memory_space<vmem>>, %arg10: memref<8192xf32, #tpu.memory_space<vmem>>, %arg11: memref<8192xf32, #tpu.memory_space<vmem>>, %arg12: memref<8192xf32, #tpu.memory_space<vmem>>, %arg13: memref<8192xf32, #tpu.memory_space<vmem>>, %arg14: memref<8192xf32, #tpu.memory_space<vmem>>, %arg15: memref<8192xf32, #tpu.memory_space<vmem>>, %arg16: memref<8192xf32, #tpu.memory_space<vmem>>, %arg17: memref<8192xf32, #tpu.memory_space<vmem>>, %arg18: memref<8192xf32, #tpu.memory_space<vmem>>, %arg19: memref<8192xf32, #tpu.memory_space<vmem>>, %arg20: memref<!tpu.dma_semaphore, #tpu.memory_space<semaphore_mem>>, %arg21: memref<!tpu.dma_semaphore, #tpu.memory_space<semaphore_mem>>, %arg22: memref<!tpu.dma_semaphore, #tpu.memory_space<semaphore_mem>>, %arg23: memref<!tpu.dma_semaphore, #tpu.memory_space<semaphore_mem>>, %arg24: memref<!tpu.dma_semaphore, #tpu.memory_space<semaphore_mem>>, %arg25: memref<!tpu.dma_semaphore, #tpu.memory_space<semaphore_mem>>) attributes {dimension_semantics = [#tpu.dimension_semantics<core_parallel>, #tpu.dimension_semantics<subcore_parallel>], iteration_bounds = array<i64: 2, 16>, scalar_prefetch = 0 : i64, scratch_operands = 21 : i64, tpu.core_type = #tpu.core_type<sc_vector_subcore>, window_params = [{transform_indices = #map}, {transform_indices = #map1}, {transform_indices = #map}]} {
    %mul3A = arith.constant 2 : i32
    %mul3A_0 = arith.muli %arg1, %mul3A : i32
    %add3A = arith.addi %mul3A_0, %arg0 : i32
    %mul3A_1 = arith.constant 64 : i32
    %mul3A_2 = arith.muli %add3A, %mul3A_1 : i32
    %mul3A_3 = arith.constant 1024 : i32
    %mul3A_4 = arith.muli %mul3A_2, %mul3A_3 : i32
    %add3A_5 = arith.constant 0 : i32
    %add3A_6 = arith.addi %mul3A_4, %add3A_5 : i32
    %dma_start3A = tpu.memref_slice %arg3[%add3A_6] : memref<2097152xf32, #tpu.memory_space<hbm>> -> memref<8192xf32, #tpu.memory_space<hbm>>
    %dma_start3A_7 = tpu.memref_slice %arg3[%add3A_6] : memref<2097152xf32, #tpu.memory_space<hbm>> -> memref<8192xf32, #tpu.memory_space<hbm>>
    tpu.enqueue_dma source(%dma_start3A_7 : memref<8192xf32, #tpu.memory_space<hbm>>) target(%arg5 : memref<8192xf32, #tpu.memory_space<vmem>>) target_semaphore(%arg20 : memref<!tpu.dma_semaphore, #tpu.memory_space<semaphore_mem>>)
    %dma_start3A_8 = arith.constant 0 : i32
    %dma_start3A_9 = tpu.memref_slice %arg2[%dma_start3A_8, %add3A_6] : memref<4x2097152xf32, #tpu.memory_space<hbm>> -> memref<1x8192xf32, #tpu.memory_space<hbm>>
    %dma_start3A_10 = tpu.memref_squeeze %dma_start3A_9 : memref<1x8192xf32, #tpu.memory_space<hbm>> -> memref<8192xf32, #tpu.memory_space<hbm>>
    %dma_start3A_11 = tpu.memref_slice %arg2[%dma_start3A_8, %add3A_6] : memref<4x2097152xf32, #tpu.memory_space<hbm>> -> memref<1x8192xf32, #tpu.memory_space<hbm>>
    %dma_start3A_12 = tpu.memref_squeeze %dma_start3A_11 : memref<1x8192xf32, #tpu.memory_space<hbm>> -> memref<8192xf32, #tpu.memory_space<hbm>>
    tpu.enqueue_dma source(%dma_start3A_12 : memref<8192xf32, #tpu.memory_space<hbm>>) target(%arg6 : memref<8192xf32, #tpu.memory_space<vmem>>) target_semaphore(%arg20 : memref<!tpu.dma_semaphore, #tpu.memory_space<semaphore_mem>>)
    %dma_start3A_13 = arith.constant 1 : i32
    %dma_start3A_14 = tpu.memref_slice %arg2[%dma_start3A_13, %add3A_6] : memref<4x2097152xf32, #tpu.memory_space<hbm>> -> memref<1x8192xf32, #tpu.memory_space<hbm>>
    %dma_start3A_15 = tpu.memref_squeeze %dma_start3A_14 : memref<1x8192xf32, #tpu.memory_space<hbm>> -> memref<8192xf32, #tpu.memory_space<hbm>>
    %dma_start3A_16 = tpu.memref_slice %arg2[%dma_start3A_13, %add3A_6] : memref<4x2097152xf32, #tpu.memory_space<hbm>> -> memref<1x8192xf32, #tpu.memory_space<hbm>>
    %dma_start3A_17 = tpu.memref_squeeze %dma_start3A_16 : memref<1x8192xf32, #tpu.memory_space<hbm>> -> memref<8192xf32, #tpu.memory_space<hbm>>
    tpu.enqueue_dma source(%dma_start3A_17 : memref<8192xf32, #tpu.memory_space<hbm>>) target(%arg7 : memref<8192xf32, #tpu.memory_space<vmem>>) target_semaphore(%arg20 : memref<!tpu.dma_semaphore, #tpu.memory_space<semaphore_mem>>)
    %dma_start3A_18 = arith.constant 2 : i32
    %dma_start3A_19 = tpu.memref_slice %arg2[%dma_start3A_18, %add3A_6] : memref<4x2097152xf32, #tpu.memory_space<hbm>> -> memref<1x8192xf32, #tpu.memory_space<hbm>>
    %dma_start3A_20 = tpu.memref_squeeze %dma_start3A_19 : memref<1x8192xf32, #tpu.memory_space<hbm>> -> memref<8192xf32, #tpu.memory_space<hbm>>
    %dma_start3A_21 = tpu.memref_slice %arg2[%dma_start3A_18, %add3A_6] : memref<4x2097152xf32, #tpu.memory_space<hbm>> -> memref<1x8192xf32, #tpu.memory_space<hbm>>
    %dma_start3A_22 = tpu.memref_squeeze %dma_start3A_21 : memref<1x8192xf32, #tpu.memory_space<hbm>> -> memref<8192xf32, #tpu.memory_space<hbm>>
    tpu.enqueue_dma source(%dma_start3A_22 : memref<8192xf32, #tpu.memory_space<hbm>>) target(%arg8 : memref<8192xf32, #tpu.memory_space<vmem>>) target_semaphore(%arg20 : memref<!tpu.dma_semaphore, #tpu.memory_space<semaphore_mem>>)
    %dma_start3A_23 = arith.constant 3 : i32
    %dma_start3A_24 = tpu.memref_slice %arg2[%dma_start3A_23, %add3A_6] : memref<4x2097152xf32, #tpu.memory_space<hbm>> -> memref<1x8192xf32, #tpu.memory_space<hbm>>
    %dma_start3A_25 = tpu.memref_squeeze %dma_start3A_24 : memref<1x8192xf32, #tpu.memory_space<hbm>> -> memref<8192xf32, #tpu.memory_space<hbm>>
    %dma_start3A_26 = tpu.memref_slice %arg2[%dma_start3A_23, %add3A_6] : memref<4x2097152xf32, #tpu.memory_space<hbm>> -> memref<1x8192xf32, #tpu.memory_space<hbm>>
    %dma_start3A_27 = tpu.memref_squeeze %dma_start3A_26 : memref<1x8192xf32, #tpu.memory_space<hbm>> -> memref<8192xf32, #tpu.memory_space<hbm>>
    tpu.enqueue_dma source(%dma_start3A_27 : memref<8192xf32, #tpu.memory_space<hbm>>) target(%arg9 : memref<8192xf32, #tpu.memory_space<vmem>>) target_semaphore(%arg20 : memref<!tpu.dma_semaphore, #tpu.memory_space<semaphore_mem>>)
    %add3A_28 = arith.constant 8192 : i32
    %add3A_29 = arith.addi %mul3A_4, %add3A_28 : i32
    %dma_start3A_30 = tpu.memref_slice %arg3[%add3A_29] : memref<2097152xf32, #tpu.memory_space<hbm>> -> memref<8192xf32, #tpu.memory_space<hbm>>
    %dma_start3A_31 = tpu.memref_slice %arg3[%add3A_29] : memref<2097152xf32, #tpu.memory_space<hbm>> -> memref<8192xf32, #tpu.memory_space<hbm>>
    tpu.enqueue_dma source(%dma_start3A_31 : memref<8192xf32, #tpu.memory_space<hbm>>) target(%arg10 : memref<8192xf32, #tpu.memory_space<vmem>>) target_semaphore(%arg21 : memref<!tpu.dma_semaphore, #tpu.memory_space<semaphore_mem>>)
    %dma_start3A_32 = arith.constant 0 : i32
    %dma_start3A_33 = tpu.memref_slice %arg2[%dma_start3A_32, %add3A_29] : memref<4x2097152xf32, #tpu.memory_space<hbm>> -> memref<1x8192xf32, #tpu.memory_space<hbm>>
    %dma_start3A_34 = tpu.memref_squeeze %dma_start3A_33 : memref<1x8192xf32, #tpu.memory_space<hbm>> -> memref<8192xf32, #tpu.memory_space<hbm>>
    %dma_start3A_35 = tpu.memref_slice %arg2[%dma_start3A_32, %add3A_29] : memref<4x2097152xf32, #tpu.memory_space<hbm>> -> memref<1x8192xf32, #tpu.memory_space<hbm>>
    %dma_start3A_36 = tpu.memref_squeeze %dma_start3A_35 : memref<1x8192xf32, #tpu.memory_space<hbm>> -> memref<8192xf32, #tpu.memory_space<hbm>>
    tpu.enqueue_dma source(%dma_start3A_36 : memref<8192xf32, #tpu.memory_space<hbm>>) target(%arg11 : memref<8192xf32, #tpu.memory_space<vmem>>) target_semaphore(%arg21 : memref<!tpu.dma_semaphore, #tpu.memory_space<semaphore_mem>>)
    %dma_start3A_37 = arith.constant 1 : i32
    %dma_start3A_38 = tpu.memref_slice %arg2[%dma_start3A_37, %add3A_29] : memref<4x2097152xf32, #tpu.memory_space<hbm>> -> memref<1x8192xf32, #tpu.memory_space<hbm>>
    %dma_start3A_39 = tpu.memref_squeeze %dma_start3A_38 : memref<1x8192xf32, #tpu.memory_space<hbm>> -> memref<8192xf32, #tpu.memory_space<hbm>>
    %dma_start3A_40 = tpu.memref_slice %arg2[%dma_start3A_37, %add3A_29] : memref<4x2097152xf32, #tpu.memory_space<hbm>> -> memref<1x8192xf32, #tpu.memory_space<hbm>>
    %dma_start3A_41 = tpu.memref_squeeze %dma_start3A_40 : memref<1x8192xf32, #tpu.memory_space<hbm>> -> memref<8192xf32, #tpu.memory_space<hbm>>
    tpu.enqueue_dma source(%dma_start3A_41 : memref<8192xf32, #tpu.memory_space<hbm>>) target(%arg12 : memref<8192xf32, #tpu.memory_space<vmem>>) target_semaphore(%arg21 : memref<!tpu.dma_semaphore, #tpu.memory_space<semaphore_mem>>)
    %dma_start3A_42 = arith.constant 2 : i32
    %dma_start3A_43 = tpu.memref_slice %arg2[%dma_start3A_42, %add3A_29] : memref<4x2097152xf32, #tpu.memory_space<hbm>> -> memref<1x8192xf32, #tpu.memory_space<hbm>>
    %dma_start3A_44 = tpu.memref_squeeze %dma_start3A_43 : memref<1x8192xf32, #tpu.memory_space<hbm>> -> memref<8192xf32, #tpu.memory_space<hbm>>
    %dma_start3A_45 = tpu.memref_slice %arg2[%dma_start3A_42, %add3A_29] : memref<4x2097152xf32, #tpu.memory_space<hbm>> -> memref<1x8192xf32, #tpu.memory_space<hbm>>
    %dma_start3A_46 = tpu.memref_squeeze %dma_start3A_45 : memref<1x8192xf32, #tpu.memory_space<hbm>> -> memref<8192xf32, #tpu.memory_space<hbm>>
    tpu.enqueue_dma source(%dma_start3A_46 : memref<8192xf32, #tpu.memory_space<hbm>>) target(%arg13 : memref<8192xf32, #tpu.memory_space<vmem>>) target_semaphore(%arg21 : memref<!tpu.dma_semaphore, #tpu.memory_space<semaphore_mem>>)
    %dma_start3A_47 = arith.constant 3 : i32
    %dma_start3A_48 = tpu.memref_slice %arg2[%dma_start3A_47, %add3A_29] : memref<4x2097152xf32, #tpu.memory_space<hbm>> -> memref<1x8192xf32, #tpu.memory_space<hbm>>
    %dma_start3A_49 = tpu.memref_squeeze %dma_start3A_48 : memref<1x8192xf32, #tpu.memory_space<hbm>> -> memref<8192xf32, #tpu.memory_space<hbm>>
    %dma_start3A_50 = tpu.memref_slice %arg2[%dma_start3A_47, %add3A_29] : memref<4x2097152xf32, #tpu.memory_space<hbm>> -> memref<1x8192xf32, #tpu.memory_space<hbm>>
    %dma_start3A_51 = tpu.memref_squeeze %dma_start3A_50 : memref<1x8192xf32, #tpu.memory_space<hbm>> -> memref<8192xf32, #tpu.memory_space<hbm>>
    tpu.enqueue_dma source(%dma_start3A_51 : memref<8192xf32, #tpu.memory_space<hbm>>) target(%arg14 : memref<8192xf32, #tpu.memory_space<vmem>>) target_semaphore(%arg21 : memref<!tpu.dma_semaphore, #tpu.memory_space<semaphore_mem>>)
    %dma_wait3A = tpu.memref_slice %arg3[%add3A_6] : memref<2097152xf32, #tpu.memory_space<hbm>> -> memref<8192xf32, #tpu.memory_space<hbm>>
    %dma_wait3A_52 = tpu.memref_slice %arg3[%add3A_6] : memref<2097152xf32, #tpu.memory_space<hbm>> -> memref<8192xf32, #tpu.memory_space<hbm>>
    tpu.wait_dma2 semaphore(%arg20 : memref<!tpu.dma_semaphore, #tpu.memory_space<semaphore_mem>>) src(%dma_wait3A_52 : memref<8192xf32, #tpu.memory_space<hbm>>) dst(%arg5 : memref<8192xf32, #tpu.memory_space<vmem>>)
    %dma_wait3A_53 = arith.constant 0 : i32
    %dma_wait3A_54 = tpu.memref_slice %arg2[%dma_wait3A_53, %add3A_6] : memref<4x2097152xf32, #tpu.memory_space<hbm>> -> memref<1x8192xf32, #tpu.memory_space<hbm>>
    %dma_wait3A_55 = tpu.memref_squeeze %dma_wait3A_54 : memref<1x8192xf32, #tpu.memory_space<hbm>> -> memref<8192xf32, #tpu.memory_space<hbm>>
    %dma_wait3A_56 = tpu.memref_slice %arg2[%dma_wait3A_53, %add3A_6] : memref<4x2097152xf32, #tpu.memory_space<hbm>> -> memref<1x8192xf32, #tpu.memory_space<hbm>>
    %dma_wait3A_57 = tpu.memref_squeeze %dma_wait3A_56 : memref<1x8192xf32, #tpu.memory_space<hbm>> -> memref<8192xf32, #tpu.memory_space<hbm>>
    tpu.wait_dma2 semaphore(%arg20 : memref<!tpu.dma_semaphore, #tpu.memory_space<semaphore_mem>>) src(%dma_wait3A_57 : memref<8192xf32, #tpu.memory_space<hbm>>) dst(%arg6 : memref<8192xf32, #tpu.memory_space<vmem>>)
    %dma_wait3A_58 = arith.constant 1 : i32
    %dma_wait3A_59 = tpu.memref_slice %arg2[%dma_wait3A_58, %add3A_6] : memref<4x2097152xf32, #tpu.memory_space<hbm>> -> memref<1x8192xf32, #tpu.memory_space<hbm>>
    %dma_wait3A_60 = tpu.memref_squeeze %dma_wait3A_59 : memref<1x8192xf32, #tpu.memory_space<hbm>> -> memref<8192xf32, #tpu.memory_space<hbm>>
    %dma_wait3A_61 = tpu.memref_slice %arg2[%dma_wait3A_58, %add3A_6] : memref<4x2097152xf32, #tpu.memory_space<hbm>> -> memref<1x8192xf32, #tpu.memory_space<hbm>>
    %dma_wait3A_62 = tpu.memref_squeeze %dma_wait3A_61 : memref<1x8192xf32, #tpu.memory_space<hbm>> -> memref<8192xf32, #tpu.memory_space<hbm>>
    tpu.wait_dma2 semaphore(%arg20 : memref<!tpu.dma_semaphore, #tpu.memory_space<semaphore_mem>>) src(%dma_wait3A_62 : memref<8192xf32, #tpu.memory_space<hbm>>) dst(%arg7 : memref<8192xf32, #tpu.memory_space<vmem>>)
    %dma_wait3A_63 = arith.constant 2 : i32
    %dma_wait3A_64 = tpu.memref_slice %arg2[%dma_wait3A_63, %add3A_6] : memref<4x2097152xf32, #tpu.memory_space<hbm>> -> memref<1x8192xf32, #tpu.memory_space<hbm>>
    %dma_wait3A_65 = tpu.memref_squeeze %dma_wait3A_64 : memref<1x8192xf32, #tpu.memory_space<hbm>> -> memref<8192xf32, #tpu.memory_space<hbm>>
    %dma_wait3A_66 = tpu.memref_slice %arg2[%dma_wait3A_63, %add3A_6] : memref<4x2097152xf32, #tpu.memory_space<hbm>> -> memref<1x8192xf32, #tpu.memory_space<hbm>>
    %dma_wait3A_67 = tpu.memref_squeeze %dma_wait3A_66 : memref<1x8192xf32, #tpu.memory_space<hbm>> -> memref<8192xf32, #tpu.memory_space<hbm>>
    tpu.wait_dma2 semaphore(%arg20 : memref<!tpu.dma_semaphore, #tpu.memory_space<semaphore_mem>>) src(%dma_wait3A_67 : memref<8192xf32, #tpu.memory_space<hbm>>) dst(%arg8 : memref<8192xf32, #tpu.memory_space<vmem>>)
    %dma_wait3A_68 = arith.constant 3 : i32
    %dma_wait3A_69 = tpu.memref_slice %arg2[%dma_wait3A_68, %add3A_6] : memref<4x2097152xf32, #tpu.memory_space<hbm>> -> memref<1x8192xf32, #tpu.memory_space<hbm>>
    %dma_wait3A_70 = tpu.memref_squeeze %dma_wait3A_69 : memref<1x8192xf32, #tpu.memory_space<hbm>> -> memref<8192xf32, #tpu.memory_space<hbm>>
    %dma_wait3A_71 = tpu.memref_slice %arg2[%dma_wait3A_68, %add3A_6] : memref<4x2097152xf32, #tpu.memory_space<hbm>> -> memref<1x8192xf32, #tpu.memory_space<hbm>>
    %dma_wait3A_72 = tpu.memref_squeeze %dma_wait3A_71 : memref<1x8192xf32, #tpu.memory_space<hbm>> -> memref<8192xf32, #tpu.memory_space<hbm>>
    tpu.wait_dma2 semaphore(%arg20 : memref<!tpu.dma_semaphore, #tpu.memory_space<semaphore_mem>>) src(%dma_wait3A_72 : memref<8192xf32, #tpu.memory_space<hbm>>) dst(%arg9 : memref<8192xf32, #tpu.memory_space<vmem>>)
    %scan3A = arith.constant 0 : i32
    %scan3A_73 = arith.constant 512 : i32
    %scan3A_74 = arith.addi %scan3A, %scan3A_73 : i32
    %scan3A_75 = arith.constant 1 : i32
    scf.for %scan3A_746 = %scan3A to %scan3A_74 step %scan3A_75  : i32 {
      %mul3A_747 = arith.constant 16 : i32
      %mul3A_748 = arith.muli %scan3A_746, %mul3A_747 : i32
      %add3A_749 = arith.constant 0 : i32
      %add3A_750 = arith.addi %add3A_749, %mul3A_748 : i32
      %get3A = arith.index_cast %add3A_750 : i32 to index
      %get3A_751 = tpu.vector_load %arg5[%get3A] {strides = array<i32>} : memref<8192xf32, #tpu.memory_space<vmem>>, vector<16xf32>,
      %get3A_752 = vector.shape_cast %get3A_751 : vector<16xf32> to vector<16xf32>
      %get3A_753 = arith.index_cast %add3A_750 : i32 to index
      %get3A_754 = tpu.vector_load %arg6[%get3A_753] {strides = array<i32>} : memref<8192xf32, #tpu.memory_space<vmem>>, vector<16xf32>,
      %get3A_755 = vector.shape_cast %get3A_754 : vector<16xf32> to vector<16xf32>
      %add3A_756 = arith.addf %get3A_755, %get3A_752 : vector<16xf32>
      %swap3A = arith.index_cast %add3A_750 : i32 to index
      %swap3A_757 = tpu.vector_load %arg6[%swap3A] {strides = array<i32>} : memref<8192xf32, #tpu.memory_space<vmem>>, vector<16xf32>,
      %swap3A_758 = vector.shape_cast %swap3A_757 : vector<16xf32> to vector<16xf32>
      %swap3A_759 = vector.shape_cast %add3A_756 : vector<16xf32> to vector<16xf32>
      tpu.vector_store %arg6[%swap3A], %swap3A_759 {strides = array<i32>} : memref<8192xf32, #tpu.memory_space<vmem>>, vector<16xf32>,
      %get3A_760 = arith.index_cast %add3A_750 : i32 to index
      %get3A_761 = tpu.vector_load %arg7[%get3A_760] {strides = array<i32>} : memref<8192xf32, #tpu.memory_space<vmem>>, vector<16xf32>,
      %get3A_762 = vector.shape_cast %get3A_761 : vector<16xf32> to vector<16xf32>
      %add3A_763 = arith.addf %get3A_762, %get3A_752 : vector<16xf32>
      %swap3A_764 = arith.index_cast %add3A_750 : i32 to index
      %swap3A_765 = tpu.vector_load %arg7[%swap3A_764] {strides = array<i32>} : memref<8192xf32, #tpu.memory_space<vmem>>, vector<16xf32>,
      %swap3A_766 = vector.shape_cast %swap3A_765 : vector<16xf32> to vector<16xf32>
      %swap3A_767 = vector.shape_cast %add3A_763 : vector<16xf32> to vector<16xf32>
      tpu.vector_store %arg7[%swap3A_764], %swap3A_767 {strides = array<i32>} : memref<8192xf32, #tpu.memory_space<vmem>>, vector<16xf32>,
      %get3A_768 = arith.index_cast %add3A_750 : i32 to index
      %get3A_769 = tpu.vector_load %arg8[%get3A_768] {strides = array<i32>} : memref<8192xf32, #tpu.memory_space<vmem>>, vector<16xf32>,
      %get3A_770 = vector.shape_cast %get3A_769 : vector<16xf32> to vector<16xf32>
      %add3A_771 = arith.addf %get3A_770, %get3A_752 : vector<16xf32>
      %swap3A_772 = arith.index_cast %add3A_750 : i32 to index
      %swap3A_773 = tpu.vector_load %arg8[%swap3A_772] {strides = array<i32>} : memref<8192xf32, #tpu.memory_space<vmem>>, vector<16xf32>,
      %swap3A_774 = vector.shape_cast %swap3A_773 : vector<16xf32> to vector<16xf32>
      %swap3A_775 = vector.shape_cast %add3A_771 : vector<16xf32> to vector<16xf32>
      tpu.vector_store %arg8[%swap3A_772], %swap3A_775 {strides = array<i32>} : memref<8192xf32, #tpu.memory_space<vmem>>, vector<16xf32>,
      %get3A_776 = arith.index_cast %add3A_750 : i32 to index
      %get3A_777 = tpu.vector_load %arg9[%get3A_776] {strides = array<i32>} : memref<8192xf32, #tpu.memory_space<vmem>>, vector<16xf32>,
      %get3A_778 = vector.shape_cast %get3A_777 : vector<16xf32> to vector<16xf32>
      %add3A_779 = arith.addf %get3A_778, %get3A_752 : vector<16xf32>
      %swap3A_780 = arith.index_cast %add3A_750 : i32 to index
      %swap3A_781 = tpu.vector_load %arg9[%swap3A_780] {strides = array<i32>} : memref<8192xf32, #tpu.memory_space<vmem>>, vector<16xf32>,
      %swap3A_782 = vector.shape_cast %swap3A_781 : vector<16xf32> to vector<16xf32>
      %swap3A_783 = vector.shape_cast %add3A_779 : vector<16xf32> to vector<16xf32>
      tpu.vector_store %arg9[%swap3A_780], %swap3A_783 {strides = array<i32>} : memref<8192xf32, #tpu.memory_space<vmem>>, vector<16xf32>,
    }
    %scan3A_76 = arith.constant 512 : i32
    %add3A_77 = arith.constant 0 : i32
    %add3A_78 = arith.addi %mul3A_4, %add3A_77 : i32
    %dma_start3A_79 = arith.constant 0 : i32
    %dma_start3A_80 = tpu.memref_slice %arg4[%dma_start3A_79, %add3A_78] : memref<4x2097152xf32, #tpu.memory_space<hbm>> -> memref<1x8192xf32, #tpu.memory_space<hbm>>
    %dma_start3A_81 = tpu.memref_squeeze %dma_start3A_80 : memref<1x8192xf32, #tpu.memory_space<hbm>> -> memref<8192xf32, #tpu.memory_space<hbm>>
    %dma_start3A_82 = tpu.memref_slice %arg4[%dma_start3A_79, %add3A_78] : memref<4x2097152xf32, #tpu.memory_space<hbm>> -> memref<1x8192xf32, #tpu.memory_space<hbm>>
    %dma_start3A_83 = tpu.memref_squeeze %dma_start3A_82 : memref<1x8192xf32, #tpu.memory_space<hbm>> -> memref<8192xf32, #tpu.memory_space<hbm>>
    tpu.enqueue_dma source(%arg6 : memref<8192xf32, #tpu.memory_space<vmem>>) target(%dma_start3A_83 : memref<8192xf32, #tpu.memory_space<hbm>>) target_semaphore(%arg23 : memref<!tpu.dma_semaphore, #tpu.memory_space<semaphore_mem>>)
    %dma_start3A_84 = arith.constant 1 : i32
    %dma_start3A_85 = tpu.memref_slice %arg4[%dma_start3A_84, %add3A_78] : memref<4x2097152xf32, #tpu.memory_space<hbm>> -> memref<1x8192xf32, #tpu.memory_space<hbm>>
    %dma_start3A_86 = tpu.memref_squeeze %dma_start3A_85 : memref<1x8192xf32, #tpu.memory_space<hbm>> -> memref<8192xf32, #tpu.memory_space<hbm>>
    %dma_start3A_87 = tpu.memref_slice %arg4[%dma_start3A_84, %add3A_78] : memref<4x2097152xf32, #tpu.memory_space<hbm>> -> memref<1x8192xf32, #tpu.memory_space<hbm>>
    %dma_start3A_88 = tpu.memref_squeeze %dma_start3A_87 : memref<1x8192xf32, #tpu.memory_space<hbm>> -> memref<8192xf32, #tpu.memory_space<hbm>>
    tpu.enqueue_dma source(%arg7 : memref<8192xf32, #tpu.memory_space<vmem>>) target(%dma_start3A_88 : memref<8192xf32, #tpu.memory_space<hbm>>) target_semaphore(%arg23 : memref<!tpu.dma_semaphore, #tpu.memory_space<semaphore_mem>>)
    %dma_start3A_89 = arith.constant 2 : i32
    %dma_start3A_90 = tpu.memref_slice %arg4[%dma_start3A_89, %add3A_78] : memref<4x2097152xf32, #tpu.memory_space<hbm>> -> memref<1x8192xf32, #tpu.memory_space<hbm>>
    %dma_start3A_91 = tpu.memref_squeeze %dma_start3A_90 : memref<1x8192xf32, #tpu.memory_space<hbm>> -> memref<8192xf32, #tpu.memory_space<hbm>>
    %dma_start3A_92 = tpu.memref_slice %arg4[%dma_start3A_89, %add3A_78] : memref<4x2097152xf32, #tpu.memory_space<hbm>> -> memref<1x8192xf32, #tpu.memory_space<hbm>>
    %dma_start3A_93 = tpu.memref_squeeze %dma_start3A_92 : memref<1x8192xf32, #tpu.memory_space<hbm>> -> memref<8192xf32, #tpu.memory_space<hbm>>
    tpu.enqueue_dma source(%arg8 : memref<8192xf32, #tpu.memory_space<vmem>>) target(%dma_start3A_93 : memref<8192xf32, #tpu.memory_space<hbm>>) target_semaphore(%arg23 : memref<!tpu.dma_semaphore, #tpu.memory_space<semaphore_mem>>)
    %dma_start3A_94 = arith.constant 3 : i32
    %dma_start3A_95 = tpu.memref_slice %arg4[%dma_start3A_94, %add3A_78] : memref<4x2097152xf32, #tpu.memory_space<hbm>> -> memref<1x8192xf32, #tpu.memory_space<hbm>>
    %dma_start3A_96 = tpu.memref_squeeze %dma_start3A_95 : memref<1x8192xf32, #tpu.memory_space<hbm>> -> memref<8192xf32, #tpu.memory_space<hbm>>
    %dma_start3A_97 = tpu.memref_slice %arg4[%dma_start3A_94, %add3A_78] : memref<4x2097152xf32, #tpu.memory_space<hbm>> -> memref<1x8192xf32, #tpu.memory_space<hbm>>
    %dma_start3A_98 = tpu.memref_squeeze %dma_start3A_97 : memref<1x8192xf32, #tpu.memory_space<hbm>> -> memref<8192xf32, #tpu.memory_space<hbm>>
    tpu.enqueue_dma source(%arg9 : memref<8192xf32, #tpu.memory_space<vmem>>) target(%dma_start3A_98 : memref<8192xf32, #tpu.memory_space<hbm>>) target_semaphore(%arg23 : memref<!tpu.dma_semaphore, #tpu.memory_space<semaphore_mem>>)
    %add3A_99 = arith.constant 16384 : i32
    %add3A_100 = arith.addi %mul3A_4, %add3A_99 : i32
    %dma_start3A_101 = tpu.memref_slice %arg3[%add3A_100] : memref<2097152xf32, #tpu.memory_space<hbm>> -> memref<8192xf32, #tpu.memory_space<hbm>>
    %dma_start3A_102 = tpu.memref_slice %arg3[%add3A_100] : memref<2097152xf32, #tpu.memory_space<hbm>> -> memref<8192xf32, #tpu.memory_space<hbm>>
    tpu.enqueue_dma source(%dma_start3A_102 : memref<8192xf32, #tpu.memory_space<hbm>>) target(%arg15 : memref<8192xf32, #tpu.memory_space<vmem>>) target_semaphore(%arg22 : memref<!tpu.dma_semaphore, #tpu.memory_space<semaphore_mem>>)
    %dma_start3A_103 = arith.constant 0 : i32
    %dma_start3A_104 = tpu.memref_slice %arg2[%dma_start3A_103, %add3A_100] : memref<4x2097152xf32, #tpu.memory_space<hbm>> -> memref<1x8192xf32, #tpu.memory_space<hbm>>
    %dma_start3A_105 = tpu.memref_squeeze %dma_start3A_104 : memref<1x8192xf32, #tpu.memory_space<hbm>> -> memref<8192xf32, #tpu.memory_space<hbm>>
    %dma_start3A_106 = tpu.memref_slice %arg2[%dma_start3A_103, %add3A_100] : memref<4x2097152xf32, #tpu.memory_space<hbm>> -> memref<1x8192xf32, #tpu.memory_space<hbm>>
    %dma_start3A_107 = tpu.memref_squeeze %dma_start3A_106 : memref<1x8192xf32, #tpu.memory_space<hbm>> -> memref<8192xf32, #tpu.memory_space<hbm>>
    tpu.enqueue_dma source(%dma_start3A_107 : memref<8192xf32, #tpu.memory_space<hbm>>) target(%arg16 : memref<8192xf32, #tpu.memory_space<vmem>>) target_semaphore(%arg22 : memref<!tpu.dma_semaphore, #tpu.memory_space<semaphore_mem>>)
    %dma_start3A_108 = arith.constant 1 : i32
    %dma_start3A_109 = tpu.memref_slice %arg2[%dma_start3A_108, %add3A_100] : memref<4x2097152xf32, #tpu.memory_space<hbm>> -> memref<1x8192xf32, #tpu.memory_space<hbm>>
    %dma_start3A_110 = tpu.memref_squeeze %dma_start3A_109 : memref<1x8192xf32, #tpu.memory_space<hbm>> -> memref<8192xf32, #tpu.memory_space<hbm>>
    %dma_start3A_111 = tpu.memref_slice %arg2[%dma_start3A_108, %add3A_100] : memref<4x2097152xf32, #tpu.memory_space<hbm>> -> memref<1x8192xf32, #tpu.memory_space<hbm>>
    %dma_start3A_112 = tpu.memref_squeeze %dma_start3A_111 : memref<1x8192xf32, #tpu.memory_space<hbm>> -> memref<8192xf32, #tpu.memory_space<hbm>>
    tpu.enqueue_dma source(%dma_start3A_112 : memref<8192xf32, #tpu.memory_space<hbm>>) target(%arg17 : memref<8192xf32, #tpu.memory_space<vmem>>) target_semaphore(%arg22 : memref<!tpu.dma_semaphore, #tpu.memory_space<semaphore_mem>>)
    %dma_start3A_113 = arith.constant 2 : i32
    %dma_start3A_114 = tpu.memref_slice %arg2[%dma_start3A_113, %add3A_100] : memref<4x2097152xf32, #tpu.memory_space<hbm>> -> memref<1x8192xf32, #tpu.memory_space<hbm>>
    %dma_start3A_115 = tpu.memref_squeeze %dma_start3A_114 : memref<1x8192xf32, #tpu.memory_space<hbm>> -> memref<8192xf32, #tpu.memory_space<hbm>>
    %dma_start3A_116 = tpu.memref_slice %arg2[%dma_start3A_113, %add3A_100] : memref<4x2097152xf32, #tpu.memory_space<hbm>> -> memref<1x8192xf32, #tpu.memory_space<hbm>>
    %dma_start3A_117 = tpu.memref_squeeze %dma_start3A_116 : memref<1x8192xf32, #tpu.memory_space<hbm>> -> memref<8192xf32, #tpu.memory_space<hbm>>
    tpu.enqueue_dma source(%dma_start3A_117 : memref<8192xf32, #tpu.memory_space<hbm>>) target(%arg18 : memref<8192xf32, #tpu.memory_space<vmem>>) target_semaphore(%arg22 : memref<!tpu.dma_semaphore, #tpu.memory_space<semaphore_mem>>)
    %dma_start3A_118 = arith.constant 3 : i32
    %dma_start3A_119 = tpu.memref_slice %arg2[%dma_start3A_118, %add3A_100] : memref<4x2097152xf32, #tpu.memory_space<hbm>> -> memref<1x8192xf32, #tpu.memory_space<hbm>>
    %dma_start3A_120 = tpu.memref_squeeze %dma_start3A_119 : memref<1x8192xf32, #tpu.memory_space<hbm>> -> memref<8192xf32, #tpu.memory_space<hbm>>
    %dma_start3A_121 = tpu.memref_slice %arg2[%dma_start3A_118, %add3A_100] : memref<4x2097152xf32, #tpu.memory_space<hbm>> -> memref<1x8192xf32, #tpu.memory_space<hbm>>
    %dma_start3A_122 = tpu.memref_squeeze %dma_start3A_121 : memref<1x8192xf32, #tpu.memory_space<hbm>> -> memref<8192xf32, #tpu.memory_space<hbm>>
    tpu.enqueue_dma source(%dma_start3A_122 : memref<8192xf32, #tpu.memory_space<hbm>>) target(%arg19 : memref<8192xf32, #tpu.memory_space<vmem>>) target_semaphore(%arg22 : memref<!tpu.dma_semaphore, #tpu.memory_space<semaphore_mem>>)
    %dma_wait3A_123 = tpu.memref_slice %arg3[%add3A_29] : memref<2097152xf32, #tpu.memory_space<hbm>> -> memref<8192xf32, #tpu.memory_space<hbm>>
    %dma_wait3A_124 = tpu.memref_slice %arg3[%add3A_29] : memref<2097152xf32, #tpu.memory_space<hbm>> -> memref<8192xf32, #tpu.memory_space<hbm>>
    tpu.wait_dma2 semaphore(%arg21 : memref<!tpu.dma_semaphore, #tpu.memory_space<semaphore_mem>>) src(%dma_wait3A_124 : memref<8192xf32, #tpu.memory_space<hbm>>) dst(%arg10 : memref<8192xf32, #tpu.memory_space<vmem>>)
    %dma_wait3A_125 = arith.constant 0 : i32
    %dma_wait3A_126 = tpu.memref_slice %arg2[%dma_wait3A_125, %add3A_29] : memref<4x2097152xf32, #tpu.memory_space<hbm>> -> memref<1x8192xf32, #tpu.memory_space<hbm>>
    %dma_wait3A_127 = tpu.memref_squeeze %dma_wait3A_126 : memref<1x8192xf32, #tpu.memory_space<hbm>> -> memref<8192xf32, #tpu.memory_space<hbm>>
    %dma_wait3A_128 = tpu.memref_slice %arg2[%dma_wait3A_125, %add3A_29] : memref<4x2097152xf32, #tpu.memory_space<hbm>> -> memref<1x8192xf32, #tpu.memory_space<hbm>>
    %dma_wait3A_129 = tpu.memref_squeeze %dma_wait3A_128 : memref<1x8192xf32, #tpu.memory_space<hbm>> -> memref<8192xf32, #tpu.memory_space<hbm>>
    tpu.wait_dma2 semaphore(%arg21 : memref<!tpu.dma_semaphore, #tpu.memory_space<semaphore_mem>>) src(%dma_wait3A_129 : memref<8192xf32, #tpu.memory_space<hbm>>) dst(%arg11 : memref<8192xf32, #tpu.memory_space<vmem>>)
    %dma_wait3A_130 = arith.constant 1 : i32
    %dma_wait3A_131 = tpu.memref_slice %arg2[%dma_wait3A_130, %add3A_29] : memref<4x2097152xf32, #tpu.memory_space<hbm>> -> memref<1x8192xf32, #tpu.memory_space<hbm>>
    %dma_wait3A_132 = tpu.memref_squeeze %dma_wait3A_131 : memref<1x8192xf32, #tpu.memory_space<hbm>> -> memref<8192xf32, #tpu.memory_space<hbm>>
    %dma_wait3A_133 = tpu.memref_slice %arg2[%dma_wait3A_130, %add3A_29] : memref<4x2097152xf32, #tpu.memory_space<hbm>> -> memref<1x8192xf32, #tpu.memory_space<hbm>>
    %dma_wait3A_134 = tpu.memref_squeeze %dma_wait3A_133 : memref<1x8192xf32, #tpu.memory_space<hbm>> -> memref<8192xf32, #tpu.memory_space<hbm>>
    tpu.wait_dma2 semaphore(%arg21 : memref<!tpu.dma_semaphore, #tpu.memory_space<semaphore_mem>>) src(%dma_wait3A_134 : memref<8192xf32, #tpu.memory_space<hbm>>) dst(%arg12 : memref<8192xf32, #tpu.memory_space<vmem>>)
    %dma_wait3A_135 = arith.constant 2 : i32
    %dma_wait3A_136 = tpu.memref_slice %arg2[%dma_wait3A_135, %add3A_29] : memref<4x2097152xf32, #tpu.memory_space<hbm>> -> memref<1x8192xf32, #tpu.memory_space<hbm>>
    %dma_wait3A_137 = tpu.memref_squeeze %dma_wait3A_136 : memref<1x8192xf32, #tpu.memory_space<hbm>> -> memref<8192xf32, #tpu.memory_space<hbm>>
    %dma_wait3A_138 = tpu.memref_slice %arg2[%dma_wait3A_135, %add3A_29] : memref<4x2097152xf32, #tpu.memory_space<hbm>> -> memref<1x8192xf32, #tpu.memory_space<hbm>>
    %dma_wait3A_139 = tpu.memref_squeeze %dma_wait3A_138 : memref<1x8192xf32, #tpu.memory_space<hbm>> -> memref<8192xf32, #tpu.memory_space<hbm>>
    tpu.wait_dma2 semaphore(%arg21 : memref<!tpu.dma_semaphore, #tpu.memory_space<semaphore_mem>>) src(%dma_wait3A_139 : memref<8192xf32, #tpu.memory_space<hbm>>) dst(%arg13 : memref<8192xf32, #tpu.memory_space<vmem>>)
    %dma_wait3A_140 = arith.constant 3 : i32
    %dma_wait3A_141 = tpu.memref_slice %arg2[%dma_wait3A_140, %add3A_29] : memref<4x2097152xf32, #tpu.memory_space<hbm>> -> memref<1x8192xf32, #tpu.memory_space<hbm>>
    %dma_wait3A_142 = tpu.memref_squeeze %dma_wait3A_141 : memref<1x8192xf32, #tpu.memory_space<hbm>> -> memref<8192xf32, #tpu.memory_space<hbm>>
    %dma_wait3A_143 = tpu.memref_slice %arg2[%dma_wait3A_140, %add3A_29] : memref<4x2097152xf32, #tpu.memory_space<hbm>> -> memref<1x8192xf32, #tpu.memory_space<hbm>>
    %dma_wait3A_144 = tpu.memref_squeeze %dma_wait3A_143 : memref<1x8192xf32, #tpu.memory_space<hbm>> -> memref<8192xf32, #tpu.memory_space<hbm>>
    tpu.wait_dma2 semaphore(%arg21 : memref<!tpu.dma_semaphore, #tpu.memory_space<semaphore_mem>>) src(%dma_wait3A_144 : memref<8192xf32, #tpu.memory_space<hbm>>) dst(%arg14 : memref<8192xf32, #tpu.memory_space<vmem>>)
    %scan3A_145 = arith.constant 0 : i32
    %scan3A_146 = arith.constant 512 : i32
    %scan3A_147 = arith.addi %scan3A_145, %scan3A_146 : i32
    %scan3A_148 = arith.constant 1 : i32
    scf.for %scan3A_746 = %scan3A_145 to %scan3A_147 step %scan3A_148  : i32 {
      %mul3A_747 = arith.constant 16 : i32
      %mul3A_748 = arith.muli %scan3A_746, %mul3A_747 : i32
      %add3A_749 = arith.constant 0 : i32
      %add3A_750 = arith.addi %add3A_749, %mul3A_748 : i32
      %get3A = arith.index_cast %add3A_750 : i32 to index
      %get3A_751 = tpu.vector_load %arg10[%get3A] {strides = array<i32>} : memref<8192xf32, #tpu.memory_space<vmem>>, vector<16xf32>,
      %get3A_752 = vector.shape_cast %get3A_751 : vector<16xf32> to vector<16xf32>
      %get3A_753 = arith.index_cast %add3A_750 : i32 to index
      %get3A_754 = tpu.vector_load %arg11[%get3A_753] {strides = array<i32>} : memref<8192xf32, #tpu.memory_space<vmem>>, vector<16xf32>,
      %get3A_755 = vector.shape_cast %get3A_754 : vector<16xf32> to vector<16xf32>
      %add3A_756 = arith.addf %get3A_755, %get3A_752 : vector<16xf32>
      %swap3A = arith.index_cast %add3A_750 : i32 to index
      %swap3A_757 = tpu.vector_load %arg11[%swap3A] {strides = array<i32>} : memref<8192xf32, #tpu.memory_space<vmem>>, vector<16xf32>,
      %swap3A_758 = vector.shape_cast %swap3A_757 : vector<16xf32> to vector<16xf32>
      %swap3A_759 = vector.shape_cast %add3A_756 : vector<16xf32> to vector<16xf32>
      tpu.vector_store %arg11[%swap3A], %swap3A_759 {strides = array<i32>} : memref<8192xf32, #tpu.memory_space<vmem>>, vector<16xf32>,
      %get3A_760 = arith.index_cast %add3A_750 : i32 to index
      %get3A_761 = tpu.vector_load %arg12[%get3A_760] {strides = array<i32>} : memref<8192xf32, #tpu.memory_space<vmem>>, vector<16xf32>,
      %get3A_762 = vector.shape_cast %get3A_761 : vector<16xf32> to vector<16xf32>
      %add3A_763 = arith.addf %get3A_762, %get3A_752 : vector<16xf32>
      %swap3A_764 = arith.index_cast %add3A_750 : i32 to index
      %swap3A_765 = tpu.vector_load %arg12[%swap3A_764] {strides = array<i32>} : memref<8192xf32, #tpu.memory_space<vmem>>, vector<16xf32>,
      %swap3A_766 = vector.shape_cast %swap3A_765 : vector<16xf32> to vector<16xf32>
      %swap3A_767 = vector.shape_cast %add3A_763 : vector<16xf32> to vector<16xf32>
      tpu.vector_store %arg12[%swap3A_764], %swap3A_767 {strides = array<i32>} : memref<8192xf32, #tpu.memory_space<vmem>>, vector<16xf32>,
      %get3A_768 = arith.index_cast %add3A_750 : i32 to index
      %get3A_769 = tpu.vector_load %arg13[%get3A_768] {strides = array<i32>} : memref<8192xf32, #tpu.memory_space<vmem>>, vector<16xf32>,
      %get3A_770 = vector.shape_cast %get3A_769 : vector<16xf32> to vector<16xf32>
      %add3A_771 = arith.addf %get3A_770, %get3A_752 : vector<16xf32>
      %swap3A_772 = arith.index_cast %add3A_750 : i32 to index
      %swap3A_773 = tpu.vector_load %arg13[%swap3A_772] {strides = array<i32>} : memref<8192xf32, #tpu.memory_space<vmem>>, vector<16xf32>,
      %swap3A_774 = vector.shape_cast %swap3A_773 : vector<16xf32> to vector<16xf32>
      %swap3A_775 = vector.shape_cast %add3A_771 : vector<16xf32> to vector<16xf32>
      tpu.vector_store %arg13[%swap3A_772], %swap3A_775 {strides = array<i32>} : memref<8192xf32, #tpu.memory_space<vmem>>, vector<16xf32>,
      %get3A_776 = arith.index_cast %add3A_750 : i32 to index
      %get3A_777 = tpu.vector_load %arg14[%get3A_776] {strides = array<i32>} : memref<8192xf32, #tpu.memory_space<vmem>>, vector<16xf32>,
      %get3A_778 = vector.shape_cast %get3A_777 : vector<16xf32> to vector<16xf32>
      %add3A_779 = arith.addf %get3A_778, %get3A_752 : vector<16xf32>
      %swap3A_780 = arith.index_cast %add3A_750 : i32 to index
      %swap3A_781 = tpu.vector_load %arg14[%swap3A_780] {strides = array<i32>} : memref<8192xf32, #tpu.memory_space<vmem>>, vector<16xf32>,
      %swap3A_782 = vector.shape_cast %swap3A_781 : vector<16xf32> to vector<16xf32>
      %swap3A_783 = vector.shape_cast %add3A_779 : vector<16xf32> to vector<16xf32>
      tpu.vector_store %arg14[%swap3A_780], %swap3A_783 {strides = array<i32>} : memref<8192xf32, #tpu.memory_space<vmem>>, vector<16xf32>,
    }
    %scan3A_149 = arith.constant 512 : i32
    %add3A_150 = arith.constant 8192 : i32
    %add3A_151 = arith.addi %mul3A_4, %add3A_150 : i32
    %dma_start3A_152 = arith.constant 0 : i32
    %dma_start3A_153 = tpu.memref_slice %arg4[%dma_start3A_152, %add3A_151] : memref<4x2097152xf32, #tpu.memory_space<hbm>> -> memref<1x8192xf32, #tpu.memory_space<hbm>>
    %dma_start3A_154 = tpu.memref_squeeze %dma_start3A_153 : memref<1x8192xf32, #tpu.memory_space<hbm>> -> memref<8192xf32, #tpu.memory_space<hbm>>
    %dma_start3A_155 = tpu.memref_slice %arg4[%dma_start3A_152, %add3A_151] : memref<4x2097152xf32, #tpu.memory_space<hbm>> -> memref<1x8192xf32, #tpu.memory_space<hbm>>
    %dma_start3A_156 = tpu.memref_squeeze %dma_start3A_155 : memref<1x8192xf32, #tpu.memory_space<hbm>> -> memref<8192xf32, #tpu.memory_space<hbm>>
    tpu.enqueue_dma source(%arg11 : memref<8192xf32, #tpu.memory_space<vmem>>) target(%dma_start3A_156 : memref<8192xf32, #tpu.memory_space<hbm>>) target_semaphore(%arg24 : memref<!tpu.dma_semaphore, #tpu.memory_space<semaphore_mem>>)
    %dma_start3A_157 = arith.constant 1 : i32
    %dma_start3A_158 = tpu.memref_slice %arg4[%dma_start3A_157, %add3A_151] : memref<4x2097152xf32, #tpu.memory_space<hbm>> -> memref<1x8192xf32, #tpu.memory_space<hbm>>
    %dma_start3A_159 = tpu.memref_squeeze %dma_start3A_158 : memref<1x8192xf32, #tpu.memory_space<hbm>> -> memref<8192xf32, #tpu.memory_space<hbm>>
    %dma_start3A_160 = tpu.memref_slice %arg4[%dma_start3A_157, %add3A_151] : memref<4x2097152xf32, #tpu.memory_space<hbm>> -> memref<1x8192xf32, #tpu.memory_space<hbm>>
    %dma_start3A_161 = tpu.memref_squeeze %dma_start3A_160 : memref<1x8192xf32, #tpu.memory_space<hbm>> -> memref<8192xf32, #tpu.memory_space<hbm>>
    tpu.enqueue_dma source(%arg12 : memref<8192xf32, #tpu.memory_space<vmem>>) target(%dma_start3A_161 : memref<8192xf32, #tpu.memory_space<hbm>>) target_semaphore(%arg24 : memref<!tpu.dma_semaphore, #tpu.memory_space<semaphore_mem>>)
    %dma_start3A_162 = arith.constant 2 : i32
    %dma_start3A_163 = tpu.memref_slice %arg4[%dma_start3A_162, %add3A_151] : memref<4x2097152xf32, #tpu.memory_space<hbm>> -> memref<1x8192xf32, #tpu.memory_space<hbm>>
    %dma_start3A_164 = tpu.memref_squeeze %dma_start3A_163 : memref<1x8192xf32, #tpu.memory_space<hbm>> -> memref<8192xf32, #tpu.memory_space<hbm>>
    %dma_start3A_165 = tpu.memref_slice %arg4[%dma_start3A_162, %add3A_151] : memref<4x2097152xf32, #tpu.memory_space<hbm>> -> memref<1x8192xf32, #tpu.memory_space<hbm>>
    %dma_start3A_166 = tpu.memref_squeeze %dma_start3A_165 : memref<1x8192xf32, #tpu.memory_space<hbm>> -> memref<8192xf32, #tpu.memory_space<hbm>>
    tpu.enqueue_dma source(%arg13 : memref<8192xf32, #tpu.memory_space<vmem>>) target(%dma_start3A_166 : memref<8192xf32, #tpu.memory_space<hbm>>) target_semaphore(%arg24 : memref<!tpu.dma_semaphore, #tpu.memory_space<semaphore_mem>>)
    %dma_start3A_167 = arith.constant 3 : i32
    %dma_start3A_168 = tpu.memref_slice %arg4[%dma_start3A_167, %add3A_151] : memref<4x2097152xf32, #tpu.memory_space<hbm>> -> memref<1x8192xf32, #tpu.memory_space<hbm>>
    %dma_start3A_169 = tpu.memref_squeeze %dma_start3A_168 : memref<1x8192xf32, #tpu.memory_space<hbm>> -> memref<8192xf32, #tpu.memory_space<hbm>>
    %dma_start3A_170 = tpu.memref_slice %arg4[%dma_start3A_167, %add3A_151] : memref<4x2097152xf32, #tpu.memory_space<hbm>> -> memref<1x8192xf32, #tpu.memory_space<hbm>>
    %dma_start3A_171 = tpu.memref_squeeze %dma_start3A_170 : memref<1x8192xf32, #tpu.memory_space<hbm>> -> memref<8192xf32, #tpu.memory_space<hbm>>
    tpu.enqueue_dma source(%arg14 : memref<8192xf32, #tpu.memory_space<vmem>>) target(%dma_start3A_171 : memref<8192xf32, #tpu.memory_space<hbm>>) target_semaphore(%arg24 : memref<!tpu.dma_semaphore, #tpu.memory_space<semaphore_mem>>)
    %dma_wait3A_172 = arith.constant 0 : i32
    %dma_wait3A_173 = tpu.memref_slice %arg4[%dma_wait3A_172, %add3A_78] : memref<4x2097152xf32, #tpu.memory_space<hbm>> -> memref<1x8192xf32, #tpu.memory_space<hbm>>
    %dma_wait3A_174 = tpu.memref_squeeze %dma_wait3A_173 : memref<1x8192xf32, #tpu.memory_space<hbm>> -> memref<8192xf32, #tpu.memory_space<hbm>>
    %dma_wait3A_175 = tpu.memref_slice %arg4[%dma_wait3A_172, %add3A_78] : memref<4x2097152xf32, #tpu.memory_space<hbm>> -> memref<1x8192xf32, #tpu.memory_space<hbm>>
    %dma_wait3A_176 = tpu.memref_squeeze %dma_wait3A_175 : memref<1x8192xf32, #tpu.memory_space<hbm>> -> memref<8192xf32, #tpu.memory_space<hbm>>
    tpu.wait_dma2 semaphore(%arg23 : memref<!tpu.dma_semaphore, #tpu.memory_space<semaphore_mem>>) src(%arg6 : memref<8192xf32, #tpu.memory_space<vmem>>) dst(%dma_wait3A_176 : memref<8192xf32, #tpu.memory_space<hbm>>)
    %dma_wait3A_177 = arith.constant 1 : i32
    %dma_wait3A_178 = tpu.memref_slice %arg4[%dma_wait3A_177, %add3A_78] : memref<4x2097152xf32, #tpu.memory_space<hbm>> -> memref<1x8192xf32, #tpu.memory_space<hbm>>
    %dma_wait3A_179 = tpu.memref_squeeze %dma_wait3A_178 : memref<1x8192xf32, #tpu.memory_space<hbm>> -> memref<8192xf32, #tpu.memory_space<hbm>>
    %dma_wait3A_180 = tpu.memref_slice %arg4[%dma_wait3A_177, %add3A_78] : memref<4x2097152xf32, #tpu.memory_space<hbm>> -> memref<1x8192xf32, #tpu.memory_space<hbm>>
    %dma_wait3A_181 = tpu.memref_squeeze %dma_wait3A_180 : memref<1x8192xf32, #tpu.memory_space<hbm>> -> memref<8192xf32, #tpu.memory_space<hbm>>
    tpu.wait_dma2 semaphore(%arg23 : memref<!tpu.dma_semaphore, #tpu.memory_space<semaphore_mem>>) src(%arg7 : memref<8192xf32, #tpu.memory_space<vmem>>) dst(%dma_wait3A_181 : memref<8192xf32, #tpu.memory_space<hbm>>)
    %dma_wait3A_182 = arith.constant 2 : i32
    %dma_wait3A_183 = tpu.memref_slice %arg4[%dma_wait3A_182, %add3A_78] : memref<4x2097152xf32, #tpu.memory_space<hbm>> -> memref<1x8192xf32, #tpu.memory_space<hbm>>
    %dma_wait3A_184 = tpu.memref_squeeze %dma_wait3A_183 : memref<1x8192xf32, #tpu.memory_space<hbm>> -> memref<8192xf32, #tpu.memory_space<hbm>>
    %dma_wait3A_185 = tpu.memref_slice %arg4[%dma_wait3A_182, %add3A_78] : memref<4x2097152xf32, #tpu.memory_space<hbm>> -> memref<1x8192xf32, #tpu.memory_space<hbm>>
    %dma_wait3A_186 = tpu.memref_squeeze %dma_wait3A_185 : memref<1x8192xf32, #tpu.memory_space<hbm>> -> memref<8192xf32, #tpu.memory_space<hbm>>
    tpu.wait_dma2 semaphore(%arg23 : memref<!tpu.dma_semaphore, #tpu.memory_space<semaphore_mem>>) src(%arg8 : memref<8192xf32, #tpu.memory_space<vmem>>) dst(%dma_wait3A_186 : memref<8192xf32, #tpu.memory_space<hbm>>)
    %dma_wait3A_187 = arith.constant 3 : i32
    %dma_wait3A_188 = tpu.memref_slice %arg4[%dma_wait3A_187, %add3A_78] : memref<4x2097152xf32, #tpu.memory_space<hbm>> -> memref<1x8192xf32, #tpu.memory_space<hbm>>
    %dma_wait3A_189 = tpu.memref_squeeze %dma_wait3A_188 : memref<1x8192xf32, #tpu.memory_space<hbm>> -> memref<8192xf32, #tpu.memory_space<hbm>>
    %dma_wait3A_190 = tpu.memref_slice %arg4[%dma_wait3A_187, %add3A_78] : memref<4x2097152xf32, #tpu.memory_space<hbm>> -> memref<1x8192xf32, #tpu.memory_space<hbm>>
    %dma_wait3A_191 = tpu.memref_squeeze %dma_wait3A_190 : memref<1x8192xf32, #tpu.memory_space<hbm>> -> memref<8192xf32, #tpu.memory_space<hbm>>
    tpu.wait_dma2 semaphore(%arg23 : memref<!tpu.dma_semaphore, #tpu.memory_space<semaphore_mem>>) src(%arg9 : memref<8192xf32, #tpu.memory_space<vmem>>) dst(%dma_wait3A_191 : memref<8192xf32, #tpu.memory_space<hbm>>)
    %add3A_192 = arith.constant 24576 : i32
    %add3A_193 = arith.addi %mul3A_4, %add3A_192 : i32
    %dma_start3A_194 = tpu.memref_slice %arg3[%add3A_193] : memref<2097152xf32, #tpu.memory_space<hbm>> -> memref<8192xf32, #tpu.memory_space<hbm>>
    %dma_start3A_195 = tpu.memref_slice %arg3[%add3A_193] : memref<2097152xf32, #tpu.memory_space<hbm>> -> memref<8192xf32, #tpu.memory_space<hbm>>
    tpu.enqueue_dma source(%dma_start3A_195 : memref<8192xf32, #tpu.memory_space<hbm>>) target(%arg5 : memref<8192xf32, #tpu.memory_space<vmem>>) target_semaphore(%arg20 : memref<!tpu.dma_semaphore, #tpu.memory_space<semaphore_mem>>)
    %dma_start3A_196 = arith.constant 0 : i32
    %dma_start3A_197 = tpu.memref_slice %arg2[%dma_start3A_196, %add3A_193] : memref<4x2097152xf32, #tpu.memory_space<hbm>> -> memref<1x8192xf32, #tpu.memory_space<hbm>>
    %dma_start3A_198 = tpu.memref_squeeze %dma_start3A_197 : memref<1x8192xf32, #tpu.memory_space<hbm>> -> memref<8192xf32, #tpu.memory_space<hbm>>
    %dma_start3A_199 = tpu.memref_slice %arg2[%dma_start3A_196, %add3A_193] : memref<4x2097152xf32, #tpu.memory_space<hbm>> -> memref<1x8192xf32, #tpu.memory_space<hbm>>
    %dma_start3A_200 = tpu.memref_squeeze %dma_start3A_199 : memref<1x8192xf32, #tpu.memory_space<hbm>> -> memref<8192xf32, #tpu.memory_space<hbm>>
    tpu.enqueue_dma source(%dma_start3A_200 : memref<8192xf32, #tpu.memory_space<hbm>>) target(%arg6 : memref<8192xf32, #tpu.memory_space<vmem>>) target_semaphore(%arg20 : memref<!tpu.dma_semaphore, #tpu.memory_space<semaphore_mem>>)
    %dma_start3A_201 = arith.constant 1 : i32
    %dma_start3A_202 = tpu.memref_slice %arg2[%dma_start3A_201, %add3A_193] : memref<4x2097152xf32, #tpu.memory_space<hbm>> -> memref<1x8192xf32, #tpu.memory_space<hbm>>
    %dma_start3A_203 = tpu.memref_squeeze %dma_start3A_202 : memref<1x8192xf32, #tpu.memory_space<hbm>> -> memref<8192xf32, #tpu.memory_space<hbm>>
    %dma_start3A_204 = tpu.memref_slice %arg2[%dma_start3A_201, %add3A_193] : memref<4x2097152xf32, #tpu.memory_space<hbm>> -> memref<1x8192xf32, #tpu.memory_space<hbm>>
    %dma_start3A_205 = tpu.memref_squeeze %dma_start3A_204 : memref<1x8192xf32, #tpu.memory_space<hbm>> -> memref<8192xf32, #tpu.memory_space<hbm>>
    tpu.enqueue_dma source(%dma_start3A_205 : memref<8192xf32, #tpu.memory_space<hbm>>) target(%arg7 : memref<8192xf32, #tpu.memory_space<vmem>>) target_semaphore(%arg20 : memref<!tpu.dma_semaphore, #tpu.memory_space<semaphore_mem>>)
    %dma_start3A_206 = arith.constant 2 : i32
    %dma_start3A_207 = tpu.memref_slice %arg2[%dma_start3A_206, %add3A_193] : memref<4x2097152xf32, #tpu.memory_space<hbm>> -> memref<1x8192xf32, #tpu.memory_space<hbm>>
    %dma_start3A_208 = tpu.memref_squeeze %dma_start3A_207 : memref<1x8192xf32, #tpu.memory_space<hbm>> -> memref<8192xf32, #tpu.memory_space<hbm>>
    %dma_start3A_209 = tpu.memref_slice %arg2[%dma_start3A_206, %add3A_193] : memref<4x2097152xf32, #tpu.memory_space<hbm>> -> memref<1x8192xf32, #tpu.memory_space<hbm>>
    %dma_start3A_210 = tpu.memref_squeeze %dma_start3A_209 : memref<1x8192xf32, #tpu.memory_space<hbm>> -> memref<8192xf32, #tpu.memory_space<hbm>>
    tpu.enqueue_dma source(%dma_start3A_210 : memref<8192xf32, #tpu.memory_space<hbm>>) target(%arg8 : memref<8192xf32, #tpu.memory_space<vmem>>) target_semaphore(%arg20 : memref<!tpu.dma_semaphore, #tpu.memory_space<semaphore_mem>>)
    %dma_start3A_211 = arith.constant 3 : i32
    %dma_start3A_212 = tpu.memref_slice %arg2[%dma_start3A_211, %add3A_193] : memref<4x2097152xf32, #tpu.memory_space<hbm>> -> memref<1x8192xf32, #tpu.memory_space<hbm>>
    %dma_start3A_213 = tpu.memref_squeeze %dma_start3A_212 : memref<1x8192xf32, #tpu.memory_space<hbm>> -> memref<8192xf32, #tpu.memory_space<hbm>>
    %dma_start3A_214 = tpu.memref_slice %arg2[%dma_start3A_211, %add3A_193] : memref<4x2097152xf32, #tpu.memory_space<hbm>> -> memref<1x8192xf32, #tpu.memory_space<hbm>>
    %dma_start3A_215 = tpu.memref_squeeze %dma_start3A_214 : memref<1x8192xf32, #tpu.memory_space<hbm>> -> memref<8192xf32, #tpu.memory_space<hbm>>
    tpu.enqueue_dma source(%dma_start3A_215 : memref<8192xf32, #tpu.memory_space<hbm>>) target(%arg9 : memref<8192xf32, #tpu.memory_space<vmem>>) target_semaphore(%arg20 : memref<!tpu.dma_semaphore, #tpu.memory_space<semaphore_mem>>)
    %dma_wait3A_216 = tpu.memref_slice %arg3[%add3A_100] : memref<2097152xf32, #tpu.memory_space<hbm>> -> memref<8192xf32, #tpu.memory_space<hbm>>
    %dma_wait3A_217 = tpu.memref_slice %arg3[%add3A_100] : memref<2097152xf32, #tpu.memory_space<hbm>> -> memref<8192xf32, #tpu.memory_space<hbm>>
    tpu.wait_dma2 semaphore(%arg22 : memref<!tpu.dma_semaphore, #tpu.memory_space<semaphore_mem>>) src(%dma_wait3A_217 : memref<8192xf32, #tpu.memory_space<hbm>>) dst(%arg15 : memref<8192xf32, #tpu.memory_space<vmem>>)
    %dma_wait3A_218 = arith.constant 0 : i32
    %dma_wait3A_219 = tpu.memref_slice %arg2[%dma_wait3A_218, %add3A_100] : memref<4x2097152xf32, #tpu.memory_space<hbm>> -> memref<1x8192xf32, #tpu.memory_space<hbm>>
    %dma_wait3A_220 = tpu.memref_squeeze %dma_wait3A_219 : memref<1x8192xf32, #tpu.memory_space<hbm>> -> memref<8192xf32, #tpu.memory_space<hbm>>
    %dma_wait3A_221 = tpu.memref_slice %arg2[%dma_wait3A_218, %add3A_100] : memref<4x2097152xf32, #tpu.memory_space<hbm>> -> memref<1x8192xf32, #tpu.memory_space<hbm>>
    %dma_wait3A_222 = tpu.memref_squeeze %dma_wait3A_221 : memref<1x8192xf32, #tpu.memory_space<hbm>> -> memref<8192xf32, #tpu.memory_space<hbm>>
    tpu.wait_dma2 semaphore(%arg22 : memref<!tpu.dma_semaphore, #tpu.memory_space<semaphore_mem>>) src(%dma_wait3A_222 : memref<8192xf32, #tpu.memory_space<hbm>>) dst(%arg16 : memref<8192xf32, #tpu.memory_space<vmem>>)
    %dma_wait3A_223 = arith.constant 1 : i32
    %dma_wait3A_224 = tpu.memref_slice %arg2[%dma_wait3A_223, %add3A_100] : memref<4x2097152xf32, #tpu.memory_space<hbm>> -> memref<1x8192xf32, #tpu.memory_space<hbm>>
    %dma_wait3A_225 = tpu.memref_squeeze %dma_wait3A_224 : memref<1x8192xf32, #tpu.memory_space<hbm>> -> memref<8192xf32, #tpu.memory_space<hbm>>
    %dma_wait3A_226 = tpu.memref_slice %arg2[%dma_wait3A_223, %add3A_100] : memref<4x2097152xf32, #tpu.memory_space<hbm>> -> memref<1x8192xf32, #tpu.memory_space<hbm>>
    %dma_wait3A_227 = tpu.memref_squeeze %dma_wait3A_226 : memref<1x8192xf32, #tpu.memory_space<hbm>> -> memref<8192xf32, #tpu.memory_space<hbm>>
    tpu.wait_dma2 semaphore(%arg22 : memref<!tpu.dma_semaphore, #tpu.memory_space<semaphore_mem>>) src(%dma_wait3A_227 : memref<8192xf32, #tpu.memory_space<hbm>>) dst(%arg17 : memref<8192xf32, #tpu.memory_space<vmem>>)
    %dma_wait3A_228 = arith.constant 2 : i32
    %dma_wait3A_229 = tpu.memref_slice %arg2[%dma_wait3A_228, %add3A_100] : memref<4x2097152xf32, #tpu.memory_space<hbm>> -> memref<1x8192xf32, #tpu.memory_space<hbm>>
    %dma_wait3A_230 = tpu.memref_squeeze %dma_wait3A_229 : memref<1x8192xf32, #tpu.memory_space<hbm>> -> memref<8192xf32, #tpu.memory_space<hbm>>
    %dma_wait3A_231 = tpu.memref_slice %arg2[%dma_wait3A_228, %add3A_100] : memref<4x2097152xf32, #tpu.memory_space<hbm>> -> memref<1x8192xf32, #tpu.memory_space<hbm>>
    %dma_wait3A_232 = tpu.memref_squeeze %dma_wait3A_231 : memref<1x8192xf32, #tpu.memory_space<hbm>> -> memref<8192xf32, #tpu.memory_space<hbm>>
    tpu.wait_dma2 semaphore(%arg22 : memref<!tpu.dma_semaphore, #tpu.memory_space<semaphore_mem>>) src(%dma_wait3A_232 : memref<8192xf32, #tpu.memory_space<hbm>>) dst(%arg18 : memref<8192xf32, #tpu.memory_space<vmem>>)
    %dma_wait3A_233 = arith.constant 3 : i32
    %dma_wait3A_234 = tpu.memref_slice %arg2[%dma_wait3A_233, %add3A_100] : memref<4x2097152xf32, #tpu.memory_space<hbm>> -> memref<1x8192xf32, #tpu.memory_space<hbm>>
    %dma_wait3A_235 = tpu.memref_squeeze %dma_wait3A_234 : memref<1x8192xf32, #tpu.memory_space<hbm>> -> memref<8192xf32, #tpu.memory_space<hbm>>
    %dma_wait3A_236 = tpu.memref_slice %arg2[%dma_wait3A_233, %add3A_100] : memref<4x2097152xf32, #tpu.memory_space<hbm>> -> memref<1x8192xf32, #tpu.memory_space<hbm>>
    %dma_wait3A_237 = tpu.memref_squeeze %dma_wait3A_236 : memref<1x8192xf32, #tpu.memory_space<hbm>> -> memref<8192xf32, #tpu.memory_space<hbm>>
    tpu.wait_dma2 semaphore(%arg22 : memref<!tpu.dma_semaphore, #tpu.memory_space<semaphore_mem>>) src(%dma_wait3A_237 : memref<8192xf32, #tpu.memory_space<hbm>>) dst(%arg19 : memref<8192xf32, #tpu.memory_space<vmem>>)
    %scan3A_238 = arith.constant 0 : i32
    %scan3A_239 = arith.constant 512 : i32
    %scan3A_240 = arith.addi %scan3A_238, %scan3A_239 : i32
    %scan3A_241 = arith.constant 1 : i32
    scf.for %scan3A_746 = %scan3A_238 to %scan3A_240 step %scan3A_241  : i32 {
      %mul3A_747 = arith.constant 16 : i32
      %mul3A_748 = arith.muli %scan3A_746, %mul3A_747 : i32
      %add3A_749 = arith.constant 0 : i32
      %add3A_750 = arith.addi %add3A_749, %mul3A_748 : i32
      %get3A = arith.index_cast %add3A_750 : i32 to index
      %get3A_751 = tpu.vector_load %arg15[%get3A] {strides = array<i32>} : memref<8192xf32, #tpu.memory_space<vmem>>, vector<16xf32>,
      %get3A_752 = vector.shape_cast %get3A_751 : vector<16xf32> to vector<16xf32>
      %get3A_753 = arith.index_cast %add3A_750 : i32 to index
      %get3A_754 = tpu.vector_load %arg16[%get3A_753] {strides = array<i32>} : memref<8192xf32, #tpu.memory_space<vmem>>, vector<16xf32>,
      %get3A_755 = vector.shape_cast %get3A_754 : vector<16xf32> to vector<16xf32>
      %add3A_756 = arith.addf %get3A_755, %get3A_752 : vector<16xf32>
      %swap3A = arith.index_cast %add3A_750 : i32 to index
      %swap3A_757 = tpu.vector_load %arg16[%swap3A] {strides = array<i32>} : memref<8192xf32, #tpu.memory_space<vmem>>, vector<16xf32>,
      %swap3A_758 = vector.shape_cast %swap3A_757 : vector<16xf32> to vector<16xf32>
      %swap3A_759 = vector.shape_cast %add3A_756 : vector<16xf32> to vector<16xf32>
      tpu.vector_store %arg16[%swap3A], %swap3A_759 {strides = array<i32>} : memref<8192xf32, #tpu.memory_space<vmem>>, vector<16xf32>,
      %get3A_760 = arith.index_cast %add3A_750 : i32 to index
      %get3A_761 = tpu.vector_load %arg17[%get3A_760] {strides = array<i32>} : memref<8192xf32, #tpu.memory_space<vmem>>, vector<16xf32>,
      %get3A_762 = vector.shape_cast %get3A_761 : vector<16xf32> to vector<16xf32>
      %add3A_763 = arith.addf %get3A_762, %get3A_752 : vector<16xf32>
      %swap3A_764 = arith.index_cast %add3A_750 : i32 to index
      %swap3A_765 = tpu.vector_load %arg17[%swap3A_764] {strides = array<i32>} : memref<8192xf32, #tpu.memory_space<vmem>>, vector<16xf32>,
      %swap3A_766 = vector.shape_cast %swap3A_765 : vector<16xf32> to vector<16xf32>
      %swap3A_767 = vector.shape_cast %add3A_763 : vector<16xf32> to vector<16xf32>
      tpu.vector_store %arg17[%swap3A_764], %swap3A_767 {strides = array<i32>} : memref<8192xf32, #tpu.memory_space<vmem>>, vector<16xf32>,
      %get3A_768 = arith.index_cast %add3A_750 : i32 to index
      %get3A_769 = tpu.vector_load %arg18[%get3A_768] {strides = array<i32>} : memref<8192xf32, #tpu.memory_space<vmem>>, vector<16xf32>,
      %get3A_770 = vector.shape_cast %get3A_769 : vector<16xf32> to vector<16xf32>
      %add3A_771 = arith.addf %get3A_770, %get3A_752 : vector<16xf32>
      %swap3A_772 = arith.index_cast %add3A_750 : i32 to index
      %swap3A_773 = tpu.vector_load %arg18[%swap3A_772] {strides = array<i32>} : memref<8192xf32, #tpu.memory_space<vmem>>, vector<16xf32>,
      %swap3A_774 = vector.shape_cast %swap3A_773 : vector<16xf32> to vector<16xf32>
      %swap3A_775 = vector.shape_cast %add3A_771 : vector<16xf32> to vector<16xf32>
      tpu.vector_store %arg18[%swap3A_772], %swap3A_775 {strides = array<i32>} : memref<8192xf32, #tpu.memory_space<vmem>>, vector<16xf32>,
      %get3A_776 = arith.index_cast %add3A_750 : i32 to index
      %get3A_777 = tpu.vector_load %arg19[%get3A_776] {strides = array<i32>} : memref<8192xf32, #tpu.memory_space<vmem>>, vector<16xf32>,
      %get3A_778 = vector.shape_cast %get3A_777 : vector<16xf32> to vector<16xf32>
      %add3A_779 = arith.addf %get3A_778, %get3A_752 : vector<16xf32>
      %swap3A_780 = arith.index_cast %add3A_750 : i32 to index
      %swap3A_781 = tpu.vector_load %arg19[%swap3A_780] {strides = array<i32>} : memref<8192xf32, #tpu.memory_space<vmem>>, vector<16xf32>,
      %swap3A_782 = vector.shape_cast %swap3A_781 : vector<16xf32> to vector<16xf32>
      %swap3A_783 = vector.shape_cast %add3A_779 : vector<16xf32> to vector<16xf32>
      tpu.vector_store %arg19[%swap3A_780], %swap3A_783 {strides = array<i32>} : memref<8192xf32, #tpu.memory_space<vmem>>, vector<16xf32>,
    }
    %scan3A_242 = arith.constant 512 : i32
    %add3A_243 = arith.constant 16384 : i32
    %add3A_244 = arith.addi %mul3A_4, %add3A_243 : i32
    %dma_start3A_245 = arith.constant 0 : i32
    %dma_start3A_246 = tpu.memref_slice %arg4[%dma_start3A_245, %add3A_244] : memref<4x2097152xf32, #tpu.memory_space<hbm>> -> memref<1x8192xf32, #tpu.memory_space<hbm>>
    %dma_start3A_247 = tpu.memref_squeeze %dma_start3A_246 : memref<1x8192xf32, #tpu.memory_space<hbm>> -> memref<8192xf32, #tpu.memory_space<hbm>>
    %dma_start3A_248 = tpu.memref_slice %arg4[%dma_start3A_245, %add3A_244] : memref<4x2097152xf32, #tpu.memory_space<hbm>> -> memref<1x8192xf32, #tpu.memory_space<hbm>>
    %dma_start3A_249 = tpu.memref_squeeze %dma_start3A_248 : memref<1x8192xf32, #tpu.memory_space<hbm>> -> memref<8192xf32, #tpu.memory_space<hbm>>
    tpu.enqueue_dma source(%arg16 : memref<8192xf32, #tpu.memory_space<vmem>>) target(%dma_start3A_249 : memref<8192xf32, #tpu.memory_space<hbm>>) target_semaphore(%arg25 : memref<!tpu.dma_semaphore, #tpu.memory_space<semaphore_mem>>)
    %dma_start3A_250 = arith.constant 1 : i32
    %dma_start3A_251 = tpu.memref_slice %arg4[%dma_start3A_250, %add3A_244] : memref<4x2097152xf32, #tpu.memory_space<hbm>> -> memref<1x8192xf32, #tpu.memory_space<hbm>>
    %dma_start3A_252 = tpu.memref_squeeze %dma_start3A_251 : memref<1x8192xf32, #tpu.memory_space<hbm>> -> memref<8192xf32, #tpu.memory_space<hbm>>
    %dma_start3A_253 = tpu.memref_slice %arg4[%dma_start3A_250, %add3A_244] : memref<4x2097152xf32, #tpu.memory_space<hbm>> -> memref<1x8192xf32, #tpu.memory_space<hbm>>
    %dma_start3A_254 = tpu.memref_squeeze %dma_start3A_253 : memref<1x8192xf32, #tpu.memory_space<hbm>> -> memref<8192xf32, #tpu.memory_space<hbm>>
    tpu.enqueue_dma source(%arg17 : memref<8192xf32, #tpu.memory_space<vmem>>) target(%dma_start3A_254 : memref<8192xf32, #tpu.memory_space<hbm>>) target_semaphore(%arg25 : memref<!tpu.dma_semaphore, #tpu.memory_space<semaphore_mem>>)
    %dma_start3A_255 = arith.constant 2 : i32
    %dma_start3A_256 = tpu.memref_slice %arg4[%dma_start3A_255, %add3A_244] : memref<4x2097152xf32, #tpu.memory_space<hbm>> -> memref<1x8192xf32, #tpu.memory_space<hbm>>
    %dma_start3A_257 = tpu.memref_squeeze %dma_start3A_256 : memref<1x8192xf32, #tpu.memory_space<hbm>> -> memref<8192xf32, #tpu.memory_space<hbm>>
    %dma_start3A_258 = tpu.memref_slice %arg4[%dma_start3A_255, %add3A_244] : memref<4x2097152xf32, #tpu.memory_space<hbm>> -> memref<1x8192xf32, #tpu.memory_space<hbm>>
    %dma_start3A_259 = tpu.memref_squeeze %dma_start3A_258 : memref<1x8192xf32, #tpu.memory_space<hbm>> -> memref<8192xf32, #tpu.memory_space<hbm>>
    tpu.enqueue_dma source(%arg18 : memref<8192xf32, #tpu.memory_space<vmem>>) target(%dma_start3A_259 : memref<8192xf32, #tpu.memory_space<hbm>>) target_semaphore(%arg25 : memref<!tpu.dma_semaphore, #tpu.memory_space<semaphore_mem>>)
    %dma_start3A_260 = arith.constant 3 : i32
    %dma_start3A_261 = tpu.memref_slice %arg4[%dma_start3A_260, %add3A_244] : memref<4x2097152xf32, #tpu.memory_space<hbm>> -> memref<1x8192xf32, #tpu.memory_space<hbm>>
    %dma_start3A_262 = tpu.memref_squeeze %dma_start3A_261 : memref<1x8192xf32, #tpu.memory_space<hbm>> -> memref<8192xf32, #tpu.memory_space<hbm>>
    %dma_start3A_263 = tpu.memref_slice %arg4[%dma_start3A_260, %add3A_244] : memref<4x2097152xf32, #tpu.memory_space<hbm>> -> memref<1x8192xf32, #tpu.memory_space<hbm>>
    %dma_start3A_264 = tpu.memref_squeeze %dma_start3A_263 : memref<1x8192xf32, #tpu.memory_space<hbm>> -> memref<8192xf32, #tpu.memory_space<hbm>>
    tpu.enqueue_dma source(%arg19 : memref<8192xf32, #tpu.memory_space<vmem>>) target(%dma_start3A_264 : memref<8192xf32, #tpu.memory_space<hbm>>) target_semaphore(%arg25 : memref<!tpu.dma_semaphore, #tpu.memory_space<semaphore_mem>>)
    %dma_wait3A_265 = arith.constant 0 : i32
    %dma_wait3A_266 = tpu.memref_slice %arg4[%dma_wait3A_265, %add3A_151] : memref<4x2097152xf32, #tpu.memory_space<hbm>> -> memref<1x8192xf32, #tpu.memory_space<hbm>>
    %dma_wait3A_267 = tpu.memref_squeeze %dma_wait3A_266 : memref<1x8192xf32, #tpu.memory_space<hbm>> -> memref<8192xf32, #tpu.memory_space<hbm>>
    %dma_wait3A_268 = tpu.memref_slice %arg4[%dma_wait3A_265, %add3A_151] : memref<4x2097152xf32, #tpu.memory_space<hbm>> -> memref<1x8192xf32, #tpu.memory_space<hbm>>
    %dma_wait3A_269 = tpu.memref_squeeze %dma_wait3A_268 : memref<1x8192xf32, #tpu.memory_space<hbm>> -> memref<8192xf32, #tpu.memory_space<hbm>>
    tpu.wait_dma2 semaphore(%arg24 : memref<!tpu.dma_semaphore, #tpu.memory_space<semaphore_mem>>) src(%arg11 : memref<8192xf32, #tpu.memory_space<vmem>>) dst(%dma_wait3A_269 : memref<8192xf32, #tpu.memory_space<hbm>>)
    %dma_wait3A_270 = arith.constant 1 : i32
    %dma_wait3A_271 = tpu.memref_slice %arg4[%dma_wait3A_270, %add3A_151] : memref<4x2097152xf32, #tpu.memory_space<hbm>> -> memref<1x8192xf32, #tpu.memory_space<hbm>>
    %dma_wait3A_272 = tpu.memref_squeeze %dma_wait3A_271 : memref<1x8192xf32, #tpu.memory_space<hbm>> -> memref<8192xf32, #tpu.memory_space<hbm>>
    %dma_wait3A_273 = tpu.memref_slice %arg4[%dma_wait3A_270, %add3A_151] : memref<4x2097152xf32, #tpu.memory_space<hbm>> -> memref<1x8192xf32, #tpu.memory_space<hbm>>
    %dma_wait3A_274 = tpu.memref_squeeze %dma_wait3A_273 : memref<1x8192xf32, #tpu.memory_space<hbm>> -> memref<8192xf32, #tpu.memory_space<hbm>>
    tpu.wait_dma2 semaphore(%arg24 : memref<!tpu.dma_semaphore, #tpu.memory_space<semaphore_mem>>) src(%arg12 : memref<8192xf32, #tpu.memory_space<vmem>>) dst(%dma_wait3A_274 : memref<8192xf32, #tpu.memory_space<hbm>>)
    %dma_wait3A_275 = arith.constant 2 : i32
    %dma_wait3A_276 = tpu.memref_slice %arg4[%dma_wait3A_275, %add3A_151] : memref<4x2097152xf32, #tpu.memory_space<hbm>> -> memref<1x8192xf32, #tpu.memory_space<hbm>>
    %dma_wait3A_277 = tpu.memref_squeeze %dma_wait3A_276 : memref<1x8192xf32, #tpu.memory_space<hbm>> -> memref<8192xf32, #tpu.memory_space<hbm>>
    %dma_wait3A_278 = tpu.memref_slice %arg4[%dma_wait3A_275, %add3A_151] : memref<4x2097152xf32, #tpu.memory_space<hbm>> -> memref<1x8192xf32, #tpu.memory_space<hbm>>
    %dma_wait3A_279 = tpu.memref_squeeze %dma_wait3A_278 : memref<1x8192xf32, #tpu.memory_space<hbm>> -> memref<8192xf32, #tpu.memory_space<hbm>>
    tpu.wait_dma2 semaphore(%arg24 : memref<!tpu.dma_semaphore, #tpu.memory_space<semaphore_mem>>) src(%arg13 : memref<8192xf32, #tpu.memory_space<vmem>>) dst(%dma_wait3A_279 : memref<8192xf32, #tpu.memory_space<hbm>>)
    %dma_wait3A_280 = arith.constant 3 : i32
    %dma_wait3A_281 = tpu.memref_slice %arg4[%dma_wait3A_280, %add3A_151] : memref<4x2097152xf32, #tpu.memory_space<hbm>> -> memref<1x8192xf32, #tpu.memory_space<hbm>>
    %dma_wait3A_282 = tpu.memref_squeeze %dma_wait3A_281 : memref<1x8192xf32, #tpu.memory_space<hbm>> -> memref<8192xf32, #tpu.memory_space<hbm>>
    %dma_wait3A_283 = tpu.memref_slice %arg4[%dma_wait3A_280, %add3A_151] : memref<4x2097152xf32, #tpu.memory_space<hbm>> -> memref<1x8192xf32, #tpu.memory_space<hbm>>
    %dma_wait3A_284 = tpu.memref_squeeze %dma_wait3A_283 : memref<1x8192xf32, #tpu.memory_space<hbm>> -> memref<8192xf32, #tpu.memory_space<hbm>>
    tpu.wait_dma2 semaphore(%arg24 : memref<!tpu.dma_semaphore, #tpu.memory_space<semaphore_mem>>) src(%arg14 : memref<8192xf32, #tpu.memory_space<vmem>>) dst(%dma_wait3A_284 : memref<8192xf32, #tpu.memory_space<hbm>>)
    %add3A_285 = arith.constant 32768 : i32
    %add3A_286 = arith.addi %mul3A_4, %add3A_285 : i32
    %dma_start3A_287 = tpu.memref_slice %arg3[%add3A_286] : memref<2097152xf32, #tpu.memory_space<hbm>> -> memref<8192xf32, #tpu.memory_space<hbm>>
    %dma_start3A_288 = tpu.memref_slice %arg3[%add3A_286] : memref<2097152xf32, #tpu.memory_space<hbm>> -> memref<8192xf32, #tpu.memory_space<hbm>>
    tpu.enqueue_dma source(%dma_start3A_288 : memref<8192xf32, #tpu.memory_space<hbm>>) target(%arg10 : memref<8192xf32, #tpu.memory_space<vmem>>) target_semaphore(%arg21 : memref<!tpu.dma_semaphore, #tpu.memory_space<semaphore_mem>>)
    %dma_start3A_289 = arith.constant 0 : i32
    %dma_start3A_290 = tpu.memref_slice %arg2[%dma_start3A_289, %add3A_286] : memref<4x2097152xf32, #tpu.memory_space<hbm>> -> memref<1x8192xf32, #tpu.memory_space<hbm>>
    %dma_start3A_291 = tpu.memref_squeeze %dma_start3A_290 : memref<1x8192xf32, #tpu.memory_space<hbm>> -> memref<8192xf32, #tpu.memory_space<hbm>>
    %dma_start3A_292 = tpu.memref_slice %arg2[%dma_start3A_289, %add3A_286] : memref<4x2097152xf32, #tpu.memory_space<hbm>> -> memref<1x8192xf32, #tpu.memory_space<hbm>>
    %dma_start3A_293 = tpu.memref_squeeze %dma_start3A_292 : memref<1x8192xf32, #tpu.memory_space<hbm>> -> memref<8192xf32, #tpu.memory_space<hbm>>
    tpu.enqueue_dma source(%dma_start3A_293 : memref<8192xf32, #tpu.memory_space<hbm>>) target(%arg11 : memref<8192xf32, #tpu.memory_space<vmem>>) target_semaphore(%arg21 : memref<!tpu.dma_semaphore, #tpu.memory_space<semaphore_mem>>)
    %dma_start3A_294 = arith.constant 1 : i32
    %dma_start3A_295 = tpu.memref_slice %arg2[%dma_start3A_294, %add3A_286] : memref<4x2097152xf32, #tpu.memory_space<hbm>> -> memref<1x8192xf32, #tpu.memory_space<hbm>>
    %dma_start3A_296 = tpu.memref_squeeze %dma_start3A_295 : memref<1x8192xf32, #tpu.memory_space<hbm>> -> memref<8192xf32, #tpu.memory_space<hbm>>
    %dma_start3A_297 = tpu.memref_slice %arg2[%dma_start3A_294, %add3A_286] : memref<4x2097152xf32, #tpu.memory_space<hbm>> -> memref<1x8192xf32, #tpu.memory_space<hbm>>
    %dma_start3A_298 = tpu.memref_squeeze %dma_start3A_297 : memref<1x8192xf32, #tpu.memory_space<hbm>> -> memref<8192xf32, #tpu.memory_space<hbm>>
    tpu.enqueue_dma source(%dma_start3A_298 : memref<8192xf32, #tpu.memory_space<hbm>>) target(%arg12 : memref<8192xf32, #tpu.memory_space<vmem>>) target_semaphore(%arg21 : memref<!tpu.dma_semaphore, #tpu.memory_space<semaphore_mem>>)
    %dma_start3A_299 = arith.constant 2 : i32
    %dma_start3A_300 = tpu.memref_slice %arg2[%dma_start3A_299, %add3A_286] : memref<4x2097152xf32, #tpu.memory_space<hbm>> -> memref<1x8192xf32, #tpu.memory_space<hbm>>
    %dma_start3A_301 = tpu.memref_squeeze %dma_start3A_300 : memref<1x8192xf32, #tpu.memory_space<hbm>> -> memref<8192xf32, #tpu.memory_space<hbm>>
    %dma_start3A_302 = tpu.memref_slice %arg2[%dma_start3A_299, %add3A_286] : memref<4x2097152xf32, #tpu.memory_space<hbm>> -> memref<1x8192xf32, #tpu.memory_space<hbm>>
    %dma_start3A_303 = tpu.memref_squeeze %dma_start3A_302 : memref<1x8192xf32, #tpu.memory_space<hbm>> -> memref<8192xf32, #tpu.memory_space<hbm>>
    tpu.enqueue_dma source(%dma_start3A_303 : memref<8192xf32, #tpu.memory_space<hbm>>) target(%arg13 : memref<8192xf32, #tpu.memory_space<vmem>>) target_semaphore(%arg21 : memref<!tpu.dma_semaphore, #tpu.memory_space<semaphore_mem>>)
    %dma_start3A_304 = arith.constant 3 : i32
    %dma_start3A_305 = tpu.memref_slice %arg2[%dma_start3A_304, %add3A_286] : memref<4x2097152xf32, #tpu.memory_space<hbm>> -> memref<1x8192xf32, #tpu.memory_space<hbm>>
    %dma_start3A_306 = tpu.memref_squeeze %dma_start3A_305 : memref<1x8192xf32, #tpu.memory_space<hbm>> -> memref<8192xf32, #tpu.memory_space<hbm>>
    %dma_start3A_307 = tpu.memref_slice %arg2[%dma_start3A_304, %add3A_286] : memref<4x2097152xf32, #tpu.memory_space<hbm>> -> memref<1x8192xf32, #tpu.memory_space<hbm>>
    %dma_start3A_308 = tpu.memref_squeeze %dma_start3A_307 : memref<1x8192xf32, #tpu.memory_space<hbm>> -> memref<8192xf32, #tpu.memory_space<hbm>>
    tpu.enqueue_dma source(%dma_start3A_308 : memref<8192xf32, #tpu.memory_space<hbm>>) target(%arg14 : memref<8192xf32, #tpu.memory_space<vmem>>) target_semaphore(%arg21 : memref<!tpu.dma_semaphore, #tpu.memory_space<semaphore_mem>>)
    %dma_wait3A_309 = tpu.memref_slice %arg3[%add3A_193] : memref<2097152xf32, #tpu.memory_space<hbm>> -> memref<8192xf32, #tpu.memory_space<hbm>>
    %dma_wait3A_310 = tpu.memref_slice %arg3[%add3A_193] : memref<2097152xf32, #tpu.memory_space<hbm>> -> memref<8192xf32, #tpu.memory_space<hbm>>
    tpu.wait_dma2 semaphore(%arg20 : memref<!tpu.dma_semaphore, #tpu.memory_space<semaphore_mem>>) src(%dma_wait3A_310 : memref<8192xf32, #tpu.memory_space<hbm>>) dst(%arg5 : memref<8192xf32, #tpu.memory_space<vmem>>)
    %dma_wait3A_311 = arith.constant 0 : i32
    %dma_wait3A_312 = tpu.memref_slice %arg2[%dma_wait3A_311, %add3A_193] : memref<4x2097152xf32, #tpu.memory_space<hbm>> -> memref<1x8192xf32, #tpu.memory_space<hbm>>
    %dma_wait3A_313 = tpu.memref_squeeze %dma_wait3A_312 : memref<1x8192xf32, #tpu.memory_space<hbm>> -> memref<8192xf32, #tpu.memory_space<hbm>>
    %dma_wait3A_314 = tpu.memref_slice %arg2[%dma_wait3A_311, %add3A_193] : memref<4x2097152xf32, #tpu.memory_space<hbm>> -> memref<1x8192xf32, #tpu.memory_space<hbm>>
    %dma_wait3A_315 = tpu.memref_squeeze %dma_wait3A_314 : memref<1x8192xf32, #tpu.memory_space<hbm>> -> memref<8192xf32, #tpu.memory_space<hbm>>
    tpu.wait_dma2 semaphore(%arg20 : memref<!tpu.dma_semaphore, #tpu.memory_space<semaphore_mem>>) src(%dma_wait3A_315 : memref<8192xf32, #tpu.memory_space<hbm>>) dst(%arg6 : memref<8192xf32, #tpu.memory_space<vmem>>)
    %dma_wait3A_316 = arith.constant 1 : i32
    %dma_wait3A_317 = tpu.memref_slice %arg2[%dma_wait3A_316, %add3A_193] : memref<4x2097152xf32, #tpu.memory_space<hbm>> -> memref<1x8192xf32, #tpu.memory_space<hbm>>
    %dma_wait3A_318 = tpu.memref_squeeze %dma_wait3A_317 : memref<1x8192xf32, #tpu.memory_space<hbm>> -> memref<8192xf32, #tpu.memory_space<hbm>>
    %dma_wait3A_319 = tpu.memref_slice %arg2[%dma_wait3A_316, %add3A_193] : memref<4x2097152xf32, #tpu.memory_space<hbm>> -> memref<1x8192xf32, #tpu.memory_space<hbm>>
    %dma_wait3A_320 = tpu.memref_squeeze %dma_wait3A_319 : memref<1x8192xf32, #tpu.memory_space<hbm>> -> memref<8192xf32, #tpu.memory_space<hbm>>
    tpu.wait_dma2 semaphore(%arg20 : memref<!tpu.dma_semaphore, #tpu.memory_space<semaphore_mem>>) src(%dma_wait3A_320 : memref<8192xf32, #tpu.memory_space<hbm>>) dst(%arg7 : memref<8192xf32, #tpu.memory_space<vmem>>)
    %dma_wait3A_321 = arith.constant 2 : i32
    %dma_wait3A_322 = tpu.memref_slice %arg2[%dma_wait3A_321, %add3A_193] : memref<4x2097152xf32, #tpu.memory_space<hbm>> -> memref<1x8192xf32, #tpu.memory_space<hbm>>
    %dma_wait3A_323 = tpu.memref_squeeze %dma_wait3A_322 : memref<1x8192xf32, #tpu.memory_space<hbm>> -> memref<8192xf32, #tpu.memory_space<hbm>>
    %dma_wait3A_324 = tpu.memref_slice %arg2[%dma_wait3A_321, %add3A_193] : memref<4x2097152xf32, #tpu.memory_space<hbm>> -> memref<1x8192xf32, #tpu.memory_space<hbm>>
    %dma_wait3A_325 = tpu.memref_squeeze %dma_wait3A_324 : memref<1x8192xf32, #tpu.memory_space<hbm>> -> memref<8192xf32, #tpu.memory_space<hbm>>
    tpu.wait_dma2 semaphore(%arg20 : memref<!tpu.dma_semaphore, #tpu.memory_space<semaphore_mem>>) src(%dma_wait3A_325 : memref<8192xf32, #tpu.memory_space<hbm>>) dst(%arg8 : memref<8192xf32, #tpu.memory_space<vmem>>)
    %dma_wait3A_326 = arith.constant 3 : i32
    %dma_wait3A_327 = tpu.memref_slice %arg2[%dma_wait3A_326, %add3A_193] : memref<4x2097152xf32, #tpu.memory_space<hbm>> -> memref<1x8192xf32, #tpu.memory_space<hbm>>
    %dma_wait3A_328 = tpu.memref_squeeze %dma_wait3A_327 : memref<1x8192xf32, #tpu.memory_space<hbm>> -> memref<8192xf32, #tpu.memory_space<hbm>>
    %dma_wait3A_329 = tpu.memref_slice %arg2[%dma_wait3A_326, %add3A_193] : memref<4x2097152xf32, #tpu.memory_space<hbm>> -> memref<1x8192xf32, #tpu.memory_space<hbm>>
    %dma_wait3A_330 = tpu.memref_squeeze %dma_wait3A_329 : memref<1x8192xf32, #tpu.memory_space<hbm>> -> memref<8192xf32, #tpu.memory_space<hbm>>
    tpu.wait_dma2 semaphore(%arg20 : memref<!tpu.dma_semaphore, #tpu.memory_space<semaphore_mem>>) src(%dma_wait3A_330 : memref<8192xf32, #tpu.memory_space<hbm>>) dst(%arg9 : memref<8192xf32, #tpu.memory_space<vmem>>)
    %scan3A_331 = arith.constant 0 : i32
    %scan3A_332 = arith.constant 512 : i32
    %scan3A_333 = arith.addi %scan3A_331, %scan3A_332 : i32
    %scan3A_334 = arith.constant 1 : i32
    scf.for %scan3A_746 = %scan3A_331 to %scan3A_333 step %scan3A_334  : i32 {
      %mul3A_747 = arith.constant 16 : i32
      %mul3A_748 = arith.muli %scan3A_746, %mul3A_747 : i32
      %add3A_749 = arith.constant 0 : i32
      %add3A_750 = arith.addi %add3A_749, %mul3A_748 : i32
      %get3A = arith.index_cast %add3A_750 : i32 to index
      %get3A_751 = tpu.vector_load %arg5[%get3A] {strides = array<i32>} : memref<8192xf32, #tpu.memory_space<vmem>>, vector<16xf32>,
      %get3A_752 = vector.shape_cast %get3A_751 : vector<16xf32> to vector<16xf32>
      %get3A_753 = arith.index_cast %add3A_750 : i32 to index
      %get3A_754 = tpu.vector_load %arg6[%get3A_753] {strides = array<i32>} : memref<8192xf32, #tpu.memory_space<vmem>>, vector<16xf32>,
      %get3A_755 = vector.shape_cast %get3A_754 : vector<16xf32> to vector<16xf32>
      %add3A_756 = arith.addf %get3A_755, %get3A_752 : vector<16xf32>
      %swap3A = arith.index_cast %add3A_750 : i32 to index
      %swap3A_757 = tpu.vector_load %arg6[%swap3A] {strides = array<i32>} : memref<8192xf32, #tpu.memory_space<vmem>>, vector<16xf32>,
      %swap3A_758 = vector.shape_cast %swap3A_757 : vector<16xf32> to vector<16xf32>
      %swap3A_759 = vector.shape_cast %add3A_756 : vector<16xf32> to vector<16xf32>
      tpu.vector_store %arg6[%swap3A], %swap3A_759 {strides = array<i32>} : memref<8192xf32, #tpu.memory_space<vmem>>, vector<16xf32>,
      %get3A_760 = arith.index_cast %add3A_750 : i32 to index
      %get3A_761 = tpu.vector_load %arg7[%get3A_760] {strides = array<i32>} : memref<8192xf32, #tpu.memory_space<vmem>>, vector<16xf32>,
      %get3A_762 = vector.shape_cast %get3A_761 : vector<16xf32> to vector<16xf32>
      %add3A_763 = arith.addf %get3A_762, %get3A_752 : vector<16xf32>
      %swap3A_764 = arith.index_cast %add3A_750 : i32 to index
      %swap3A_765 = tpu.vector_load %arg7[%swap3A_764] {strides = array<i32>} : memref<8192xf32, #tpu.memory_space<vmem>>, vector<16xf32>,
      %swap3A_766 = vector.shape_cast %swap3A_765 : vector<16xf32> to vector<16xf32>
      %swap3A_767 = vector.shape_cast %add3A_763 : vector<16xf32> to vector<16xf32>
      tpu.vector_store %arg7[%swap3A_764], %swap3A_767 {strides = array<i32>} : memref<8192xf32, #tpu.memory_space<vmem>>, vector<16xf32>,
      %get3A_768 = arith.index_cast %add3A_750 : i32 to index
      %get3A_769 = tpu.vector_load %arg8[%get3A_768] {strides = array<i32>} : memref<8192xf32, #tpu.memory_space<vmem>>, vector<16xf32>,
      %get3A_770 = vector.shape_cast %get3A_769 : vector<16xf32> to vector<16xf32>
      %add3A_771 = arith.addf %get3A_770, %get3A_752 : vector<16xf32>
      %swap3A_772 = arith.index_cast %add3A_750 : i32 to index
      %swap3A_773 = tpu.vector_load %arg8[%swap3A_772] {strides = array<i32>} : memref<8192xf32, #tpu.memory_space<vmem>>, vector<16xf32>,
      %swap3A_774 = vector.shape_cast %swap3A_773 : vector<16xf32> to vector<16xf32>
      %swap3A_775 = vector.shape_cast %add3A_771 : vector<16xf32> to vector<16xf32>
      tpu.vector_store %arg8[%swap3A_772], %swap3A_775 {strides = array<i32>} : memref<8192xf32, #tpu.memory_space<vmem>>, vector<16xf32>,
      %get3A_776 = arith.index_cast %add3A_750 : i32 to index
      %get3A_777 = tpu.vector_load %arg9[%get3A_776] {strides = array<i32>} : memref<8192xf32, #tpu.memory_space<vmem>>, vector<16xf32>,
      %get3A_778 = vector.shape_cast %get3A_777 : vector<16xf32> to vector<16xf32>
      %add3A_779 = arith.addf %get3A_778, %get3A_752 : vector<16xf32>
      %swap3A_780 = arith.index_cast %add3A_750 : i32 to index
      %swap3A_781 = tpu.vector_load %arg9[%swap3A_780] {strides = array<i32>} : memref<8192xf32, #tpu.memory_space<vmem>>, vector<16xf32>,
      %swap3A_782 = vector.shape_cast %swap3A_781 : vector<16xf32> to vector<16xf32>
      %swap3A_783 = vector.shape_cast %add3A_779 : vector<16xf32> to vector<16xf32>
      tpu.vector_store %arg9[%swap3A_780], %swap3A_783 {strides = array<i32>} : memref<8192xf32, #tpu.memory_space<vmem>>, vector<16xf32>,
    }
    %scan3A_335 = arith.constant 512 : i32
    %add3A_336 = arith.constant 24576 : i32
    %add3A_337 = arith.addi %mul3A_4, %add3A_336 : i32
    %dma_start3A_338 = arith.constant 0 : i32
    %dma_start3A_339 = tpu.memref_slice %arg4[%dma_start3A_338, %add3A_337] : memref<4x2097152xf32, #tpu.memory_space<hbm>> -> memref<1x8192xf32, #tpu.memory_space<hbm>>
    %dma_start3A_340 = tpu.memref_squeeze %dma_start3A_339 : memref<1x8192xf32, #tpu.memory_space<hbm>> -> memref<8192xf32, #tpu.memory_space<hbm>>
    %dma_start3A_341 = tpu.memref_slice %arg4[%dma_start3A_338, %add3A_337] : memref<4x2097152xf32, #tpu.memory_space<hbm>> -> memref<1x8192xf32, #tpu.memory_space<hbm>>
    %dma_start3A_342 = tpu.memref_squeeze %dma_start3A_341 : memref<1x8192xf32, #tpu.memory_space<hbm>> -> memref<8192xf32, #tpu.memory_space<hbm>>
    tpu.enqueue_dma source(%arg6 : memref<8192xf32, #tpu.memory_space<vmem>>) target(%dma_start3A_342 : memref<8192xf32, #tpu.memory_space<hbm>>) target_semaphore(%arg23 : memref<!tpu.dma_semaphore, #tpu.memory_space<semaphore_mem>>)
    %dma_start3A_343 = arith.constant 1 : i32
    %dma_start3A_344 = tpu.memref_slice %arg4[%dma_start3A_343, %add3A_337] : memref<4x2097152xf32, #tpu.memory_space<hbm>> -> memref<1x8192xf32, #tpu.memory_space<hbm>>
    %dma_start3A_345 = tpu.memref_squeeze %dma_start3A_344 : memref<1x8192xf32, #tpu.memory_space<hbm>> -> memref<8192xf32, #tpu.memory_space<hbm>>
    %dma_start3A_346 = tpu.memref_slice %arg4[%dma_start3A_343, %add3A_337] : memref<4x2097152xf32, #tpu.memory_space<hbm>> -> memref<1x8192xf32, #tpu.memory_space<hbm>>
    %dma_start3A_347 = tpu.memref_squeeze %dma_start3A_346 : memref<1x8192xf32, #tpu.memory_space<hbm>> -> memref<8192xf32, #tpu.memory_space<hbm>>
    tpu.enqueue_dma source(%arg7 : memref<8192xf32, #tpu.memory_space<vmem>>) target(%dma_start3A_347 : memref<8192xf32, #tpu.memory_space<hbm>>) target_semaphore(%arg23 : memref<!tpu.dma_semaphore, #tpu.memory_space<semaphore_mem>>)
    %dma_start3A_348 = arith.constant 2 : i32
    %dma_start3A_349 = tpu.memref_slice %arg4[%dma_start3A_348, %add3A_337] : memref<4x2097152xf32, #tpu.memory_space<hbm>> -> memref<1x8192xf32, #tpu.memory_space<hbm>>
    %dma_start3A_350 = tpu.memref_squeeze %dma_start3A_349 : memref<1x8192xf32, #tpu.memory_space<hbm>> -> memref<8192xf32, #tpu.memory_space<hbm>>
    %dma_start3A_351 = tpu.memref_slice %arg4[%dma_start3A_348, %add3A_337] : memref<4x2097152xf32, #tpu.memory_space<hbm>> -> memref<1x8192xf32, #tpu.memory_space<hbm>>
    %dma_start3A_352 = tpu.memref_squeeze %dma_start3A_351 : memref<1x8192xf32, #tpu.memory_space<hbm>> -> memref<8192xf32, #tpu.memory_space<hbm>>
    tpu.enqueue_dma source(%arg8 : memref<8192xf32, #tpu.memory_space<vmem>>) target(%dma_start3A_352 : memref<8192xf32, #tpu.memory_space<hbm>>) target_semaphore(%arg23 : memref<!tpu.dma_semaphore, #tpu.memory_space<semaphore_mem>>)
    %dma_start3A_353 = arith.constant 3 : i32
    %dma_start3A_354 = tpu.memref_slice %arg4[%dma_start3A_353, %add3A_337] : memref<4x2097152xf32, #tpu.memory_space<hbm>> -> memref<1x8192xf32, #tpu.memory_space<hbm>>
    %dma_start3A_355 = tpu.memref_squeeze %dma_start3A_354 : memref<1x8192xf32, #tpu.memory_space<hbm>> -> memref<8192xf32, #tpu.memory_space<hbm>>
    %dma_start3A_356 = tpu.memref_slice %arg4[%dma_start3A_353, %add3A_337] : memref<4x2097152xf32, #tpu.memory_space<hbm>> -> memref<1x8192xf32, #tpu.memory_space<hbm>>
    %dma_start3A_357 = tpu.memref_squeeze %dma_start3A_356 : memref<1x8192xf32, #tpu.memory_space<hbm>> -> memref<8192xf32, #tpu.memory_space<hbm>>
    tpu.enqueue_dma source(%arg9 : memref<8192xf32, #tpu.memory_space<vmem>>) target(%dma_start3A_357 : memref<8192xf32, #tpu.memory_space<hbm>>) target_semaphore(%arg23 : memref<!tpu.dma_semaphore, #tpu.memory_space<semaphore_mem>>)
    %dma_wait3A_358 = arith.constant 0 : i32
    %dma_wait3A_359 = tpu.memref_slice %arg4[%dma_wait3A_358, %add3A_244] : memref<4x2097152xf32, #tpu.memory_space<hbm>> -> memref<1x8192xf32, #tpu.memory_space<hbm>>
    %dma_wait3A_360 = tpu.memref_squeeze %dma_wait3A_359 : memref<1x8192xf32, #tpu.memory_space<hbm>> -> memref<8192xf32, #tpu.memory_space<hbm>>
    %dma_wait3A_361 = tpu.memref_slice %arg4[%dma_wait3A_358, %add3A_244] : memref<4x2097152xf32, #tpu.memory_space<hbm>> -> memref<1x8192xf32, #tpu.memory_space<hbm>>
    %dma_wait3A_362 = tpu.memref_squeeze %dma_wait3A_361 : memref<1x8192xf32, #tpu.memory_space<hbm>> -> memref<8192xf32, #tpu.memory_space<hbm>>
    tpu.wait_dma2 semaphore(%arg25 : memref<!tpu.dma_semaphore, #tpu.memory_space<semaphore_mem>>) src(%arg16 : memref<8192xf32, #tpu.memory_space<vmem>>) dst(%dma_wait3A_362 : memref<8192xf32, #tpu.memory_space<hbm>>)
    %dma_wait3A_363 = arith.constant 1 : i32
    %dma_wait3A_364 = tpu.memref_slice %arg4[%dma_wait3A_363, %add3A_244] : memref<4x2097152xf32, #tpu.memory_space<hbm>> -> memref<1x8192xf32, #tpu.memory_space<hbm>>
    %dma_wait3A_365 = tpu.memref_squeeze %dma_wait3A_364 : memref<1x8192xf32, #tpu.memory_space<hbm>> -> memref<8192xf32, #tpu.memory_space<hbm>>
    %dma_wait3A_366 = tpu.memref_slice %arg4[%dma_wait3A_363, %add3A_244] : memref<4x2097152xf32, #tpu.memory_space<hbm>> -> memref<1x8192xf32, #tpu.memory_space<hbm>>
    %dma_wait3A_367 = tpu.memref_squeeze %dma_wait3A_366 : memref<1x8192xf32, #tpu.memory_space<hbm>> -> memref<8192xf32, #tpu.memory_space<hbm>>
    tpu.wait_dma2 semaphore(%arg25 : memref<!tpu.dma_semaphore, #tpu.memory_space<semaphore_mem>>) src(%arg17 : memref<8192xf32, #tpu.memory_space<vmem>>) dst(%dma_wait3A_367 : memref<8192xf32, #tpu.memory_space<hbm>>)
    %dma_wait3A_368 = arith.constant 2 : i32
    %dma_wait3A_369 = tpu.memref_slice %arg4[%dma_wait3A_368, %add3A_244] : memref<4x2097152xf32, #tpu.memory_space<hbm>> -> memref<1x8192xf32, #tpu.memory_space<hbm>>
    %dma_wait3A_370 = tpu.memref_squeeze %dma_wait3A_369 : memref<1x8192xf32, #tpu.memory_space<hbm>> -> memref<8192xf32, #tpu.memory_space<hbm>>
    %dma_wait3A_371 = tpu.memref_slice %arg4[%dma_wait3A_368, %add3A_244] : memref<4x2097152xf32, #tpu.memory_space<hbm>> -> memref<1x8192xf32, #tpu.memory_space<hbm>>
    %dma_wait3A_372 = tpu.memref_squeeze %dma_wait3A_371 : memref<1x8192xf32, #tpu.memory_space<hbm>> -> memref<8192xf32, #tpu.memory_space<hbm>>
    tpu.wait_dma2 semaphore(%arg25 : memref<!tpu.dma_semaphore, #tpu.memory_space<semaphore_mem>>) src(%arg18 : memref<8192xf32, #tpu.memory_space<vmem>>) dst(%dma_wait3A_372 : memref<8192xf32, #tpu.memory_space<hbm>>)
    %dma_wait3A_373 = arith.constant 3 : i32
    %dma_wait3A_374 = tpu.memref_slice %arg4[%dma_wait3A_373, %add3A_244] : memref<4x2097152xf32, #tpu.memory_space<hbm>> -> memref<1x8192xf32, #tpu.memory_space<hbm>>
    %dma_wait3A_375 = tpu.memref_squeeze %dma_wait3A_374 : memref<1x8192xf32, #tpu.memory_space<hbm>> -> memref<8192xf32, #tpu.memory_space<hbm>>
    %dma_wait3A_376 = tpu.memref_slice %arg4[%dma_wait3A_373, %add3A_244] : memref<4x2097152xf32, #tpu.memory_space<hbm>> -> memref<1x8192xf32, #tpu.memory_space<hbm>>
    %dma_wait3A_377 = tpu.memref_squeeze %dma_wait3A_376 : memref<1x8192xf32, #tpu.memory_space<hbm>> -> memref<8192xf32, #tpu.memory_space<hbm>>
    tpu.wait_dma2 semaphore(%arg25 : memref<!tpu.dma_semaphore, #tpu.memory_space<semaphore_mem>>) src(%arg19 : memref<8192xf32, #tpu.memory_space<vmem>>) dst(%dma_wait3A_377 : memref<8192xf32, #tpu.memory_space<hbm>>)
    %add3A_378 = arith.constant 40960 : i32
    %add3A_379 = arith.addi %mul3A_4, %add3A_378 : i32
    %dma_start3A_380 = tpu.memref_slice %arg3[%add3A_379] : memref<2097152xf32, #tpu.memory_space<hbm>> -> memref<8192xf32, #tpu.memory_space<hbm>>
    %dma_start3A_381 = tpu.memref_slice %arg3[%add3A_379] : memref<2097152xf32, #tpu.memory_space<hbm>> -> memref<8192xf32, #tpu.memory_space<hbm>>
    tpu.enqueue_dma source(%dma_start3A_381 : memref<8192xf32, #tpu.memory_space<hbm>>) target(%arg15 : memref<8192xf32, #tpu.memory_space<vmem>>) target_semaphore(%arg22 : memref<!tpu.dma_semaphore, #tpu.memory_space<semaphore_mem>>)
    %dma_start3A_382 = arith.constant 0 : i32
    %dma_start3A_383 = tpu.memref_slice %arg2[%dma_start3A_382, %add3A_379] : memref<4x2097152xf32, #tpu.memory_space<hbm>> -> memref<1x8192xf32, #tpu.memory_space<hbm>>
    %dma_start3A_384 = tpu.memref_squeeze %dma_start3A_383 : memref<1x8192xf32, #tpu.memory_space<hbm>> -> memref<8192xf32, #tpu.memory_space<hbm>>
    %dma_start3A_385 = tpu.memref_slice %arg2[%dma_start3A_382, %add3A_379] : memref<4x2097152xf32, #tpu.memory_space<hbm>> -> memref<1x8192xf32, #tpu.memory_space<hbm>>
    %dma_start3A_386 = tpu.memref_squeeze %dma_start3A_385 : memref<1x8192xf32, #tpu.memory_space<hbm>> -> memref<8192xf32, #tpu.memory_space<hbm>>
    tpu.enqueue_dma source(%dma_start3A_386 : memref<8192xf32, #tpu.memory_space<hbm>>) target(%arg16 : memref<8192xf32, #tpu.memory_space<vmem>>) target_semaphore(%arg22 : memref<!tpu.dma_semaphore, #tpu.memory_space<semaphore_mem>>)
    %dma_start3A_387 = arith.constant 1 : i32
    %dma_start3A_388 = tpu.memref_slice %arg2[%dma_start3A_387, %add3A_379] : memref<4x2097152xf32, #tpu.memory_space<hbm>> -> memref<1x8192xf32, #tpu.memory_space<hbm>>
    %dma_start3A_389 = tpu.memref_squeeze %dma_start3A_388 : memref<1x8192xf32, #tpu.memory_space<hbm>> -> memref<8192xf32, #tpu.memory_space<hbm>>
    %dma_start3A_390 = tpu.memref_slice %arg2[%dma_start3A_387, %add3A_379] : memref<4x2097152xf32, #tpu.memory_space<hbm>> -> memref<1x8192xf32, #tpu.memory_space<hbm>>
    %dma_start3A_391 = tpu.memref_squeeze %dma_start3A_390 : memref<1x8192xf32, #tpu.memory_space<hbm>> -> memref<8192xf32, #tpu.memory_space<hbm>>
    tpu.enqueue_dma source(%dma_start3A_391 : memref<8192xf32, #tpu.memory_space<hbm>>) target(%arg17 : memref<8192xf32, #tpu.memory_space<vmem>>) target_semaphore(%arg22 : memref<!tpu.dma_semaphore, #tpu.memory_space<semaphore_mem>>)
    %dma_start3A_392 = arith.constant 2 : i32
    %dma_start3A_393 = tpu.memref_slice %arg2[%dma_start3A_392, %add3A_379] : memref<4x2097152xf32, #tpu.memory_space<hbm>> -> memref<1x8192xf32, #tpu.memory_space<hbm>>
    %dma_start3A_394 = tpu.memref_squeeze %dma_start3A_393 : memref<1x8192xf32, #tpu.memory_space<hbm>> -> memref<8192xf32, #tpu.memory_space<hbm>>
    %dma_start3A_395 = tpu.memref_slice %arg2[%dma_start3A_392, %add3A_379] : memref<4x2097152xf32, #tpu.memory_space<hbm>> -> memref<1x8192xf32, #tpu.memory_space<hbm>>
    %dma_start3A_396 = tpu.memref_squeeze %dma_start3A_395 : memref<1x8192xf32, #tpu.memory_space<hbm>> -> memref<8192xf32, #tpu.memory_space<hbm>>
    tpu.enqueue_dma source(%dma_start3A_396 : memref<8192xf32, #tpu.memory_space<hbm>>) target(%arg18 : memref<8192xf32, #tpu.memory_space<vmem>>) target_semaphore(%arg22 : memref<!tpu.dma_semaphore, #tpu.memory_space<semaphore_mem>>)
    %dma_start3A_397 = arith.constant 3 : i32
    %dma_start3A_398 = tpu.memref_slice %arg2[%dma_start3A_397, %add3A_379] : memref<4x2097152xf32, #tpu.memory_space<hbm>> -> memref<1x8192xf32, #tpu.memory_space<hbm>>
    %dma_start3A_399 = tpu.memref_squeeze %dma_start3A_398 : memref<1x8192xf32, #tpu.memory_space<hbm>> -> memref<8192xf32, #tpu.memory_space<hbm>>
    %dma_start3A_400 = tpu.memref_slice %arg2[%dma_start3A_397, %add3A_379] : memref<4x2097152xf32, #tpu.memory_space<hbm>> -> memref<1x8192xf32, #tpu.memory_space<hbm>>
    %dma_start3A_401 = tpu.memref_squeeze %dma_start3A_400 : memref<1x8192xf32, #tpu.memory_space<hbm>> -> memref<8192xf32, #tpu.memory_space<hbm>>
    tpu.enqueue_dma source(%dma_start3A_401 : memref<8192xf32, #tpu.memory_space<hbm>>) target(%arg19 : memref<8192xf32, #tpu.memory_space<vmem>>) target_semaphore(%arg22 : memref<!tpu.dma_semaphore, #tpu.memory_space<semaphore_mem>>)
    %dma_wait3A_402 = tpu.memref_slice %arg3[%add3A_286] : memref<2097152xf32, #tpu.memory_space<hbm>> -> memref<8192xf32, #tpu.memory_space<hbm>>
    %dma_wait3A_403 = tpu.memref_slice %arg3[%add3A_286] : memref<2097152xf32, #tpu.memory_space<hbm>> -> memref<8192xf32, #tpu.memory_space<hbm>>
    tpu.wait_dma2 semaphore(%arg21 : memref<!tpu.dma_semaphore, #tpu.memory_space<semaphore_mem>>) src(%dma_wait3A_403 : memref<8192xf32, #tpu.memory_space<hbm>>) dst(%arg10 : memref<8192xf32, #tpu.memory_space<vmem>>)
    %dma_wait3A_404 = arith.constant 0 : i32
    %dma_wait3A_405 = tpu.memref_slice %arg2[%dma_wait3A_404, %add3A_286] : memref<4x2097152xf32, #tpu.memory_space<hbm>> -> memref<1x8192xf32, #tpu.memory_space<hbm>>
    %dma_wait3A_406 = tpu.memref_squeeze %dma_wait3A_405 : memref<1x8192xf32, #tpu.memory_space<hbm>> -> memref<8192xf32, #tpu.memory_space<hbm>>
    %dma_wait3A_407 = tpu.memref_slice %arg2[%dma_wait3A_404, %add3A_286] : memref<4x2097152xf32, #tpu.memory_space<hbm>> -> memref<1x8192xf32, #tpu.memory_space<hbm>>
    %dma_wait3A_408 = tpu.memref_squeeze %dma_wait3A_407 : memref<1x8192xf32, #tpu.memory_space<hbm>> -> memref<8192xf32, #tpu.memory_space<hbm>>
    tpu.wait_dma2 semaphore(%arg21 : memref<!tpu.dma_semaphore, #tpu.memory_space<semaphore_mem>>) src(%dma_wait3A_408 : memref<8192xf32, #tpu.memory_space<hbm>>) dst(%arg11 : memref<8192xf32, #tpu.memory_space<vmem>>)
    %dma_wait3A_409 = arith.constant 1 : i32
    %dma_wait3A_410 = tpu.memref_slice %arg2[%dma_wait3A_409, %add3A_286] : memref<4x2097152xf32, #tpu.memory_space<hbm>> -> memref<1x8192xf32, #tpu.memory_space<hbm>>
    %dma_wait3A_411 = tpu.memref_squeeze %dma_wait3A_410 : memref<1x8192xf32, #tpu.memory_space<hbm>> -> memref<8192xf32, #tpu.memory_space<hbm>>
    %dma_wait3A_412 = tpu.memref_slice %arg2[%dma_wait3A_409, %add3A_286] : memref<4x2097152xf32, #tpu.memory_space<hbm>> -> memref<1x8192xf32, #tpu.memory_space<hbm>>
    %dma_wait3A_413 = tpu.memref_squeeze %dma_wait3A_412 : memref<1x8192xf32, #tpu.memory_space<hbm>> -> memref<8192xf32, #tpu.memory_space<hbm>>
    tpu.wait_dma2 semaphore(%arg21 : memref<!tpu.dma_semaphore, #tpu.memory_space<semaphore_mem>>) src(%dma_wait3A_413 : memref<8192xf32, #tpu.memory_space<hbm>>) dst(%arg12 : memref<8192xf32, #tpu.memory_space<vmem>>)
    %dma_wait3A_414 = arith.constant 2 : i32
    %dma_wait3A_415 = tpu.memref_slice %arg2[%dma_wait3A_414, %add3A_286] : memref<4x2097152xf32, #tpu.memory_space<hbm>> -> memref<1x8192xf32, #tpu.memory_space<hbm>>
    %dma_wait3A_416 = tpu.memref_squeeze %dma_wait3A_415 : memref<1x8192xf32, #tpu.memory_space<hbm>> -> memref<8192xf32, #tpu.memory_space<hbm>>
    %dma_wait3A_417 = tpu.memref_slice %arg2[%dma_wait3A_414, %add3A_286] : memref<4x2097152xf32, #tpu.memory_space<hbm>> -> memref<1x8192xf32, #tpu.memory_space<hbm>>
    %dma_wait3A_418 = tpu.memref_squeeze %dma_wait3A_417 : memref<1x8192xf32, #tpu.memory_space<hbm>> -> memref<8192xf32, #tpu.memory_space<hbm>>
    tpu.wait_dma2 semaphore(%arg21 : memref<!tpu.dma_semaphore, #tpu.memory_space<semaphore_mem>>) src(%dma_wait3A_418 : memref<8192xf32, #tpu.memory_space<hbm>>) dst(%arg13 : memref<8192xf32, #tpu.memory_space<vmem>>)
    %dma_wait3A_419 = arith.constant 3 : i32
    %dma_wait3A_420 = tpu.memref_slice %arg2[%dma_wait3A_419, %add3A_286] : memref<4x2097152xf32, #tpu.memory_space<hbm>> -> memref<1x8192xf32, #tpu.memory_space<hbm>>
    %dma_wait3A_421 = tpu.memref_squeeze %dma_wait3A_420 : memref<1x8192xf32, #tpu.memory_space<hbm>> -> memref<8192xf32, #tpu.memory_space<hbm>>
    %dma_wait3A_422 = tpu.memref_slice %arg2[%dma_wait3A_419, %add3A_286] : memref<4x2097152xf32, #tpu.memory_space<hbm>> -> memref<1x8192xf32, #tpu.memory_space<hbm>>
    %dma_wait3A_423 = tpu.memref_squeeze %dma_wait3A_422 : memref<1x8192xf32, #tpu.memory_space<hbm>> -> memref<8192xf32, #tpu.memory_space<hbm>>
    tpu.wait_dma2 semaphore(%arg21 : memref<!tpu.dma_semaphore, #tpu.memory_space<semaphore_mem>>) src(%dma_wait3A_423 : memref<8192xf32, #tpu.memory_space<hbm>>) dst(%arg14 : memref<8192xf32, #tpu.memory_space<vmem>>)
    %scan3A_424 = arith.constant 0 : i32
    %scan3A_425 = arith.constant 512 : i32
    %scan3A_426 = arith.addi %scan3A_424, %scan3A_425 : i32
    %scan3A_427 = arith.constant 1 : i32
    scf.for %scan3A_746 = %scan3A_424 to %scan3A_426 step %scan3A_427  : i32 {
      %mul3A_747 = arith.constant 16 : i32
      %mul3A_748 = arith.muli %scan3A_746, %mul3A_747 : i32
      %add3A_749 = arith.constant 0 : i32
      %add3A_750 = arith.addi %add3A_749, %mul3A_748 : i32
      %get3A = arith.index_cast %add3A_750 : i32 to index
      %get3A_751 = tpu.vector_load %arg10[%get3A] {strides = array<i32>} : memref<8192xf32, #tpu.memory_space<vmem>>, vector<16xf32>,
      %get3A_752 = vector.shape_cast %get3A_751 : vector<16xf32> to vector<16xf32>
      %get3A_753 = arith.index_cast %add3A_750 : i32 to index
      %get3A_754 = tpu.vector_load %arg11[%get3A_753] {strides = array<i32>} : memref<8192xf32, #tpu.memory_space<vmem>>, vector<16xf32>,
      %get3A_755 = vector.shape_cast %get3A_754 : vector<16xf32> to vector<16xf32>
      %add3A_756 = arith.addf %get3A_755, %get3A_752 : vector<16xf32>
      %swap3A = arith.index_cast %add3A_750 : i32 to index
      %swap3A_757 = tpu.vector_load %arg11[%swap3A] {strides = array<i32>} : memref<8192xf32, #tpu.memory_space<vmem>>, vector<16xf32>,
      %swap3A_758 = vector.shape_cast %swap3A_757 : vector<16xf32> to vector<16xf32>
      %swap3A_759 = vector.shape_cast %add3A_756 : vector<16xf32> to vector<16xf32>
      tpu.vector_store %arg11[%swap3A], %swap3A_759 {strides = array<i32>} : memref<8192xf32, #tpu.memory_space<vmem>>, vector<16xf32>,
      %get3A_760 = arith.index_cast %add3A_750 : i32 to index
      %get3A_761 = tpu.vector_load %arg12[%get3A_760] {strides = array<i32>} : memref<8192xf32, #tpu.memory_space<vmem>>, vector<16xf32>,
      %get3A_762 = vector.shape_cast %get3A_761 : vector<16xf32> to vector<16xf32>
      %add3A_763 = arith.addf %get3A_762, %get3A_752 : vector<16xf32>
      %swap3A_764 = arith.index_cast %add3A_750 : i32 to index
      %swap3A_765 = tpu.vector_load %arg12[%swap3A_764] {strides = array<i32>} : memref<8192xf32, #tpu.memory_space<vmem>>, vector<16xf32>,
      %swap3A_766 = vector.shape_cast %swap3A_765 : vector<16xf32> to vector<16xf32>
      %swap3A_767 = vector.shape_cast %add3A_763 : vector<16xf32> to vector<16xf32>
      tpu.vector_store %arg12[%swap3A_764], %swap3A_767 {strides = array<i32>} : memref<8192xf32, #tpu.memory_space<vmem>>, vector<16xf32>,
      %get3A_768 = arith.index_cast %add3A_750 : i32 to index
      %get3A_769 = tpu.vector_load %arg13[%get3A_768] {strides = array<i32>} : memref<8192xf32, #tpu.memory_space<vmem>>, vector<16xf32>,
      %get3A_770 = vector.shape_cast %get3A_769 : vector<16xf32> to vector<16xf32>
      %add3A_771 = arith.addf %get3A_770, %get3A_752 : vector<16xf32>
      %swap3A_772 = arith.index_cast %add3A_750 : i32 to index
      %swap3A_773 = tpu.vector_load %arg13[%swap3A_772] {strides = array<i32>} : memref<8192xf32, #tpu.memory_space<vmem>>, vector<16xf32>,
      %swap3A_774 = vector.shape_cast %swap3A_773 : vector<16xf32> to vector<16xf32>
      %swap3A_775 = vector.shape_cast %add3A_771 : vector<16xf32> to vector<16xf32>
      tpu.vector_store %arg13[%swap3A_772], %swap3A_775 {strides = array<i32>} : memref<8192xf32, #tpu.memory_space<vmem>>, vector<16xf32>,
      %get3A_776 = arith.index_cast %add3A_750 : i32 to index
      %get3A_777 = tpu.vector_load %arg14[%get3A_776] {strides = array<i32>} : memref<8192xf32, #tpu.memory_space<vmem>>, vector<16xf32>,
      %get3A_778 = vector.shape_cast %get3A_777 : vector<16xf32> to vector<16xf32>
      %add3A_779 = arith.addf %get3A_778, %get3A_752 : vector<16xf32>
      %swap3A_780 = arith.index_cast %add3A_750 : i32 to index
      %swap3A_781 = tpu.vector_load %arg14[%swap3A_780] {strides = array<i32>} : memref<8192xf32, #tpu.memory_space<vmem>>, vector<16xf32>,
      %swap3A_782 = vector.shape_cast %swap3A_781 : vector<16xf32> to vector<16xf32>
      %swap3A_783 = vector.shape_cast %add3A_779 : vector<16xf32> to vector<16xf32>
      tpu.vector_store %arg14[%swap3A_780], %swap3A_783 {strides = array<i32>} : memref<8192xf32, #tpu.memory_space<vmem>>, vector<16xf32>,
    }
    %scan3A_428 = arith.constant 512 : i32
    %add3A_429 = arith.constant 32768 : i32
    %add3A_430 = arith.addi %mul3A_4, %add3A_429 : i32
    %dma_start3A_431 = arith.constant 0 : i32
    %dma_start3A_432 = tpu.memref_slice %arg4[%dma_start3A_431, %add3A_430] : memref<4x2097152xf32, #tpu.memory_space<hbm>> -> memref<1x8192xf32, #tpu.memory_space<hbm>>
    %dma_start3A_433 = tpu.memref_squeeze %dma_start3A_432 : memref<1x8192xf32, #tpu.memory_space<hbm>> -> memref<8192xf32, #tpu.memory_space<hbm>>
    %dma_start3A_434 = tpu.memref_slice %arg4[%dma_start3A_431, %add3A_430] : memref<4x2097152xf32, #tpu.memory_space<hbm>> -> memref<1x8192xf32, #tpu.memory_space<hbm>>
    %dma_start3A_435 = tpu.memref_squeeze %dma_start3A_434 : memref<1x8192xf32, #tpu.memory_space<hbm>> -> memref<8192xf32, #tpu.memory_space<hbm>>
    tpu.enqueue_dma source(%arg11 : memref<8192xf32, #tpu.memory_space<vmem>>) target(%dma_start3A_435 : memref<8192xf32, #tpu.memory_space<hbm>>) target_semaphore(%arg24 : memref<!tpu.dma_semaphore, #tpu.memory_space<semaphore_mem>>)
    %dma_start3A_436 = arith.constant 1 : i32
    %dma_start3A_437 = tpu.memref_slice %arg4[%dma_start3A_436, %add3A_430] : memref<4x2097152xf32, #tpu.memory_space<hbm>> -> memref<1x8192xf32, #tpu.memory_space<hbm>>
    %dma_start3A_438 = tpu.memref_squeeze %dma_start3A_437 : memref<1x8192xf32, #tpu.memory_space<hbm>> -> memref<8192xf32, #tpu.memory_space<hbm>>
    %dma_start3A_439 = tpu.memref_slice %arg4[%dma_start3A_436, %add3A_430] : memref<4x2097152xf32, #tpu.memory_space<hbm>> -> memref<1x8192xf32, #tpu.memory_space<hbm>>
    %dma_start3A_440 = tpu.memref_squeeze %dma_start3A_439 : memref<1x8192xf32, #tpu.memory_space<hbm>> -> memref<8192xf32, #tpu.memory_space<hbm>>
    tpu.enqueue_dma source(%arg12 : memref<8192xf32, #tpu.memory_space<vmem>>) target(%dma_start3A_440 : memref<8192xf32, #tpu.memory_space<hbm>>) target_semaphore(%arg24 : memref<!tpu.dma_semaphore, #tpu.memory_space<semaphore_mem>>)
    %dma_start3A_441 = arith.constant 2 : i32
    %dma_start3A_442 = tpu.memref_slice %arg4[%dma_start3A_441, %add3A_430] : memref<4x2097152xf32, #tpu.memory_space<hbm>> -> memref<1x8192xf32, #tpu.memory_space<hbm>>
    %dma_start3A_443 = tpu.memref_squeeze %dma_start3A_442 : memref<1x8192xf32, #tpu.memory_space<hbm>> -> memref<8192xf32, #tpu.memory_space<hbm>>
    %dma_start3A_444 = tpu.memref_slice %arg4[%dma_start3A_441, %add3A_430] : memref<4x2097152xf32, #tpu.memory_space<hbm>> -> memref<1x8192xf32, #tpu.memory_space<hbm>>
    %dma_start3A_445 = tpu.memref_squeeze %dma_start3A_444 : memref<1x8192xf32, #tpu.memory_space<hbm>> -> memref<8192xf32, #tpu.memory_space<hbm>>
    tpu.enqueue_dma source(%arg13 : memref<8192xf32, #tpu.memory_space<vmem>>) target(%dma_start3A_445 : memref<8192xf32, #tpu.memory_space<hbm>>) target_semaphore(%arg24 : memref<!tpu.dma_semaphore, #tpu.memory_space<semaphore_mem>>)
    %dma_start3A_446 = arith.constant 3 : i32
    %dma_start3A_447 = tpu.memref_slice %arg4[%dma_start3A_446, %add3A_430] : memref<4x2097152xf32, #tpu.memory_space<hbm>> -> memref<1x8192xf32, #tpu.memory_space<hbm>>
    %dma_start3A_448 = tpu.memref_squeeze %dma_start3A_447 : memref<1x8192xf32, #tpu.memory_space<hbm>> -> memref<8192xf32, #tpu.memory_space<hbm>>
    %dma_start3A_449 = tpu.memref_slice %arg4[%dma_start3A_446, %add3A_430] : memref<4x2097152xf32, #tpu.memory_space<hbm>> -> memref<1x8192xf32, #tpu.memory_space<hbm>>
    %dma_start3A_450 = tpu.memref_squeeze %dma_start3A_449 : memref<1x8192xf32, #tpu.memory_space<hbm>> -> memref<8192xf32, #tpu.memory_space<hbm>>
    tpu.enqueue_dma source(%arg14 : memref<8192xf32, #tpu.memory_space<vmem>>) target(%dma_start3A_450 : memref<8192xf32, #tpu.memory_space<hbm>>) target_semaphore(%arg24 : memref<!tpu.dma_semaphore, #tpu.memory_space<semaphore_mem>>)
    %dma_wait3A_451 = arith.constant 0 : i32
    %dma_wait3A_452 = tpu.memref_slice %arg4[%dma_wait3A_451, %add3A_337] : memref<4x2097152xf32, #tpu.memory_space<hbm>> -> memref<1x8192xf32, #tpu.memory_space<hbm>>
    %dma_wait3A_453 = tpu.memref_squeeze %dma_wait3A_452 : memref<1x8192xf32, #tpu.memory_space<hbm>> -> memref<8192xf32, #tpu.memory_space<hbm>>
    %dma_wait3A_454 = tpu.memref_slice %arg4[%dma_wait3A_451, %add3A_337] : memref<4x2097152xf32, #tpu.memory_space<hbm>> -> memref<1x8192xf32, #tpu.memory_space<hbm>>
    %dma_wait3A_455 = tpu.memref_squeeze %dma_wait3A_454 : memref<1x8192xf32, #tpu.memory_space<hbm>> -> memref<8192xf32, #tpu.memory_space<hbm>>
    tpu.wait_dma2 semaphore(%arg23 : memref<!tpu.dma_semaphore, #tpu.memory_space<semaphore_mem>>) src(%arg6 : memref<8192xf32, #tpu.memory_space<vmem>>) dst(%dma_wait3A_455 : memref<8192xf32, #tpu.memory_space<hbm>>)
    %dma_wait3A_456 = arith.constant 1 : i32
    %dma_wait3A_457 = tpu.memref_slice %arg4[%dma_wait3A_456, %add3A_337] : memref<4x2097152xf32, #tpu.memory_space<hbm>> -> memref<1x8192xf32, #tpu.memory_space<hbm>>
    %dma_wait3A_458 = tpu.memref_squeeze %dma_wait3A_457 : memref<1x8192xf32, #tpu.memory_space<hbm>> -> memref<8192xf32, #tpu.memory_space<hbm>>
    %dma_wait3A_459 = tpu.memref_slice %arg4[%dma_wait3A_456, %add3A_337] : memref<4x2097152xf32, #tpu.memory_space<hbm>> -> memref<1x8192xf32, #tpu.memory_space<hbm>>
    %dma_wait3A_460 = tpu.memref_squeeze %dma_wait3A_459 : memref<1x8192xf32, #tpu.memory_space<hbm>> -> memref<8192xf32, #tpu.memory_space<hbm>>
    tpu.wait_dma2 semaphore(%arg23 : memref<!tpu.dma_semaphore, #tpu.memory_space<semaphore_mem>>) src(%arg7 : memref<8192xf32, #tpu.memory_space<vmem>>) dst(%dma_wait3A_460 : memref<8192xf32, #tpu.memory_space<hbm>>)
    %dma_wait3A_461 = arith.constant 2 : i32
    %dma_wait3A_462 = tpu.memref_slice %arg4[%dma_wait3A_461, %add3A_337] : memref<4x2097152xf32, #tpu.memory_space<hbm>> -> memref<1x8192xf32, #tpu.memory_space<hbm>>
    %dma_wait3A_463 = tpu.memref_squeeze %dma_wait3A_462 : memref<1x8192xf32, #tpu.memory_space<hbm>> -> memref<8192xf32, #tpu.memory_space<hbm>>
    %dma_wait3A_464 = tpu.memref_slice %arg4[%dma_wait3A_461, %add3A_337] : memref<4x2097152xf32, #tpu.memory_space<hbm>> -> memref<1x8192xf32, #tpu.memory_space<hbm>>
    %dma_wait3A_465 = tpu.memref_squeeze %dma_wait3A_464 : memref<1x8192xf32, #tpu.memory_space<hbm>> -> memref<8192xf32, #tpu.memory_space<hbm>>
    tpu.wait_dma2 semaphore(%arg23 : memref<!tpu.dma_semaphore, #tpu.memory_space<semaphore_mem>>) src(%arg8 : memref<8192xf32, #tpu.memory_space<vmem>>) dst(%dma_wait3A_465 : memref<8192xf32, #tpu.memory_space<hbm>>)
    %dma_wait3A_466 = arith.constant 3 : i32
    %dma_wait3A_467 = tpu.memref_slice %arg4[%dma_wait3A_466, %add3A_337] : memref<4x2097152xf32, #tpu.memory_space<hbm>> -> memref<1x8192xf32, #tpu.memory_space<hbm>>
    %dma_wait3A_468 = tpu.memref_squeeze %dma_wait3A_467 : memref<1x8192xf32, #tpu.memory_space<hbm>> -> memref<8192xf32, #tpu.memory_space<hbm>>
    %dma_wait3A_469 = tpu.memref_slice %arg4[%dma_wait3A_466, %add3A_337] : memref<4x2097152xf32, #tpu.memory_space<hbm>> -> memref<1x8192xf32, #tpu.memory_space<hbm>>
    %dma_wait3A_470 = tpu.memref_squeeze %dma_wait3A_469 : memref<1x8192xf32, #tpu.memory_space<hbm>> -> memref<8192xf32, #tpu.memory_space<hbm>>
    tpu.wait_dma2 semaphore(%arg23 : memref<!tpu.dma_semaphore, #tpu.memory_space<semaphore_mem>>) src(%arg9 : memref<8192xf32, #tpu.memory_space<vmem>>) dst(%dma_wait3A_470 : memref<8192xf32, #tpu.memory_space<hbm>>)
    %add3A_471 = arith.constant 49152 : i32
    %add3A_472 = arith.addi %mul3A_4, %add3A_471 : i32
    %dma_start3A_473 = tpu.memref_slice %arg3[%add3A_472] : memref<2097152xf32, #tpu.memory_space<hbm>> -> memref<8192xf32, #tpu.memory_space<hbm>>
    %dma_start3A_474 = tpu.memref_slice %arg3[%add3A_472] : memref<2097152xf32, #tpu.memory_space<hbm>> -> memref<8192xf32, #tpu.memory_space<hbm>>
    tpu.enqueue_dma source(%dma_start3A_474 : memref<8192xf32, #tpu.memory_space<hbm>>) target(%arg5 : memref<8192xf32, #tpu.memory_space<vmem>>) target_semaphore(%arg20 : memref<!tpu.dma_semaphore, #tpu.memory_space<semaphore_mem>>)
    %dma_start3A_475 = arith.constant 0 : i32
    %dma_start3A_476 = tpu.memref_slice %arg2[%dma_start3A_475, %add3A_472] : memref<4x2097152xf32, #tpu.memory_space<hbm>> -> memref<1x8192xf32, #tpu.memory_space<hbm>>
    %dma_start3A_477 = tpu.memref_squeeze %dma_start3A_476 : memref<1x8192xf32, #tpu.memory_space<hbm>> -> memref<8192xf32, #tpu.memory_space<hbm>>
    %dma_start3A_478 = tpu.memref_slice %arg2[%dma_start3A_475, %add3A_472] : memref<4x2097152xf32, #tpu.memory_space<hbm>> -> memref<1x8192xf32, #tpu.memory_space<hbm>>
    %dma_start3A_479 = tpu.memref_squeeze %dma_start3A_478 : memref<1x8192xf32, #tpu.memory_space<hbm>> -> memref<8192xf32, #tpu.memory_space<hbm>>
    tpu.enqueue_dma source(%dma_start3A_479 : memref<8192xf32, #tpu.memory_space<hbm>>) target(%arg6 : memref<8192xf32, #tpu.memory_space<vmem>>) target_semaphore(%arg20 : memref<!tpu.dma_semaphore, #tpu.memory_space<semaphore_mem>>)
    %dma_start3A_480 = arith.constant 1 : i32
    %dma_start3A_481 = tpu.memref_slice %arg2[%dma_start3A_480, %add3A_472] : memref<4x2097152xf32, #tpu.memory_space<hbm>> -> memref<1x8192xf32, #tpu.memory_space<hbm>>
    %dma_start3A_482 = tpu.memref_squeeze %dma_start3A_481 : memref<1x8192xf32, #tpu.memory_space<hbm>> -> memref<8192xf32, #tpu.memory_space<hbm>>
    %dma_start3A_483 = tpu.memref_slice %arg2[%dma_start3A_480, %add3A_472] : memref<4x2097152xf32, #tpu.memory_space<hbm>> -> memref<1x8192xf32, #tpu.memory_space<hbm>>
    %dma_start3A_484 = tpu.memref_squeeze %dma_start3A_483 : memref<1x8192xf32, #tpu.memory_space<hbm>> -> memref<8192xf32, #tpu.memory_space<hbm>>
    tpu.enqueue_dma source(%dma_start3A_484 : memref<8192xf32, #tpu.memory_space<hbm>>) target(%arg7 : memref<8192xf32, #tpu.memory_space<vmem>>) target_semaphore(%arg20 : memref<!tpu.dma_semaphore, #tpu.memory_space<semaphore_mem>>)
    %dma_start3A_485 = arith.constant 2 : i32
    %dma_start3A_486 = tpu.memref_slice %arg2[%dma_start3A_485, %add3A_472] : memref<4x2097152xf32, #tpu.memory_space<hbm>> -> memref<1x8192xf32, #tpu.memory_space<hbm>>
    %dma_start3A_487 = tpu.memref_squeeze %dma_start3A_486 : memref<1x8192xf32, #tpu.memory_space<hbm>> -> memref<8192xf32, #tpu.memory_space<hbm>>
    %dma_start3A_488 = tpu.memref_slice %arg2[%dma_start3A_485, %add3A_472] : memref<4x2097152xf32, #tpu.memory_space<hbm>> -> memref<1x8192xf32, #tpu.memory_space<hbm>>
    %dma_start3A_489 = tpu.memref_squeeze %dma_start3A_488 : memref<1x8192xf32, #tpu.memory_space<hbm>> -> memref<8192xf32, #tpu.memory_space<hbm>>
    tpu.enqueue_dma source(%dma_start3A_489 : memref<8192xf32, #tpu.memory_space<hbm>>) target(%arg8 : memref<8192xf32, #tpu.memory_space<vmem>>) target_semaphore(%arg20 : memref<!tpu.dma_semaphore, #tpu.memory_space<semaphore_mem>>)
    %dma_start3A_490 = arith.constant 3 : i32
    %dma_start3A_491 = tpu.memref_slice %arg2[%dma_start3A_490, %add3A_472] : memref<4x2097152xf32, #tpu.memory_space<hbm>> -> memref<1x8192xf32, #tpu.memory_space<hbm>>
    %dma_start3A_492 = tpu.memref_squeeze %dma_start3A_491 : memref<1x8192xf32, #tpu.memory_space<hbm>> -> memref<8192xf32, #tpu.memory_space<hbm>>
    %dma_start3A_493 = tpu.memref_slice %arg2[%dma_start3A_490, %add3A_472] : memref<4x2097152xf32, #tpu.memory_space<hbm>> -> memref<1x8192xf32, #tpu.memory_space<hbm>>
    %dma_start3A_494 = tpu.memref_squeeze %dma_start3A_493 : memref<1x8192xf32, #tpu.memory_space<hbm>> -> memref<8192xf32, #tpu.memory_space<hbm>>
    tpu.enqueue_dma source(%dma_start3A_494 : memref<8192xf32, #tpu.memory_space<hbm>>) target(%arg9 : memref<8192xf32, #tpu.memory_space<vmem>>) target_semaphore(%arg20 : memref<!tpu.dma_semaphore, #tpu.memory_space<semaphore_mem>>)
    %dma_wait3A_495 = tpu.memref_slice %arg3[%add3A_379] : memref<2097152xf32, #tpu.memory_space<hbm>> -> memref<8192xf32, #tpu.memory_space<hbm>>
    %dma_wait3A_496 = tpu.memref_slice %arg3[%add3A_379] : memref<2097152xf32, #tpu.memory_space<hbm>> -> memref<8192xf32, #tpu.memory_space<hbm>>
    tpu.wait_dma2 semaphore(%arg22 : memref<!tpu.dma_semaphore, #tpu.memory_space<semaphore_mem>>) src(%dma_wait3A_496 : memref<8192xf32, #tpu.memory_space<hbm>>) dst(%arg15 : memref<8192xf32, #tpu.memory_space<vmem>>)
    %dma_wait3A_497 = arith.constant 0 : i32
    %dma_wait3A_498 = tpu.memref_slice %arg2[%dma_wait3A_497, %add3A_379] : memref<4x2097152xf32, #tpu.memory_space<hbm>> -> memref<1x8192xf32, #tpu.memory_space<hbm>>
    %dma_wait3A_499 = tpu.memref_squeeze %dma_wait3A_498 : memref<1x8192xf32, #tpu.memory_space<hbm>> -> memref<8192xf32, #tpu.memory_space<hbm>>
    %dma_wait3A_500 = tpu.memref_slice %arg2[%dma_wait3A_497, %add3A_379] : memref<4x2097152xf32, #tpu.memory_space<hbm>> -> memref<1x8192xf32, #tpu.memory_space<hbm>>
    %dma_wait3A_501 = tpu.memref_squeeze %dma_wait3A_500 : memref<1x8192xf32, #tpu.memory_space<hbm>> -> memref<8192xf32, #tpu.memory_space<hbm>>
    tpu.wait_dma2 semaphore(%arg22 : memref<!tpu.dma_semaphore, #tpu.memory_space<semaphore_mem>>) src(%dma_wait3A_501 : memref<8192xf32, #tpu.memory_space<hbm>>) dst(%arg16 : memref<8192xf32, #tpu.memory_space<vmem>>)
    %dma_wait3A_502 = arith.constant 1 : i32
    %dma_wait3A_503 = tpu.memref_slice %arg2[%dma_wait3A_502, %add3A_379] : memref<4x2097152xf32, #tpu.memory_space<hbm>> -> memref<1x8192xf32, #tpu.memory_space<hbm>>
    %dma_wait3A_504 = tpu.memref_squeeze %dma_wait3A_503 : memref<1x8192xf32, #tpu.memory_space<hbm>> -> memref<8192xf32, #tpu.memory_space<hbm>>
    %dma_wait3A_505 = tpu.memref_slice %arg2[%dma_wait3A_502, %add3A_379] : memref<4x2097152xf32, #tpu.memory_space<hbm>> -> memref<1x8192xf32, #tpu.memory_space<hbm>>
    %dma_wait3A_506 = tpu.memref_squeeze %dma_wait3A_505 : memref<1x8192xf32, #tpu.memory_space<hbm>> -> memref<8192xf32, #tpu.memory_space<hbm>>
    tpu.wait_dma2 semaphore(%arg22 : memref<!tpu.dma_semaphore, #tpu.memory_space<semaphore_mem>>) src(%dma_wait3A_506 : memref<8192xf32, #tpu.memory_space<hbm>>) dst(%arg17 : memref<8192xf32, #tpu.memory_space<vmem>>)
    %dma_wait3A_507 = arith.constant 2 : i32
    %dma_wait3A_508 = tpu.memref_slice %arg2[%dma_wait3A_507, %add3A_379] : memref<4x2097152xf32, #tpu.memory_space<hbm>> -> memref<1x8192xf32, #tpu.memory_space<hbm>>
    %dma_wait3A_509 = tpu.memref_squeeze %dma_wait3A_508 : memref<1x8192xf32, #tpu.memory_space<hbm>> -> memref<8192xf32, #tpu.memory_space<hbm>>
    %dma_wait3A_510 = tpu.memref_slice %arg2[%dma_wait3A_507, %add3A_379] : memref<4x2097152xf32, #tpu.memory_space<hbm>> -> memref<1x8192xf32, #tpu.memory_space<hbm>>
    %dma_wait3A_511 = tpu.memref_squeeze %dma_wait3A_510 : memref<1x8192xf32, #tpu.memory_space<hbm>> -> memref<8192xf32, #tpu.memory_space<hbm>>
    tpu.wait_dma2 semaphore(%arg22 : memref<!tpu.dma_semaphore, #tpu.memory_space<semaphore_mem>>) src(%dma_wait3A_511 : memref<8192xf32, #tpu.memory_space<hbm>>) dst(%arg18 : memref<8192xf32, #tpu.memory_space<vmem>>)
    %dma_wait3A_512 = arith.constant 3 : i32
    %dma_wait3A_513 = tpu.memref_slice %arg2[%dma_wait3A_512, %add3A_379] : memref<4x2097152xf32, #tpu.memory_space<hbm>> -> memref<1x8192xf32, #tpu.memory_space<hbm>>
    %dma_wait3A_514 = tpu.memref_squeeze %dma_wait3A_513 : memref<1x8192xf32, #tpu.memory_space<hbm>> -> memref<8192xf32, #tpu.memory_space<hbm>>
    %dma_wait3A_515 = tpu.memref_slice %arg2[%dma_wait3A_512, %add3A_379] : memref<4x2097152xf32, #tpu.memory_space<hbm>> -> memref<1x8192xf32, #tpu.memory_space<hbm>>
    %dma_wait3A_516 = tpu.memref_squeeze %dma_wait3A_515 : memref<1x8192xf32, #tpu.memory_space<hbm>> -> memref<8192xf32, #tpu.memory_space<hbm>>
    tpu.wait_dma2 semaphore(%arg22 : memref<!tpu.dma_semaphore, #tpu.memory_space<semaphore_mem>>) src(%dma_wait3A_516 : memref<8192xf32, #tpu.memory_space<hbm>>) dst(%arg19 : memref<8192xf32, #tpu.memory_space<vmem>>)
    %scan3A_517 = arith.constant 0 : i32
    %scan3A_518 = arith.constant 512 : i32
    %scan3A_519 = arith.addi %scan3A_517, %scan3A_518 : i32
    %scan3A_520 = arith.constant 1 : i32
    scf.for %scan3A_746 = %scan3A_517 to %scan3A_519 step %scan3A_520  : i32 {
      %mul3A_747 = arith.constant 16 : i32
      %mul3A_748 = arith.muli %scan3A_746, %mul3A_747 : i32
      %add3A_749 = arith.constant 0 : i32
      %add3A_750 = arith.addi %add3A_749, %mul3A_748 : i32
      %get3A = arith.index_cast %add3A_750 : i32 to index
      %get3A_751 = tpu.vector_load %arg15[%get3A] {strides = array<i32>} : memref<8192xf32, #tpu.memory_space<vmem>>, vector<16xf32>,
      %get3A_752 = vector.shape_cast %get3A_751 : vector<16xf32> to vector<16xf32>
      %get3A_753 = arith.index_cast %add3A_750 : i32 to index
      %get3A_754 = tpu.vector_load %arg16[%get3A_753] {strides = array<i32>} : memref<8192xf32, #tpu.memory_space<vmem>>, vector<16xf32>,
      %get3A_755 = vector.shape_cast %get3A_754 : vector<16xf32> to vector<16xf32>
      %add3A_756 = arith.addf %get3A_755, %get3A_752 : vector<16xf32>
      %swap3A = arith.index_cast %add3A_750 : i32 to index
      %swap3A_757 = tpu.vector_load %arg16[%swap3A] {strides = array<i32>} : memref<8192xf32, #tpu.memory_space<vmem>>, vector<16xf32>,
      %swap3A_758 = vector.shape_cast %swap3A_757 : vector<16xf32> to vector<16xf32>
      %swap3A_759 = vector.shape_cast %add3A_756 : vector<16xf32> to vector<16xf32>
      tpu.vector_store %arg16[%swap3A], %swap3A_759 {strides = array<i32>} : memref<8192xf32, #tpu.memory_space<vmem>>, vector<16xf32>,
      %get3A_760 = arith.index_cast %add3A_750 : i32 to index
      %get3A_761 = tpu.vector_load %arg17[%get3A_760] {strides = array<i32>} : memref<8192xf32, #tpu.memory_space<vmem>>, vector<16xf32>,
      %get3A_762 = vector.shape_cast %get3A_761 : vector<16xf32> to vector<16xf32>
      %add3A_763 = arith.addf %get3A_762, %get3A_752 : vector<16xf32>
      %swap3A_764 = arith.index_cast %add3A_750 : i32 to index
      %swap3A_765 = tpu.vector_load %arg17[%swap3A_764] {strides = array<i32>} : memref<8192xf32, #tpu.memory_space<vmem>>, vector<16xf32>,
      %swap3A_766 = vector.shape_cast %swap3A_765 : vector<16xf32> to vector<16xf32>
      %swap3A_767 = vector.shape_cast %add3A_763 : vector<16xf32> to vector<16xf32>
      tpu.vector_store %arg17[%swap3A_764], %swap3A_767 {strides = array<i32>} : memref<8192xf32, #tpu.memory_space<vmem>>, vector<16xf32>,
      %get3A_768 = arith.index_cast %add3A_750 : i32 to index
      %get3A_769 = tpu.vector_load %arg18[%get3A_768] {strides = array<i32>} : memref<8192xf32, #tpu.memory_space<vmem>>, vector<16xf32>,
      %get3A_770 = vector.shape_cast %get3A_769 : vector<16xf32> to vector<16xf32>
      %add3A_771 = arith.addf %get3A_770, %get3A_752 : vector<16xf32>
      %swap3A_772 = arith.index_cast %add3A_750 : i32 to index
      %swap3A_773 = tpu.vector_load %arg18[%swap3A_772] {strides = array<i32>} : memref<8192xf32, #tpu.memory_space<vmem>>, vector<16xf32>,
      %swap3A_774 = vector.shape_cast %swap3A_773 : vector<16xf32> to vector<16xf32>
      %swap3A_775 = vector.shape_cast %add3A_771 : vector<16xf32> to vector<16xf32>
      tpu.vector_store %arg18[%swap3A_772], %swap3A_775 {strides = array<i32>} : memref<8192xf32, #tpu.memory_space<vmem>>, vector<16xf32>,
      %get3A_776 = arith.index_cast %add3A_750 : i32 to index
      %get3A_777 = tpu.vector_load %arg19[%get3A_776] {strides = array<i32>} : memref<8192xf32, #tpu.memory_space<vmem>>, vector<16xf32>,
      %get3A_778 = vector.shape_cast %get3A_777 : vector<16xf32> to vector<16xf32>
      %add3A_779 = arith.addf %get3A_778, %get3A_752 : vector<16xf32>
      %swap3A_780 = arith.index_cast %add3A_750 : i32 to index
      %swap3A_781 = tpu.vector_load %arg19[%swap3A_780] {strides = array<i32>} : memref<8192xf32, #tpu.memory_space<vmem>>, vector<16xf32>,
      %swap3A_782 = vector.shape_cast %swap3A_781 : vector<16xf32> to vector<16xf32>
      %swap3A_783 = vector.shape_cast %add3A_779 : vector<16xf32> to vector<16xf32>
      tpu.vector_store %arg19[%swap3A_780], %swap3A_783 {strides = array<i32>} : memref<8192xf32, #tpu.memory_space<vmem>>, vector<16xf32>,
    }
    %scan3A_521 = arith.constant 512 : i32
    %add3A_522 = arith.constant 40960 : i32
    %add3A_523 = arith.addi %mul3A_4, %add3A_522 : i32
    %dma_start3A_524 = arith.constant 0 : i32
    %dma_start3A_525 = tpu.memref_slice %arg4[%dma_start3A_524, %add3A_523] : memref<4x2097152xf32, #tpu.memory_space<hbm>> -> memref<1x8192xf32, #tpu.memory_space<hbm>>
    %dma_start3A_526 = tpu.memref_squeeze %dma_start3A_525 : memref<1x8192xf32, #tpu.memory_space<hbm>> -> memref<8192xf32, #tpu.memory_space<hbm>>
    %dma_start3A_527 = tpu.memref_slice %arg4[%dma_start3A_524, %add3A_523] : memref<4x2097152xf32, #tpu.memory_space<hbm>> -> memref<1x8192xf32, #tpu.memory_space<hbm>>
    %dma_start3A_528 = tpu.memref_squeeze %dma_start3A_527 : memref<1x8192xf32, #tpu.memory_space<hbm>> -> memref<8192xf32, #tpu.memory_space<hbm>>
    tpu.enqueue_dma source(%arg16 : memref<8192xf32, #tpu.memory_space<vmem>>) target(%dma_start3A_528 : memref<8192xf32, #tpu.memory_space<hbm>>) target_semaphore(%arg25 : memref<!tpu.dma_semaphore, #tpu.memory_space<semaphore_mem>>)
    %dma_start3A_529 = arith.constant 1 : i32
    %dma_start3A_530 = tpu.memref_slice %arg4[%dma_start3A_529, %add3A_523] : memref<4x2097152xf32, #tpu.memory_space<hbm>> -> memref<1x8192xf32, #tpu.memory_space<hbm>>
    %dma_start3A_531 = tpu.memref_squeeze %dma_start3A_530 : memref<1x8192xf32, #tpu.memory_space<hbm>> -> memref<8192xf32, #tpu.memory_space<hbm>>
    %dma_start3A_532 = tpu.memref_slice %arg4[%dma_start3A_529, %add3A_523] : memref<4x2097152xf32, #tpu.memory_space<hbm>> -> memref<1x8192xf32, #tpu.memory_space<hbm>>
    %dma_start3A_533 = tpu.memref_squeeze %dma_start3A_532 : memref<1x8192xf32, #tpu.memory_space<hbm>> -> memref<8192xf32, #tpu.memory_space<hbm>>
    tpu.enqueue_dma source(%arg17 : memref<8192xf32, #tpu.memory_space<vmem>>) target(%dma_start3A_533 : memref<8192xf32, #tpu.memory_space<hbm>>) target_semaphore(%arg25 : memref<!tpu.dma_semaphore, #tpu.memory_space<semaphore_mem>>)
    %dma_start3A_534 = arith.constant 2 : i32
    %dma_start3A_535 = tpu.memref_slice %arg4[%dma_start3A_534, %add3A_523] : memref<4x2097152xf32, #tpu.memory_space<hbm>> -> memref<1x8192xf32, #tpu.memory_space<hbm>>
    %dma_start3A_536 = tpu.memref_squeeze %dma_start3A_535 : memref<1x8192xf32, #tpu.memory_space<hbm>> -> memref<8192xf32, #tpu.memory_space<hbm>>
    %dma_start3A_537 = tpu.memref_slice %arg4[%dma_start3A_534, %add3A_523] : memref<4x2097152xf32, #tpu.memory_space<hbm>> -> memref<1x8192xf32, #tpu.memory_space<hbm>>
    %dma_start3A_538 = tpu.memref_squeeze %dma_start3A_537 : memref<1x8192xf32, #tpu.memory_space<hbm>> -> memref<8192xf32, #tpu.memory_space<hbm>>
    tpu.enqueue_dma source(%arg18 : memref<8192xf32, #tpu.memory_space<vmem>>) target(%dma_start3A_538 : memref<8192xf32, #tpu.memory_space<hbm>>) target_semaphore(%arg25 : memref<!tpu.dma_semaphore, #tpu.memory_space<semaphore_mem>>)
    %dma_start3A_539 = arith.constant 3 : i32
    %dma_start3A_540 = tpu.memref_slice %arg4[%dma_start3A_539, %add3A_523] : memref<4x2097152xf32, #tpu.memory_space<hbm>> -> memref<1x8192xf32, #tpu.memory_space<hbm>>
    %dma_start3A_541 = tpu.memref_squeeze %dma_start3A_540 : memref<1x8192xf32, #tpu.memory_space<hbm>> -> memref<8192xf32, #tpu.memory_space<hbm>>
    %dma_start3A_542 = tpu.memref_slice %arg4[%dma_start3A_539, %add3A_523] : memref<4x2097152xf32, #tpu.memory_space<hbm>> -> memref<1x8192xf32, #tpu.memory_space<hbm>>
    %dma_start3A_543 = tpu.memref_squeeze %dma_start3A_542 : memref<1x8192xf32, #tpu.memory_space<hbm>> -> memref<8192xf32, #tpu.memory_space<hbm>>
    tpu.enqueue_dma source(%arg19 : memref<8192xf32, #tpu.memory_space<vmem>>) target(%dma_start3A_543 : memref<8192xf32, #tpu.memory_space<hbm>>) target_semaphore(%arg25 : memref<!tpu.dma_semaphore, #tpu.memory_space<semaphore_mem>>)
    %dma_wait3A_544 = arith.constant 0 : i32
    %dma_wait3A_545 = tpu.memref_slice %arg4[%dma_wait3A_544, %add3A_430] : memref<4x2097152xf32, #tpu.memory_space<hbm>> -> memref<1x8192xf32, #tpu.memory_space<hbm>>
    %dma_wait3A_546 = tpu.memref_squeeze %dma_wait3A_545 : memref<1x8192xf32, #tpu.memory_space<hbm>> -> memref<8192xf32, #tpu.memory_space<hbm>>
    %dma_wait3A_547 = tpu.memref_slice %arg4[%dma_wait3A_544, %add3A_430] : memref<4x2097152xf32, #tpu.memory_space<hbm>> -> memref<1x8192xf32, #tpu.memory_space<hbm>>
    %dma_wait3A_548 = tpu.memref_squeeze %dma_wait3A_547 : memref<1x8192xf32, #tpu.memory_space<hbm>> -> memref<8192xf32, #tpu.memory_space<hbm>>
    tpu.wait_dma2 semaphore(%arg24 : memref<!tpu.dma_semaphore, #tpu.memory_space<semaphore_mem>>) src(%arg11 : memref<8192xf32, #tpu.memory_space<vmem>>) dst(%dma_wait3A_548 : memref<8192xf32, #tpu.memory_space<hbm>>)
    %dma_wait3A_549 = arith.constant 1 : i32
    %dma_wait3A_550 = tpu.memref_slice %arg4[%dma_wait3A_549, %add3A_430] : memref<4x2097152xf32, #tpu.memory_space<hbm>> -> memref<1x8192xf32, #tpu.memory_space<hbm>>
    %dma_wait3A_551 = tpu.memref_squeeze %dma_wait3A_550 : memref<1x8192xf32, #tpu.memory_space<hbm>> -> memref<8192xf32, #tpu.memory_space<hbm>>
    %dma_wait3A_552 = tpu.memref_slice %arg4[%dma_wait3A_549, %add3A_430] : memref<4x2097152xf32, #tpu.memory_space<hbm>> -> memref<1x8192xf32, #tpu.memory_space<hbm>>
    %dma_wait3A_553 = tpu.memref_squeeze %dma_wait3A_552 : memref<1x8192xf32, #tpu.memory_space<hbm>> -> memref<8192xf32, #tpu.memory_space<hbm>>
    tpu.wait_dma2 semaphore(%arg24 : memref<!tpu.dma_semaphore, #tpu.memory_space<semaphore_mem>>) src(%arg12 : memref<8192xf32, #tpu.memory_space<vmem>>) dst(%dma_wait3A_553 : memref<8192xf32, #tpu.memory_space<hbm>>)
    %dma_wait3A_554 = arith.constant 2 : i32
    %dma_wait3A_555 = tpu.memref_slice %arg4[%dma_wait3A_554, %add3A_430] : memref<4x2097152xf32, #tpu.memory_space<hbm>> -> memref<1x8192xf32, #tpu.memory_space<hbm>>
    %dma_wait3A_556 = tpu.memref_squeeze %dma_wait3A_555 : memref<1x8192xf32, #tpu.memory_space<hbm>> -> memref<8192xf32, #tpu.memory_space<hbm>>
    %dma_wait3A_557 = tpu.memref_slice %arg4[%dma_wait3A_554, %add3A_430] : memref<4x2097152xf32, #tpu.memory_space<hbm>> -> memref<1x8192xf32, #tpu.memory_space<hbm>>
    %dma_wait3A_558 = tpu.memref_squeeze %dma_wait3A_557 : memref<1x8192xf32, #tpu.memory_space<hbm>> -> memref<8192xf32, #tpu.memory_space<hbm>>
    tpu.wait_dma2 semaphore(%arg24 : memref<!tpu.dma_semaphore, #tpu.memory_space<semaphore_mem>>) src(%arg13 : memref<8192xf32, #tpu.memory_space<vmem>>) dst(%dma_wait3A_558 : memref<8192xf32, #tpu.memory_space<hbm>>)
    %dma_wait3A_559 = arith.constant 3 : i32
    %dma_wait3A_560 = tpu.memref_slice %arg4[%dma_wait3A_559, %add3A_430] : memref<4x2097152xf32, #tpu.memory_space<hbm>> -> memref<1x8192xf32, #tpu.memory_space<hbm>>
    %dma_wait3A_561 = tpu.memref_squeeze %dma_wait3A_560 : memref<1x8192xf32, #tpu.memory_space<hbm>> -> memref<8192xf32, #tpu.memory_space<hbm>>
    %dma_wait3A_562 = tpu.memref_slice %arg4[%dma_wait3A_559, %add3A_430] : memref<4x2097152xf32, #tpu.memory_space<hbm>> -> memref<1x8192xf32, #tpu.memory_space<hbm>>
    %dma_wait3A_563 = tpu.memref_squeeze %dma_wait3A_562 : memref<1x8192xf32, #tpu.memory_space<hbm>> -> memref<8192xf32, #tpu.memory_space<hbm>>
    tpu.wait_dma2 semaphore(%arg24 : memref<!tpu.dma_semaphore, #tpu.memory_space<semaphore_mem>>) src(%arg14 : memref<8192xf32, #tpu.memory_space<vmem>>) dst(%dma_wait3A_563 : memref<8192xf32, #tpu.memory_space<hbm>>)
    %add3A_564 = arith.constant 57344 : i32
    %add3A_565 = arith.addi %mul3A_4, %add3A_564 : i32
    %dma_start3A_566 = tpu.memref_slice %arg3[%add3A_565] : memref<2097152xf32, #tpu.memory_space<hbm>> -> memref<8192xf32, #tpu.memory_space<hbm>>
    %dma_start3A_567 = tpu.memref_slice %arg3[%add3A_565] : memref<2097152xf32, #tpu.memory_space<hbm>> -> memref<8192xf32, #tpu.memory_space<hbm>>
    tpu.enqueue_dma source(%dma_start3A_567 : memref<8192xf32, #tpu.memory_space<hbm>>) target(%arg10 : memref<8192xf32, #tpu.memory_space<vmem>>) target_semaphore(%arg21 : memref<!tpu.dma_semaphore, #tpu.memory_space<semaphore_mem>>)
    %dma_start3A_568 = arith.constant 0 : i32
    %dma_start3A_569 = tpu.memref_slice %arg2[%dma_start3A_568, %add3A_565] : memref<4x2097152xf32, #tpu.memory_space<hbm>> -> memref<1x8192xf32, #tpu.memory_space<hbm>>
    %dma_start3A_570 = tpu.memref_squeeze %dma_start3A_569 : memref<1x8192xf32, #tpu.memory_space<hbm>> -> memref<8192xf32, #tpu.memory_space<hbm>>
    %dma_start3A_571 = tpu.memref_slice %arg2[%dma_start3A_568, %add3A_565] : memref<4x2097152xf32, #tpu.memory_space<hbm>> -> memref<1x8192xf32, #tpu.memory_space<hbm>>
    %dma_start3A_572 = tpu.memref_squeeze %dma_start3A_571 : memref<1x8192xf32, #tpu.memory_space<hbm>> -> memref<8192xf32, #tpu.memory_space<hbm>>
    tpu.enqueue_dma source(%dma_start3A_572 : memref<8192xf32, #tpu.memory_space<hbm>>) target(%arg11 : memref<8192xf32, #tpu.memory_space<vmem>>) target_semaphore(%arg21 : memref<!tpu.dma_semaphore, #tpu.memory_space<semaphore_mem>>)
    %dma_start3A_573 = arith.constant 1 : i32
    %dma_start3A_574 = tpu.memref_slice %arg2[%dma_start3A_573, %add3A_565] : memref<4x2097152xf32, #tpu.memory_space<hbm>> -> memref<1x8192xf32, #tpu.memory_space<hbm>>
    %dma_start3A_575 = tpu.memref_squeeze %dma_start3A_574 : memref<1x8192xf32, #tpu.memory_space<hbm>> -> memref<8192xf32, #tpu.memory_space<hbm>>
    %dma_start3A_576 = tpu.memref_slice %arg2[%dma_start3A_573, %add3A_565] : memref<4x2097152xf32, #tpu.memory_space<hbm>> -> memref<1x8192xf32, #tpu.memory_space<hbm>>
    %dma_start3A_577 = tpu.memref_squeeze %dma_start3A_576 : memref<1x8192xf32, #tpu.memory_space<hbm>> -> memref<8192xf32, #tpu.memory_space<hbm>>
    tpu.enqueue_dma source(%dma_start3A_577 : memref<8192xf32, #tpu.memory_space<hbm>>) target(%arg12 : memref<8192xf32, #tpu.memory_space<vmem>>) target_semaphore(%arg21 : memref<!tpu.dma_semaphore, #tpu.memory_space<semaphore_mem>>)
    %dma_start3A_578 = arith.constant 2 : i32
    %dma_start3A_579 = tpu.memref_slice %arg2[%dma_start3A_578, %add3A_565] : memref<4x2097152xf32, #tpu.memory_space<hbm>> -> memref<1x8192xf32, #tpu.memory_space<hbm>>
    %dma_start3A_580 = tpu.memref_squeeze %dma_start3A_579 : memref<1x8192xf32, #tpu.memory_space<hbm>> -> memref<8192xf32, #tpu.memory_space<hbm>>
    %dma_start3A_581 = tpu.memref_slice %arg2[%dma_start3A_578, %add3A_565] : memref<4x2097152xf32, #tpu.memory_space<hbm>> -> memref<1x8192xf32, #tpu.memory_space<hbm>>
    %dma_start3A_582 = tpu.memref_squeeze %dma_start3A_581 : memref<1x8192xf32, #tpu.memory_space<hbm>> -> memref<8192xf32, #tpu.memory_space<hbm>>
    tpu.enqueue_dma source(%dma_start3A_582 : memref<8192xf32, #tpu.memory_space<hbm>>) target(%arg13 : memref<8192xf32, #tpu.memory_space<vmem>>) target_semaphore(%arg21 : memref<!tpu.dma_semaphore, #tpu.memory_space<semaphore_mem>>)
    %dma_start3A_583 = arith.constant 3 : i32
    %dma_start3A_584 = tpu.memref_slice %arg2[%dma_start3A_583, %add3A_565] : memref<4x2097152xf32, #tpu.memory_space<hbm>> -> memref<1x8192xf32, #tpu.memory_space<hbm>>
    %dma_start3A_585 = tpu.memref_squeeze %dma_start3A_584 : memref<1x8192xf32, #tpu.memory_space<hbm>> -> memref<8192xf32, #tpu.memory_space<hbm>>
    %dma_start3A_586 = tpu.memref_slice %arg2[%dma_start3A_583, %add3A_565] : memref<4x2097152xf32, #tpu.memory_space<hbm>> -> memref<1x8192xf32, #tpu.memory_space<hbm>>
    %dma_start3A_587 = tpu.memref_squeeze %dma_start3A_586 : memref<1x8192xf32, #tpu.memory_space<hbm>> -> memref<8192xf32, #tpu.memory_space<hbm>>
    tpu.enqueue_dma source(%dma_start3A_587 : memref<8192xf32, #tpu.memory_space<hbm>>) target(%arg14 : memref<8192xf32, #tpu.memory_space<vmem>>) target_semaphore(%arg21 : memref<!tpu.dma_semaphore, #tpu.memory_space<semaphore_mem>>)
    %dma_wait3A_588 = tpu.memref_slice %arg3[%add3A_472] : memref<2097152xf32, #tpu.memory_space<hbm>> -> memref<8192xf32, #tpu.memory_space<hbm>>
    %dma_wait3A_589 = tpu.memref_slice %arg3[%add3A_472] : memref<2097152xf32, #tpu.memory_space<hbm>> -> memref<8192xf32, #tpu.memory_space<hbm>>
    tpu.wait_dma2 semaphore(%arg20 : memref<!tpu.dma_semaphore, #tpu.memory_space<semaphore_mem>>) src(%dma_wait3A_589 : memref<8192xf32, #tpu.memory_space<hbm>>) dst(%arg5 : memref<8192xf32, #tpu.memory_space<vmem>>)
    %dma_wait3A_590 = arith.constant 0 : i32
    %dma_wait3A_591 = tpu.memref_slice %arg2[%dma_wait3A_590, %add3A_472] : memref<4x2097152xf32, #tpu.memory_space<hbm>> -> memref<1x8192xf32, #tpu.memory_space<hbm>>
    %dma_wait3A_592 = tpu.memref_squeeze %dma_wait3A_591 : memref<1x8192xf32, #tpu.memory_space<hbm>> -> memref<8192xf32, #tpu.memory_space<hbm>>
    %dma_wait3A_593 = tpu.memref_slice %arg2[%dma_wait3A_590, %add3A_472] : memref<4x2097152xf32, #tpu.memory_space<hbm>> -> memref<1x8192xf32, #tpu.memory_space<hbm>>
    %dma_wait3A_594 = tpu.memref_squeeze %dma_wait3A_593 : memref<1x8192xf32, #tpu.memory_space<hbm>> -> memref<8192xf32, #tpu.memory_space<hbm>>
    tpu.wait_dma2 semaphore(%arg20 : memref<!tpu.dma_semaphore, #tpu.memory_space<semaphore_mem>>) src(%dma_wait3A_594 : memref<8192xf32, #tpu.memory_space<hbm>>) dst(%arg6 : memref<8192xf32, #tpu.memory_space<vmem>>)
    %dma_wait3A_595 = arith.constant 1 : i32
    %dma_wait3A_596 = tpu.memref_slice %arg2[%dma_wait3A_595, %add3A_472] : memref<4x2097152xf32, #tpu.memory_space<hbm>> -> memref<1x8192xf32, #tpu.memory_space<hbm>>
    %dma_wait3A_597 = tpu.memref_squeeze %dma_wait3A_596 : memref<1x8192xf32, #tpu.memory_space<hbm>> -> memref<8192xf32, #tpu.memory_space<hbm>>
    %dma_wait3A_598 = tpu.memref_slice %arg2[%dma_wait3A_595, %add3A_472] : memref<4x2097152xf32, #tpu.memory_space<hbm>> -> memref<1x8192xf32, #tpu.memory_space<hbm>>
    %dma_wait3A_599 = tpu.memref_squeeze %dma_wait3A_598 : memref<1x8192xf32, #tpu.memory_space<hbm>> -> memref<8192xf32, #tpu.memory_space<hbm>>
    tpu.wait_dma2 semaphore(%arg20 : memref<!tpu.dma_semaphore, #tpu.memory_space<semaphore_mem>>) src(%dma_wait3A_599 : memref<8192xf32, #tpu.memory_space<hbm>>) dst(%arg7 : memref<8192xf32, #tpu.memory_space<vmem>>)
    %dma_wait3A_600 = arith.constant 2 : i32
    %dma_wait3A_601 = tpu.memref_slice %arg2[%dma_wait3A_600, %add3A_472] : memref<4x2097152xf32, #tpu.memory_space<hbm>> -> memref<1x8192xf32, #tpu.memory_space<hbm>>
    %dma_wait3A_602 = tpu.memref_squeeze %dma_wait3A_601 : memref<1x8192xf32, #tpu.memory_space<hbm>> -> memref<8192xf32, #tpu.memory_space<hbm>>
    %dma_wait3A_603 = tpu.memref_slice %arg2[%dma_wait3A_600, %add3A_472] : memref<4x2097152xf32, #tpu.memory_space<hbm>> -> memref<1x8192xf32, #tpu.memory_space<hbm>>
    %dma_wait3A_604 = tpu.memref_squeeze %dma_wait3A_603 : memref<1x8192xf32, #tpu.memory_space<hbm>> -> memref<8192xf32, #tpu.memory_space<hbm>>
    tpu.wait_dma2 semaphore(%arg20 : memref<!tpu.dma_semaphore, #tpu.memory_space<semaphore_mem>>) src(%dma_wait3A_604 : memref<8192xf32, #tpu.memory_space<hbm>>) dst(%arg8 : memref<8192xf32, #tpu.memory_space<vmem>>)
    %dma_wait3A_605 = arith.constant 3 : i32
    %dma_wait3A_606 = tpu.memref_slice %arg2[%dma_wait3A_605, %add3A_472] : memref<4x2097152xf32, #tpu.memory_space<hbm>> -> memref<1x8192xf32, #tpu.memory_space<hbm>>
    %dma_wait3A_607 = tpu.memref_squeeze %dma_wait3A_606 : memref<1x8192xf32, #tpu.memory_space<hbm>> -> memref<8192xf32, #tpu.memory_space<hbm>>
    %dma_wait3A_608 = tpu.memref_slice %arg2[%dma_wait3A_605, %add3A_472] : memref<4x2097152xf32, #tpu.memory_space<hbm>> -> memref<1x8192xf32, #tpu.memory_space<hbm>>
    %dma_wait3A_609 = tpu.memref_squeeze %dma_wait3A_608 : memref<1x8192xf32, #tpu.memory_space<hbm>> -> memref<8192xf32, #tpu.memory_space<hbm>>
    tpu.wait_dma2 semaphore(%arg20 : memref<!tpu.dma_semaphore, #tpu.memory_space<semaphore_mem>>) src(%dma_wait3A_609 : memref<8192xf32, #tpu.memory_space<hbm>>) dst(%arg9 : memref<8192xf32, #tpu.memory_space<vmem>>)
    %scan3A_610 = arith.constant 0 : i32
    %scan3A_611 = arith.constant 512 : i32
    %scan3A_612 = arith.addi %scan3A_610, %scan3A_611 : i32
    %scan3A_613 = arith.constant 1 : i32
    scf.for %scan3A_746 = %scan3A_610 to %scan3A_612 step %scan3A_613  : i32 {
      %mul3A_747 = arith.constant 16 : i32
      %mul3A_748 = arith.muli %scan3A_746, %mul3A_747 : i32
      %add3A_749 = arith.constant 0 : i32
      %add3A_750 = arith.addi %add3A_749, %mul3A_748 : i32
      %get3A = arith.index_cast %add3A_750 : i32 to index
      %get3A_751 = tpu.vector_load %arg5[%get3A] {strides = array<i32>} : memref<8192xf32, #tpu.memory_space<vmem>>, vector<16xf32>,
      %get3A_752 = vector.shape_cast %get3A_751 : vector<16xf32> to vector<16xf32>
      %get3A_753 = arith.index_cast %add3A_750 : i32 to index
      %get3A_754 = tpu.vector_load %arg6[%get3A_753] {strides = array<i32>} : memref<8192xf32, #tpu.memory_space<vmem>>, vector<16xf32>,
      %get3A_755 = vector.shape_cast %get3A_754 : vector<16xf32> to vector<16xf32>
      %add3A_756 = arith.addf %get3A_755, %get3A_752 : vector<16xf32>
      %swap3A = arith.index_cast %add3A_750 : i32 to index
      %swap3A_757 = tpu.vector_load %arg6[%swap3A] {strides = array<i32>} : memref<8192xf32, #tpu.memory_space<vmem>>, vector<16xf32>,
      %swap3A_758 = vector.shape_cast %swap3A_757 : vector<16xf32> to vector<16xf32>
      %swap3A_759 = vector.shape_cast %add3A_756 : vector<16xf32> to vector<16xf32>
      tpu.vector_store %arg6[%swap3A], %swap3A_759 {strides = array<i32>} : memref<8192xf32, #tpu.memory_space<vmem>>, vector<16xf32>,
      %get3A_760 = arith.index_cast %add3A_750 : i32 to index
      %get3A_761 = tpu.vector_load %arg7[%get3A_760] {strides = array<i32>} : memref<8192xf32, #tpu.memory_space<vmem>>, vector<16xf32>,
      %get3A_762 = vector.shape_cast %get3A_761 : vector<16xf32> to vector<16xf32>
      %add3A_763 = arith.addf %get3A_762, %get3A_752 : vector<16xf32>
      %swap3A_764 = arith.index_cast %add3A_750 : i32 to index
      %swap3A_765 = tpu.vector_load %arg7[%swap3A_764] {strides = array<i32>} : memref<8192xf32, #tpu.memory_space<vmem>>, vector<16xf32>,
      %swap3A_766 = vector.shape_cast %swap3A_765 : vector<16xf32> to vector<16xf32>
      %swap3A_767 = vector.shape_cast %add3A_763 : vector<16xf32> to vector<16xf32>
      tpu.vector_store %arg7[%swap3A_764], %swap3A_767 {strides = array<i32>} : memref<8192xf32, #tpu.memory_space<vmem>>, vector<16xf32>,
      %get3A_768 = arith.index_cast %add3A_750 : i32 to index
      %get3A_769 = tpu.vector_load %arg8[%get3A_768] {strides = array<i32>} : memref<8192xf32, #tpu.memory_space<vmem>>, vector<16xf32>,
      %get3A_770 = vector.shape_cast %get3A_769 : vector<16xf32> to vector<16xf32>
      %add3A_771 = arith.addf %get3A_770, %get3A_752 : vector<16xf32>
      %swap3A_772 = arith.index_cast %add3A_750 : i32 to index
      %swap3A_773 = tpu.vector_load %arg8[%swap3A_772] {strides = array<i32>} : memref<8192xf32, #tpu.memory_space<vmem>>, vector<16xf32>,
      %swap3A_774 = vector.shape_cast %swap3A_773 : vector<16xf32> to vector<16xf32>
      %swap3A_775 = vector.shape_cast %add3A_771 : vector<16xf32> to vector<16xf32>
      tpu.vector_store %arg8[%swap3A_772], %swap3A_775 {strides = array<i32>} : memref<8192xf32, #tpu.memory_space<vmem>>, vector<16xf32>,
      %get3A_776 = arith.index_cast %add3A_750 : i32 to index
      %get3A_777 = tpu.vector_load %arg9[%get3A_776] {strides = array<i32>} : memref<8192xf32, #tpu.memory_space<vmem>>, vector<16xf32>,
      %get3A_778 = vector.shape_cast %get3A_777 : vector<16xf32> to vector<16xf32>
      %add3A_779 = arith.addf %get3A_778, %get3A_752 : vector<16xf32>
      %swap3A_780 = arith.index_cast %add3A_750 : i32 to index
      %swap3A_781 = tpu.vector_load %arg9[%swap3A_780] {strides = array<i32>} : memref<8192xf32, #tpu.memory_space<vmem>>, vector<16xf32>,
      %swap3A_782 = vector.shape_cast %swap3A_781 : vector<16xf32> to vector<16xf32>
      %swap3A_783 = vector.shape_cast %add3A_779 : vector<16xf32> to vector<16xf32>
      tpu.vector_store %arg9[%swap3A_780], %swap3A_783 {strides = array<i32>} : memref<8192xf32, #tpu.memory_space<vmem>>, vector<16xf32>,
    }
    %scan3A_614 = arith.constant 512 : i32
    %add3A_615 = arith.constant 49152 : i32
    %add3A_616 = arith.addi %mul3A_4, %add3A_615 : i32
    %dma_start3A_617 = arith.constant 0 : i32
    %dma_start3A_618 = tpu.memref_slice %arg4[%dma_start3A_617, %add3A_616] : memref<4x2097152xf32, #tpu.memory_space<hbm>> -> memref<1x8192xf32, #tpu.memory_space<hbm>>
    %dma_start3A_619 = tpu.memref_squeeze %dma_start3A_618 : memref<1x8192xf32, #tpu.memory_space<hbm>> -> memref<8192xf32, #tpu.memory_space<hbm>>
    %dma_start3A_620 = tpu.memref_slice %arg4[%dma_start3A_617, %add3A_616] : memref<4x2097152xf32, #tpu.memory_space<hbm>> -> memref<1x8192xf32, #tpu.memory_space<hbm>>
    %dma_start3A_621 = tpu.memref_squeeze %dma_start3A_620 : memref<1x8192xf32, #tpu.memory_space<hbm>> -> memref<8192xf32, #tpu.memory_space<hbm>>
    tpu.enqueue_dma source(%arg6 : memref<8192xf32, #tpu.memory_space<vmem>>) target(%dma_start3A_621 : memref<8192xf32, #tpu.memory_space<hbm>>) target_semaphore(%arg23 : memref<!tpu.dma_semaphore, #tpu.memory_space<semaphore_mem>>)
    %dma_start3A_622 = arith.constant 1 : i32
    %dma_start3A_623 = tpu.memref_slice %arg4[%dma_start3A_622, %add3A_616] : memref<4x2097152xf32, #tpu.memory_space<hbm>> -> memref<1x8192xf32, #tpu.memory_space<hbm>>
    %dma_start3A_624 = tpu.memref_squeeze %dma_start3A_623 : memref<1x8192xf32, #tpu.memory_space<hbm>> -> memref<8192xf32, #tpu.memory_space<hbm>>
    %dma_start3A_625 = tpu.memref_slice %arg4[%dma_start3A_622, %add3A_616] : memref<4x2097152xf32, #tpu.memory_space<hbm>> -> memref<1x8192xf32, #tpu.memory_space<hbm>>
    %dma_start3A_626 = tpu.memref_squeeze %dma_start3A_625 : memref<1x8192xf32, #tpu.memory_space<hbm>> -> memref<8192xf32, #tpu.memory_space<hbm>>
    tpu.enqueue_dma source(%arg7 : memref<8192xf32, #tpu.memory_space<vmem>>) target(%dma_start3A_626 : memref<8192xf32, #tpu.memory_space<hbm>>) target_semaphore(%arg23 : memref<!tpu.dma_semaphore, #tpu.memory_space<semaphore_mem>>)
    %dma_start3A_627 = arith.constant 2 : i32
    %dma_start3A_628 = tpu.memref_slice %arg4[%dma_start3A_627, %add3A_616] : memref<4x2097152xf32, #tpu.memory_space<hbm>> -> memref<1x8192xf32, #tpu.memory_space<hbm>>
    %dma_start3A_629 = tpu.memref_squeeze %dma_start3A_628 : memref<1x8192xf32, #tpu.memory_space<hbm>> -> memref<8192xf32, #tpu.memory_space<hbm>>
    %dma_start3A_630 = tpu.memref_slice %arg4[%dma_start3A_627, %add3A_616] : memref<4x2097152xf32, #tpu.memory_space<hbm>> -> memref<1x8192xf32, #tpu.memory_space<hbm>>
    %dma_start3A_631 = tpu.memref_squeeze %dma_start3A_630 : memref<1x8192xf32, #tpu.memory_space<hbm>> -> memref<8192xf32, #tpu.memory_space<hbm>>
    tpu.enqueue_dma source(%arg8 : memref<8192xf32, #tpu.memory_space<vmem>>) target(%dma_start3A_631 : memref<8192xf32, #tpu.memory_space<hbm>>) target_semaphore(%arg23 : memref<!tpu.dma_semaphore, #tpu.memory_space<semaphore_mem>>)
    %dma_start3A_632 = arith.constant 3 : i32
    %dma_start3A_633 = tpu.memref_slice %arg4[%dma_start3A_632, %add3A_616] : memref<4x2097152xf32, #tpu.memory_space<hbm>> -> memref<1x8192xf32, #tpu.memory_space<hbm>>
    %dma_start3A_634 = tpu.memref_squeeze %dma_start3A_633 : memref<1x8192xf32, #tpu.memory_space<hbm>> -> memref<8192xf32, #tpu.memory_space<hbm>>
    %dma_start3A_635 = tpu.memref_slice %arg4[%dma_start3A_632, %add3A_616] : memref<4x2097152xf32, #tpu.memory_space<hbm>> -> memref<1x8192xf32, #tpu.memory_space<hbm>>
    %dma_start3A_636 = tpu.memref_squeeze %dma_start3A_635 : memref<1x8192xf32, #tpu.memory_space<hbm>> -> memref<8192xf32, #tpu.memory_space<hbm>>
    tpu.enqueue_dma source(%arg9 : memref<8192xf32, #tpu.memory_space<vmem>>) target(%dma_start3A_636 : memref<8192xf32, #tpu.memory_space<hbm>>) target_semaphore(%arg23 : memref<!tpu.dma_semaphore, #tpu.memory_space<semaphore_mem>>)
    %dma_wait3A_637 = tpu.memref_slice %arg3[%add3A_565] : memref<2097152xf32, #tpu.memory_space<hbm>> -> memref<8192xf32, #tpu.memory_space<hbm>>
    %dma_wait3A_638 = tpu.memref_slice %arg3[%add3A_565] : memref<2097152xf32, #tpu.memory_space<hbm>> -> memref<8192xf32, #tpu.memory_space<hbm>>
    tpu.wait_dma2 semaphore(%arg21 : memref<!tpu.dma_semaphore, #tpu.memory_space<semaphore_mem>>) src(%dma_wait3A_638 : memref<8192xf32, #tpu.memory_space<hbm>>) dst(%arg10 : memref<8192xf32, #tpu.memory_space<vmem>>)
    %dma_wait3A_639 = arith.constant 0 : i32
    %dma_wait3A_640 = tpu.memref_slice %arg2[%dma_wait3A_639, %add3A_565] : memref<4x2097152xf32, #tpu.memory_space<hbm>> -> memref<1x8192xf32, #tpu.memory_space<hbm>>
    %dma_wait3A_641 = tpu.memref_squeeze %dma_wait3A_640 : memref<1x8192xf32, #tpu.memory_space<hbm>> -> memref<8192xf32, #tpu.memory_space<hbm>>
    %dma_wait3A_642 = tpu.memref_slice %arg2[%dma_wait3A_639, %add3A_565] : memref<4x2097152xf32, #tpu.memory_space<hbm>> -> memref<1x8192xf32, #tpu.memory_space<hbm>>
    %dma_wait3A_643 = tpu.memref_squeeze %dma_wait3A_642 : memref<1x8192xf32, #tpu.memory_space<hbm>> -> memref<8192xf32, #tpu.memory_space<hbm>>
    tpu.wait_dma2 semaphore(%arg21 : memref<!tpu.dma_semaphore, #tpu.memory_space<semaphore_mem>>) src(%dma_wait3A_643 : memref<8192xf32, #tpu.memory_space<hbm>>) dst(%arg11 : memref<8192xf32, #tpu.memory_space<vmem>>)
    %dma_wait3A_644 = arith.constant 1 : i32
    %dma_wait3A_645 = tpu.memref_slice %arg2[%dma_wait3A_644, %add3A_565] : memref<4x2097152xf32, #tpu.memory_space<hbm>> -> memref<1x8192xf32, #tpu.memory_space<hbm>>
    %dma_wait3A_646 = tpu.memref_squeeze %dma_wait3A_645 : memref<1x8192xf32, #tpu.memory_space<hbm>> -> memref<8192xf32, #tpu.memory_space<hbm>>
    %dma_wait3A_647 = tpu.memref_slice %arg2[%dma_wait3A_644, %add3A_565] : memref<4x2097152xf32, #tpu.memory_space<hbm>> -> memref<1x8192xf32, #tpu.memory_space<hbm>>
    %dma_wait3A_648 = tpu.memref_squeeze %dma_wait3A_647 : memref<1x8192xf32, #tpu.memory_space<hbm>> -> memref<8192xf32, #tpu.memory_space<hbm>>
    tpu.wait_dma2 semaphore(%arg21 : memref<!tpu.dma_semaphore, #tpu.memory_space<semaphore_mem>>) src(%dma_wait3A_648 : memref<8192xf32, #tpu.memory_space<hbm>>) dst(%arg12 : memref<8192xf32, #tpu.memory_space<vmem>>)
    %dma_wait3A_649 = arith.constant 2 : i32
    %dma_wait3A_650 = tpu.memref_slice %arg2[%dma_wait3A_649, %add3A_565] : memref<4x2097152xf32, #tpu.memory_space<hbm>> -> memref<1x8192xf32, #tpu.memory_space<hbm>>
    %dma_wait3A_651 = tpu.memref_squeeze %dma_wait3A_650 : memref<1x8192xf32, #tpu.memory_space<hbm>> -> memref<8192xf32, #tpu.memory_space<hbm>>
    %dma_wait3A_652 = tpu.memref_slice %arg2[%dma_wait3A_649, %add3A_565] : memref<4x2097152xf32, #tpu.memory_space<hbm>> -> memref<1x8192xf32, #tpu.memory_space<hbm>>
    %dma_wait3A_653 = tpu.memref_squeeze %dma_wait3A_652 : memref<1x8192xf32, #tpu.memory_space<hbm>> -> memref<8192xf32, #tpu.memory_space<hbm>>
    tpu.wait_dma2 semaphore(%arg21 : memref<!tpu.dma_semaphore, #tpu.memory_space<semaphore_mem>>) src(%dma_wait3A_653 : memref<8192xf32, #tpu.memory_space<hbm>>) dst(%arg13 : memref<8192xf32, #tpu.memory_space<vmem>>)
    %dma_wait3A_654 = arith.constant 3 : i32
    %dma_wait3A_655 = tpu.memref_slice %arg2[%dma_wait3A_654, %add3A_565] : memref<4x2097152xf32, #tpu.memory_space<hbm>> -> memref<1x8192xf32, #tpu.memory_space<hbm>>
    %dma_wait3A_656 = tpu.memref_squeeze %dma_wait3A_655 : memref<1x8192xf32, #tpu.memory_space<hbm>> -> memref<8192xf32, #tpu.memory_space<hbm>>
    %dma_wait3A_657 = tpu.memref_slice %arg2[%dma_wait3A_654, %add3A_565] : memref<4x2097152xf32, #tpu.memory_space<hbm>> -> memref<1x8192xf32, #tpu.memory_space<hbm>>
    %dma_wait3A_658 = tpu.memref_squeeze %dma_wait3A_657 : memref<1x8192xf32, #tpu.memory_space<hbm>> -> memref<8192xf32, #tpu.memory_space<hbm>>
    tpu.wait_dma2 semaphore(%arg21 : memref<!tpu.dma_semaphore, #tpu.memory_space<semaphore_mem>>) src(%dma_wait3A_658 : memref<8192xf32, #tpu.memory_space<hbm>>) dst(%arg14 : memref<8192xf32, #tpu.memory_space<vmem>>)
    %scan3A_659 = arith.constant 0 : i32
    %scan3A_660 = arith.constant 512 : i32
    %scan3A_661 = arith.addi %scan3A_659, %scan3A_660 : i32
    %scan3A_662 = arith.constant 1 : i32
    scf.for %scan3A_746 = %scan3A_659 to %scan3A_661 step %scan3A_662  : i32 {
      %mul3A_747 = arith.constant 16 : i32
      %mul3A_748 = arith.muli %scan3A_746, %mul3A_747 : i32
      %add3A_749 = arith.constant 0 : i32
      %add3A_750 = arith.addi %add3A_749, %mul3A_748 : i32
      %get3A = arith.index_cast %add3A_750 : i32 to index
      %get3A_751 = tpu.vector_load %arg10[%get3A] {strides = array<i32>} : memref<8192xf32, #tpu.memory_space<vmem>>, vector<16xf32>,
      %get3A_752 = vector.shape_cast %get3A_751 : vector<16xf32> to vector<16xf32>
      %get3A_753 = arith.index_cast %add3A_750 : i32 to index
      %get3A_754 = tpu.vector_load %arg11[%get3A_753] {strides = array<i32>} : memref<8192xf32, #tpu.memory_space<vmem>>, vector<16xf32>,
      %get3A_755 = vector.shape_cast %get3A_754 : vector<16xf32> to vector<16xf32>
      %add3A_756 = arith.addf %get3A_755, %get3A_752 : vector<16xf32>
      %swap3A = arith.index_cast %add3A_750 : i32 to index
      %swap3A_757 = tpu.vector_load %arg11[%swap3A] {strides = array<i32>} : memref<8192xf32, #tpu.memory_space<vmem>>, vector<16xf32>,
      %swap3A_758 = vector.shape_cast %swap3A_757 : vector<16xf32> to vector<16xf32>
      %swap3A_759 = vector.shape_cast %add3A_756 : vector<16xf32> to vector<16xf32>
      tpu.vector_store %arg11[%swap3A], %swap3A_759 {strides = array<i32>} : memref<8192xf32, #tpu.memory_space<vmem>>, vector<16xf32>,
      %get3A_760 = arith.index_cast %add3A_750 : i32 to index
      %get3A_761 = tpu.vector_load %arg12[%get3A_760] {strides = array<i32>} : memref<8192xf32, #tpu.memory_space<vmem>>, vector<16xf32>,
      %get3A_762 = vector.shape_cast %get3A_761 : vector<16xf32> to vector<16xf32>
      %add3A_763 = arith.addf %get3A_762, %get3A_752 : vector<16xf32>
      %swap3A_764 = arith.index_cast %add3A_750 : i32 to index
      %swap3A_765 = tpu.vector_load %arg12[%swap3A_764] {strides = array<i32>} : memref<8192xf32, #tpu.memory_space<vmem>>, vector<16xf32>,
      %swap3A_766 = vector.shape_cast %swap3A_765 : vector<16xf32> to vector<16xf32>
      %swap3A_767 = vector.shape_cast %add3A_763 : vector<16xf32> to vector<16xf32>
      tpu.vector_store %arg12[%swap3A_764], %swap3A_767 {strides = array<i32>} : memref<8192xf32, #tpu.memory_space<vmem>>, vector<16xf32>,
      %get3A_768 = arith.index_cast %add3A_750 : i32 to index
      %get3A_769 = tpu.vector_load %arg13[%get3A_768] {strides = array<i32>} : memref<8192xf32, #tpu.memory_space<vmem>>, vector<16xf32>,
      %get3A_770 = vector.shape_cast %get3A_769 : vector<16xf32> to vector<16xf32>
      %add3A_771 = arith.addf %get3A_770, %get3A_752 : vector<16xf32>
      %swap3A_772 = arith.index_cast %add3A_750 : i32 to index
      %swap3A_773 = tpu.vector_load %arg13[%swap3A_772] {strides = array<i32>} : memref<8192xf32, #tpu.memory_space<vmem>>, vector<16xf32>,
      %swap3A_774 = vector.shape_cast %swap3A_773 : vector<16xf32> to vector<16xf32>
      %swap3A_775 = vector.shape_cast %add3A_771 : vector<16xf32> to vector<16xf32>
      tpu.vector_store %arg13[%swap3A_772], %swap3A_775 {strides = array<i32>} : memref<8192xf32, #tpu.memory_space<vmem>>, vector<16xf32>,
      %get3A_776 = arith.index_cast %add3A_750 : i32 to index
      %get3A_777 = tpu.vector_load %arg14[%get3A_776] {strides = array<i32>} : memref<8192xf32, #tpu.memory_space<vmem>>, vector<16xf32>,
      %get3A_778 = vector.shape_cast %get3A_777 : vector<16xf32> to vector<16xf32>
      %add3A_779 = arith.addf %get3A_778, %get3A_752 : vector<16xf32>
      %swap3A_780 = arith.index_cast %add3A_750 : i32 to index
      %swap3A_781 = tpu.vector_load %arg14[%swap3A_780] {strides = array<i32>} : memref<8192xf32, #tpu.memory_space<vmem>>, vector<16xf32>,
      %swap3A_782 = vector.shape_cast %swap3A_781 : vector<16xf32> to vector<16xf32>
      %swap3A_783 = vector.shape_cast %add3A_779 : vector<16xf32> to vector<16xf32>
      tpu.vector_store %arg14[%swap3A_780], %swap3A_783 {strides = array<i32>} : memref<8192xf32, #tpu.memory_space<vmem>>, vector<16xf32>,
    }
    %scan3A_663 = arith.constant 512 : i32
    %add3A_664 = arith.constant 57344 : i32
    %add3A_665 = arith.addi %mul3A_4, %add3A_664 : i32
    %dma_start3A_666 = arith.constant 0 : i32
    %dma_start3A_667 = tpu.memref_slice %arg4[%dma_start3A_666, %add3A_665] : memref<4x2097152xf32, #tpu.memory_space<hbm>> -> memref<1x8192xf32, #tpu.memory_space<hbm>>
    %dma_start3A_668 = tpu.memref_squeeze %dma_start3A_667 : memref<1x8192xf32, #tpu.memory_space<hbm>> -> memref<8192xf32, #tpu.memory_space<hbm>>
    %dma_start3A_669 = tpu.memref_slice %arg4[%dma_start3A_666, %add3A_665] : memref<4x2097152xf32, #tpu.memory_space<hbm>> -> memref<1x8192xf32, #tpu.memory_space<hbm>>
    %dma_start3A_670 = tpu.memref_squeeze %dma_start3A_669 : memref<1x8192xf32, #tpu.memory_space<hbm>> -> memref<8192xf32, #tpu.memory_space<hbm>>
    tpu.enqueue_dma source(%arg11 : memref<8192xf32, #tpu.memory_space<vmem>>) target(%dma_start3A_670 : memref<8192xf32, #tpu.memory_space<hbm>>) target_semaphore(%arg24 : memref<!tpu.dma_semaphore, #tpu.memory_space<semaphore_mem>>)
    %dma_start3A_671 = arith.constant 1 : i32
    %dma_start3A_672 = tpu.memref_slice %arg4[%dma_start3A_671, %add3A_665] : memref<4x2097152xf32, #tpu.memory_space<hbm>> -> memref<1x8192xf32, #tpu.memory_space<hbm>>
    %dma_start3A_673 = tpu.memref_squeeze %dma_start3A_672 : memref<1x8192xf32, #tpu.memory_space<hbm>> -> memref<8192xf32, #tpu.memory_space<hbm>>
    %dma_start3A_674 = tpu.memref_slice %arg4[%dma_start3A_671, %add3A_665] : memref<4x2097152xf32, #tpu.memory_space<hbm>> -> memref<1x8192xf32, #tpu.memory_space<hbm>>
    %dma_start3A_675 = tpu.memref_squeeze %dma_start3A_674 : memref<1x8192xf32, #tpu.memory_space<hbm>> -> memref<8192xf32, #tpu.memory_space<hbm>>
    tpu.enqueue_dma source(%arg12 : memref<8192xf32, #tpu.memory_space<vmem>>) target(%dma_start3A_675 : memref<8192xf32, #tpu.memory_space<hbm>>) target_semaphore(%arg24 : memref<!tpu.dma_semaphore, #tpu.memory_space<semaphore_mem>>)
    %dma_start3A_676 = arith.constant 2 : i32
    %dma_start3A_677 = tpu.memref_slice %arg4[%dma_start3A_676, %add3A_665] : memref<4x2097152xf32, #tpu.memory_space<hbm>> -> memref<1x8192xf32, #tpu.memory_space<hbm>>
    %dma_start3A_678 = tpu.memref_squeeze %dma_start3A_677 : memref<1x8192xf32, #tpu.memory_space<hbm>> -> memref<8192xf32, #tpu.memory_space<hbm>>
    %dma_start3A_679 = tpu.memref_slice %arg4[%dma_start3A_676, %add3A_665] : memref<4x2097152xf32, #tpu.memory_space<hbm>> -> memref<1x8192xf32, #tpu.memory_space<hbm>>
    %dma_start3A_680 = tpu.memref_squeeze %dma_start3A_679 : memref<1x8192xf32, #tpu.memory_space<hbm>> -> memref<8192xf32, #tpu.memory_space<hbm>>
    tpu.enqueue_dma source(%arg13 : memref<8192xf32, #tpu.memory_space<vmem>>) target(%dma_start3A_680 : memref<8192xf32, #tpu.memory_space<hbm>>) target_semaphore(%arg24 : memref<!tpu.dma_semaphore, #tpu.memory_space<semaphore_mem>>)
    %dma_start3A_681 = arith.constant 3 : i32
    %dma_start3A_682 = tpu.memref_slice %arg4[%dma_start3A_681, %add3A_665] : memref<4x2097152xf32, #tpu.memory_space<hbm>> -> memref<1x8192xf32, #tpu.memory_space<hbm>>
    %dma_start3A_683 = tpu.memref_squeeze %dma_start3A_682 : memref<1x8192xf32, #tpu.memory_space<hbm>> -> memref<8192xf32, #tpu.memory_space<hbm>>
    %dma_start3A_684 = tpu.memref_slice %arg4[%dma_start3A_681, %add3A_665] : memref<4x2097152xf32, #tpu.memory_space<hbm>> -> memref<1x8192xf32, #tpu.memory_space<hbm>>
    %dma_start3A_685 = tpu.memref_squeeze %dma_start3A_684 : memref<1x8192xf32, #tpu.memory_space<hbm>> -> memref<8192xf32, #tpu.memory_space<hbm>>
    tpu.enqueue_dma source(%arg14 : memref<8192xf32, #tpu.memory_space<vmem>>) target(%dma_start3A_685 : memref<8192xf32, #tpu.memory_space<hbm>>) target_semaphore(%arg24 : memref<!tpu.dma_semaphore, #tpu.memory_space<semaphore_mem>>)
    %dma_wait3A_686 = arith.constant 0 : i32
    %dma_wait3A_687 = tpu.memref_slice %arg4[%dma_wait3A_686, %add3A_616] : memref<4x2097152xf32, #tpu.memory_space<hbm>> -> memref<1x8192xf32, #tpu.memory_space<hbm>>
    %dma_wait3A_688 = tpu.memref_squeeze %dma_wait3A_687 : memref<1x8192xf32, #tpu.memory_space<hbm>> -> memref<8192xf32, #tpu.memory_space<hbm>>
    %dma_wait3A_689 = tpu.memref_slice %arg4[%dma_wait3A_686, %add3A_616] : memref<4x2097152xf32, #tpu.memory_space<hbm>> -> memref<1x8192xf32, #tpu.memory_space<hbm>>
    %dma_wait3A_690 = tpu.memref_squeeze %dma_wait3A_689 : memref<1x8192xf32, #tpu.memory_space<hbm>> -> memref<8192xf32, #tpu.memory_space<hbm>>
    tpu.wait_dma2 semaphore(%arg23 : memref<!tpu.dma_semaphore, #tpu.memory_space<semaphore_mem>>) src(%arg6 : memref<8192xf32, #tpu.memory_space<vmem>>) dst(%dma_wait3A_690 : memref<8192xf32, #tpu.memory_space<hbm>>)
    %dma_wait3A_691 = arith.constant 1 : i32
    %dma_wait3A_692 = tpu.memref_slice %arg4[%dma_wait3A_691, %add3A_616] : memref<4x2097152xf32, #tpu.memory_space<hbm>> -> memref<1x8192xf32, #tpu.memory_space<hbm>>
    %dma_wait3A_693 = tpu.memref_squeeze %dma_wait3A_692 : memref<1x8192xf32, #tpu.memory_space<hbm>> -> memref<8192xf32, #tpu.memory_space<hbm>>
    %dma_wait3A_694 = tpu.memref_slice %arg4[%dma_wait3A_691, %add3A_616] : memref<4x2097152xf32, #tpu.memory_space<hbm>> -> memref<1x8192xf32, #tpu.memory_space<hbm>>
    %dma_wait3A_695 = tpu.memref_squeeze %dma_wait3A_694 : memref<1x8192xf32, #tpu.memory_space<hbm>> -> memref<8192xf32, #tpu.memory_space<hbm>>
    tpu.wait_dma2 semaphore(%arg23 : memref<!tpu.dma_semaphore, #tpu.memory_space<semaphore_mem>>) src(%arg7 : memref<8192xf32, #tpu.memory_space<vmem>>) dst(%dma_wait3A_695 : memref<8192xf32, #tpu.memory_space<hbm>>)
    %dma_wait3A_696 = arith.constant 2 : i32
    %dma_wait3A_697 = tpu.memref_slice %arg4[%dma_wait3A_696, %add3A_616] : memref<4x2097152xf32, #tpu.memory_space<hbm>> -> memref<1x8192xf32, #tpu.memory_space<hbm>>
    %dma_wait3A_698 = tpu.memref_squeeze %dma_wait3A_697 : memref<1x8192xf32, #tpu.memory_space<hbm>> -> memref<8192xf32, #tpu.memory_space<hbm>>
    %dma_wait3A_699 = tpu.memref_slice %arg4[%dma_wait3A_696, %add3A_616] : memref<4x2097152xf32, #tpu.memory_space<hbm>> -> memref<1x8192xf32, #tpu.memory_space<hbm>>
    %dma_wait3A_700 = tpu.memref_squeeze %dma_wait3A_699 : memref<1x8192xf32, #tpu.memory_space<hbm>> -> memref<8192xf32, #tpu.memory_space<hbm>>
    tpu.wait_dma2 semaphore(%arg23 : memref<!tpu.dma_semaphore, #tpu.memory_space<semaphore_mem>>) src(%arg8 : memref<8192xf32, #tpu.memory_space<vmem>>) dst(%dma_wait3A_700 : memref<8192xf32, #tpu.memory_space<hbm>>)
    %dma_wait3A_701 = arith.constant 3 : i32
    %dma_wait3A_702 = tpu.memref_slice %arg4[%dma_wait3A_701, %add3A_616] : memref<4x2097152xf32, #tpu.memory_space<hbm>> -> memref<1x8192xf32, #tpu.memory_space<hbm>>
    %dma_wait3A_703 = tpu.memref_squeeze %dma_wait3A_702 : memref<1x8192xf32, #tpu.memory_space<hbm>> -> memref<8192xf32, #tpu.memory_space<hbm>>
    %dma_wait3A_704 = tpu.memref_slice %arg4[%dma_wait3A_701, %add3A_616] : memref<4x2097152xf32, #tpu.memory_space<hbm>> -> memref<1x8192xf32, #tpu.memory_space<hbm>>
    %dma_wait3A_705 = tpu.memref_squeeze %dma_wait3A_704 : memref<1x8192xf32, #tpu.memory_space<hbm>> -> memref<8192xf32, #tpu.memory_space<hbm>>
    tpu.wait_dma2 semaphore(%arg23 : memref<!tpu.dma_semaphore, #tpu.memory_space<semaphore_mem>>) src(%arg9 : memref<8192xf32, #tpu.memory_space<vmem>>) dst(%dma_wait3A_705 : memref<8192xf32, #tpu.memory_space<hbm>>)
    %dma_wait3A_706 = arith.constant 0 : i32
    %dma_wait3A_707 = tpu.memref_slice %arg4[%dma_wait3A_706, %add3A_665] : memref<4x2097152xf32, #tpu.memory_space<hbm>> -> memref<1x8192xf32, #tpu.memory_space<hbm>>
    %dma_wait3A_708 = tpu.memref_squeeze %dma_wait3A_707 : memref<1x8192xf32, #tpu.memory_space<hbm>> -> memref<8192xf32, #tpu.memory_space<hbm>>
    %dma_wait3A_709 = tpu.memref_slice %arg4[%dma_wait3A_706, %add3A_665] : memref<4x2097152xf32, #tpu.memory_space<hbm>> -> memref<1x8192xf32, #tpu.memory_space<hbm>>
    %dma_wait3A_710 = tpu.memref_squeeze %dma_wait3A_709 : memref<1x8192xf32, #tpu.memory_space<hbm>> -> memref<8192xf32, #tpu.memory_space<hbm>>
    tpu.wait_dma2 semaphore(%arg24 : memref<!tpu.dma_semaphore, #tpu.memory_space<semaphore_mem>>) src(%arg11 : memref<8192xf32, #tpu.memory_space<vmem>>) dst(%dma_wait3A_710 : memref<8192xf32, #tpu.memory_space<hbm>>)
    %dma_wait3A_711 = arith.constant 1 : i32
    %dma_wait3A_712 = tpu.memref_slice %arg4[%dma_wait3A_711, %add3A_665] : memref<4x2097152xf32, #tpu.memory_space<hbm>> -> memref<1x8192xf32, #tpu.memory_space<hbm>>
    %dma_wait3A_713 = tpu.memref_squeeze %dma_wait3A_712 : memref<1x8192xf32, #tpu.memory_space<hbm>> -> memref<8192xf32, #tpu.memory_space<hbm>>
    %dma_wait3A_714 = tpu.memref_slice %arg4[%dma_wait3A_711, %add3A_665] : memref<4x2097152xf32, #tpu.memory_space<hbm>> -> memref<1x8192xf32, #tpu.memory_space<hbm>>
    %dma_wait3A_715 = tpu.memref_squeeze %dma_wait3A_714 : memref<1x8192xf32, #tpu.memory_space<hbm>> -> memref<8192xf32, #tpu.memory_space<hbm>>
    tpu.wait_dma2 semaphore(%arg24 : memref<!tpu.dma_semaphore, #tpu.memory_space<semaphore_mem>>) src(%arg12 : memref<8192xf32, #tpu.memory_space<vmem>>) dst(%dma_wait3A_715 : memref<8192xf32, #tpu.memory_space<hbm>>)
    %dma_wait3A_716 = arith.constant 2 : i32
    %dma_wait3A_717 = tpu.memref_slice %arg4[%dma_wait3A_716, %add3A_665] : memref<4x2097152xf32, #tpu.memory_space<hbm>> -> memref<1x8192xf32, #tpu.memory_space<hbm>>
    %dma_wait3A_718 = tpu.memref_squeeze %dma_wait3A_717 : memref<1x8192xf32, #tpu.memory_space<hbm>> -> memref<8192xf32, #tpu.memory_space<hbm>>
    %dma_wait3A_719 = tpu.memref_slice %arg4[%dma_wait3A_716, %add3A_665] : memref<4x2097152xf32, #tpu.memory_space<hbm>> -> memref<1x8192xf32, #tpu.memory_space<hbm>>
    %dma_wait3A_720 = tpu.memref_squeeze %dma_wait3A_719 : memref<1x8192xf32, #tpu.memory_space<hbm>> -> memref<8192xf32, #tpu.memory_space<hbm>>
    tpu.wait_dma2 semaphore(%arg24 : memref<!tpu.dma_semaphore, #tpu.memory_space<semaphore_mem>>) src(%arg13 : memref<8192xf32, #tpu.memory_space<vmem>>) dst(%dma_wait3A_720 : memref<8192xf32, #tpu.memory_space<hbm>>)
    %dma_wait3A_721 = arith.constant 3 : i32
    %dma_wait3A_722 = tpu.memref_slice %arg4[%dma_wait3A_721, %add3A_665] : memref<4x2097152xf32, #tpu.memory_space<hbm>> -> memref<1x8192xf32, #tpu.memory_space<hbm>>
    %dma_wait3A_723 = tpu.memref_squeeze %dma_wait3A_722 : memref<1x8192xf32, #tpu.memory_space<hbm>> -> memref<8192xf32, #tpu.memory_space<hbm>>
    %dma_wait3A_724 = tpu.memref_slice %arg4[%dma_wait3A_721, %add3A_665] : memref<4x2097152xf32, #tpu.memory_space<hbm>> -> memref<1x8192xf32, #tpu.memory_space<hbm>>
    %dma_wait3A_725 = tpu.memref_squeeze %dma_wait3A_724 : memref<1x8192xf32, #tpu.memory_space<hbm>> -> memref<8192xf32, #tpu.memory_space<hbm>>
    tpu.wait_dma2 semaphore(%arg24 : memref<!tpu.dma_semaphore, #tpu.memory_space<semaphore_mem>>) src(%arg14 : memref<8192xf32, #tpu.memory_space<vmem>>) dst(%dma_wait3A_725 : memref<8192xf32, #tpu.memory_space<hbm>>)
    %dma_wait3A_726 = arith.constant 0 : i32
    %dma_wait3A_727 = tpu.memref_slice %arg4[%dma_wait3A_726, %add3A_523] : memref<4x2097152xf32, #tpu.memory_space<hbm>> -> memref<1x8192xf32, #tpu.memory_space<hbm>>
    %dma_wait3A_728 = tpu.memref_squeeze %dma_wait3A_727 : memref<1x8192xf32, #tpu.memory_space<hbm>> -> memref<8192xf32, #tpu.memory_space<hbm>>
    %dma_wait3A_729 = tpu.memref_slice %arg4[%dma_wait3A_726, %add3A_523] : memref<4x2097152xf32, #tpu.memory_space<hbm>> -> memref<1x8192xf32, #tpu.memory_space<hbm>>
    %dma_wait3A_730 = tpu.memref_squeeze %dma_wait3A_729 : memref<1x8192xf32, #tpu.memory_space<hbm>> -> memref<8192xf32, #tpu.memory_space<hbm>>
    tpu.wait_dma2 semaphore(%arg25 : memref<!tpu.dma_semaphore, #tpu.memory_space<semaphore_mem>>) src(%arg16 : memref<8192xf32, #tpu.memory_space<vmem>>) dst(%dma_wait3A_730 : memref<8192xf32, #tpu.memory_space<hbm>>)
    %dma_wait3A_731 = arith.constant 1 : i32
    %dma_wait3A_732 = tpu.memref_slice %arg4[%dma_wait3A_731, %add3A_523] : memref<4x2097152xf32, #tpu.memory_space<hbm>> -> memref<1x8192xf32, #tpu.memory_space<hbm>>
    %dma_wait3A_733 = tpu.memref_squeeze %dma_wait3A_732 : memref<1x8192xf32, #tpu.memory_space<hbm>> -> memref<8192xf32, #tpu.memory_space<hbm>>
    %dma_wait3A_734 = tpu.memref_slice %arg4[%dma_wait3A_731, %add3A_523] : memref<4x2097152xf32, #tpu.memory_space<hbm>> -> memref<1x8192xf32, #tpu.memory_space<hbm>>
    %dma_wait3A_735 = tpu.memref_squeeze %dma_wait3A_734 : memref<1x8192xf32, #tpu.memory_space<hbm>> -> memref<8192xf32, #tpu.memory_space<hbm>>
    tpu.wait_dma2 semaphore(%arg25 : memref<!tpu.dma_semaphore, #tpu.memory_space<semaphore_mem>>) src(%arg17 : memref<8192xf32, #tpu.memory_space<vmem>>) dst(%dma_wait3A_735 : memref<8192xf32, #tpu.memory_space<hbm>>)
    %dma_wait3A_736 = arith.constant 2 : i32
    %dma_wait3A_737 = tpu.memref_slice %arg4[%dma_wait3A_736, %add3A_523] : memref<4x2097152xf32, #tpu.memory_space<hbm>> -> memref<1x8192xf32, #tpu.memory_space<hbm>>
    %dma_wait3A_738 = tpu.memref_squeeze %dma_wait3A_737 : memref<1x8192xf32, #tpu.memory_space<hbm>> -> memref<8192xf32, #tpu.memory_space<hbm>>
    %dma_wait3A_739 = tpu.memref_slice %arg4[%dma_wait3A_736, %add3A_523] : memref<4x2097152xf32, #tpu.memory_space<hbm>> -> memref<1x8192xf32, #tpu.memory_space<hbm>>
    %dma_wait3A_740 = tpu.memref_squeeze %dma_wait3A_739 : memref<1x8192xf32, #tpu.memory_space<hbm>> -> memref<8192xf32, #tpu.memory_space<hbm>>
    tpu.wait_dma2 semaphore(%arg25 : memref<!tpu.dma_semaphore, #tpu.memory_space<semaphore_mem>>) src(%arg18 : memref<8192xf32, #tpu.memory_space<vmem>>) dst(%dma_wait3A_740 : memref<8192xf32, #tpu.memory_space<hbm>>)
    %dma_wait3A_741 = arith.constant 3 : i32
    %dma_wait3A_742 = tpu.memref_slice %arg4[%dma_wait3A_741, %add3A_523] : memref<4x2097152xf32, #tpu.memory_space<hbm>> -> memref<1x8192xf32, #tpu.memory_space<hbm>>
    %dma_wait3A_743 = tpu.memref_squeeze %dma_wait3A_742 : memref<1x8192xf32, #tpu.memory_space<hbm>> -> memref<8192xf32, #tpu.memory_space<hbm>>
    %dma_wait3A_744 = tpu.memref_slice %arg4[%dma_wait3A_741, %add3A_523] : memref<4x2097152xf32, #tpu.memory_space<hbm>> -> memref<1x8192xf32, #tpu.memory_space<hbm>>
    %dma_wait3A_745 = tpu.memref_squeeze %dma_wait3A_744 : memref<1x8192xf32, #tpu.memory_space<hbm>> -> memref<8192xf32, #tpu.memory_space<hbm>>
    tpu.wait_dma2 semaphore(%arg25 : memref<!tpu.dma_semaphore, #tpu.memory_space<semaphore_mem>>) src(%arg19 : memref<8192xf32, #tpu.memory_space<vmem>>) dst(%dma_wait3A_745 : memref<8192xf32, #tpu.memory_space<hbm>>)
    return
  }
}

</mosaic_0001>

<sc_bundles>
// kernel: kernel.3.cloned.1.call-start
scs
__scs_entry_jumppad:
0x0: {  	(pc) =	sbr.rel $0x88, $3  }
0x1: {  	(tag) =	ssettag $0x0;
	lr =	simm.s32 $0x1  }
0x2: {  	[smem:$0x3F9F] =	sst lr;
	_ =	strace $0xD0000000  }
0x3: {  	_ = 	snop  }
0x4: {  	_ = 	snop  }
0x5: {  	_ = 	snop  }
0x6: {  	_ = 	snop  }
0x7: {  	_ = 	snop  }
__scs_overlays_trampoline_lowered:
0x8: {  	[smem:$0x3FAE] =	sst s0  }
0x9: {  	[smem:$0x3FAF] =	sst s1  }
0xa: {  	[smem:$0x3FB0] =	sst s2  }
0xb: {  	[smem:$0x3FB1] =	sst s3  }
0xc: {  	[smem:$0x3FB2] =	sst s4  }
0xd: {  	[smem:$0x3FB3] =	sst s5  }
0xe: {  	[smem:$0x3FB4] =	sst s6  }
0xf: {  	[smem:$0x3FB5] =	sst s7  }
0x10: {  	[smem:$0x3FB6] =	sst s8  }
0x11: {  	[smem:$0x3FB7] =	sst s9;
	s0 =	simm.s32 @!p0 $0x0  }
0x12: {  	s1 =	sld [smem:$0x3F9D];
	s0 =	simm.s32 @p0 $0x1  }
0x13: {  	[smem:$0x3FB8] =	sst s0;
	s0 =	simm.s32 @!p1 $0x0  }
0x14: {  	s2 =	sld [smem:$0x3F9C];
	s0 =	simm.s32 @p1 $0x1  }
0x15: {  	[smem:$0x3FB9] =	sst s0;
	s0 =	simm.s32 @!p2 $0x0  }
0x16: {  	s3 =	sld [smem:$0x3FDB];
	s0 =	simm.s32 @p2 $0x1  }
0x17: {  	s4 =	simm.s32 $0x1BF5;
	[smem:$0x3FBB] =	sst s0  }
0x18: {  	s0 =	sld [smem:$0x3F9E];
	_ =	swait.ge [sflag:s4], $0x0  }
0x19: {  	s7 =	sld [smem:$0x3F9F]  }
0x1a: {  	s8 =	sadd.s32 $0xFFFFE003, lr  }
0x1b: {  	s9 =	sadd.s32 $0xFFFFFEF7, lr;
	s5 =	simm.s32 $0xFFFFFFFF;
	p2 =	slt.u32 s8, $0xFFFFF086  }
0x1c: {  	p1 =	slt.u32 s9, $0xF7A;
	s5 =	simm.s32 @!p2 $0x0  }
0x1d: {  	s5 =	simm.s32 @p1 $0x1;
	p0 =	seq.s32 s7, s2  }
0x1e: {  	s7 =	smul.u32 @!p0 $0xF7A, s2;
	p2 =	seq.s32 @!p0 s5, $0x0  }
0x1f: {  	s9 =	smul.u32 $0xF7A, s1;
	s8 =	simm.s32 @!p0 $0x1BF5;
	p2 =	por !p2, p0  }
0x20: {  	[sflag:s8] =	ssyncset.s32 @!p0 $0xFFFFF086;
	s6 =	sadd.s32 @!p0 s3, s7;
	s7 =	simm.s32 @!p0 $0x108  }
0x21: {  	s3 =	sadd.s32 s3, s9;
	s6 =	sadd.s32 @!p0 $0x88, s6;
	s7 =	simm.s32 @p2 $0x1082  }
0x22: {  	[simem:s7], [sflag:s8] =	dma.local @!p0 [hbm:s6], $0xF7A  }
0x23: {  	s9 =	sor.u32 $0xD0000000, s2;
	s6 =	simm.s32 $0x108;
	_ =	swait.ge @!p0 [sflag:s8], $0x0  }
0x24: {  	s3 =	sadd.s32 $0x88, s3;
	s6 =	simm.s32 @!p1 $0x1082;
	[sflag:s4] =	ssyncset.s32 $0xFFFFF086  }
0x25: {  	[simem:s6], [sflag:s4] =	dma.local [hbm:s3], $0xF7A  }
0x26: {  	[smem:$0x3F9F] =	sst s1;
	(tag) =	ssettag s2;
	_ =	strace s9  }
0x27: {  	s1 =	sld [smem:$0x3FAF]  }
0x28: {  	s2 =	sld [smem:$0x3FB0]  }
0x29: {  	s4 =	sld [smem:$0x3FB2]  }
0x2a: {  	p0 =	seq.s32 s5, $0x0;
	s5 =	sld [smem:$0x3FB3]  }
0x2b: {  	s6 =	sld [smem:$0x3FB4]  }
0x2c: {  	s7 =	sld [smem:$0x3FB5]  }
0x2d: {  	s3 =	simm.s32 $0x108;
	s8 =	sld [smem:$0x3FB6]  }
0x2e: {  	s3 =	simm.s32 @!p0 $0x1082;
	s9 =	sld [smem:$0x3FB7]  }
0x2f: {  	lr =	sadd.s32 s0, s3;
	s0 =	sld [smem:$0x3FAE]  }
0x30: {  	s3 =	sld [smem:$0x3FB1]  }
0x31: {  	[smem:$0x3FBA] =	sst s10  }
0x32: {  	s10 =	sld [smem:$0x3FB8];
	_ =	sdelay $0x3  }
0x33: {  	p0 =	seq.s32 s10, $0x1;
	s10 =	sld [smem:$0x3FBA];
	_ =	sdelay $0x3  }
0x34: {  	[smem:$0x3FBA] =	sst s10  }
0x35: {  	s10 =	sld [smem:$0x3FB9];
	_ =	sdelay $0x3  }
0x36: {  	p1 =	seq.s32 s10, $0x1;
	s10 =	sld [smem:$0x3FBA];
	_ =	sdelay $0x3  }
0x37: {  	[smem:$0x3FBA] =	sst s10  }
0x38: {  	s10 =	sld [smem:$0x3FBB]  }
0x39: {  	_ = 	snop;
	(pc) =	sbr.ind lr, $3  }
0x3a: {  	_ = 	snop  }
0x3b: {  	_ = 	snop  }
0x3c: {  	p2 =	seq.s32 s10, $0x1;
	s10 =	sld [smem:$0x3FBA]  }
0x3d: {  	_ =	shalt  }
0x3e: {  	_ =	shalt  }
0x3f: {  	_ =	shalt  }
0x40: {  	_ =	shalt  }
0x41: {  	_ =	shalt  }
0x42: {  	_ =	shalt  }
0x43: {  	_ =	shalt  }
0x44: {  	_ =	shalt  }
0x45: {  	_ =	shalt  }
0x46: {  	_ =	shalt  }
0x47: {  	_ =	shalt  }
0x48: {  	_ =	shalt  }
0x49: {  	_ =	shalt  }
0x4a: {  	_ =	shalt  }
0x4b: {  	_ =	shalt  }
0x4c: {  	_ =	shalt  }
0x4d: {  	_ =	shalt  }
0x4e: {  	_ =	shalt  }
0x4f: {  	_ =	shalt  }
0x50: {  	_ =	shalt  }
0x51: {  	_ =	shalt  }
0x52: {  	_ =	shalt  }
0x53: {  	_ =	shalt  }
0x54: {  	_ =	shalt  }
0x55: {  	_ =	shalt  }
0x56: {  	_ =	shalt  }
0x57: {  	_ =	shalt  }
0x58: {  	_ =	shalt  }
0x59: {  	_ =	shalt  }
0x5a: {  	_ =	shalt  }
0x5b: {  	_ =	shalt  }
0x5c: {  	_ =	shalt  }
0x5d: {  	_ =	shalt  }
0x5e: {  	_ =	shalt  }
0x5f: {  	_ =	shalt  }
0x60: {  	_ =	shalt  }
0x61: {  	_ =	shalt  }
0x62: {  	_ =	shalt  }
0x63: {  	_ =	shalt  }
0x64: {  	_ =	shalt  }
0x65: {  	_ =	shalt  }
0x66: {  	_ =	shalt  }
0x67: {  	_ =	shalt  }
0x68: {  	_ =	shalt  }
0x69: {  	_ =	shalt  }
0x6a: {  	_ =	shalt  }
0x6b: {  	_ =	shalt  }
0x6c: {  	_ =	shalt  }
0x6d: {  	_ =	shalt  }
0x6e: {  	_ =	shalt  }
0x6f: {  	_ =	shalt  }
0x70: {  	_ =	shalt  }
0x71: {  	_ =	shalt  }
0x72: {  	_ =	shalt  }
0x73: {  	_ =	shalt  }
0x74: {  	_ =	shalt  }
0x75: {  	_ =	shalt  }
0x76: {  	_ =	shalt  }
0x77: {  	_ =	shalt  }
0x78: {  	_ =	shalt  }
0x79: {  	_ =	shalt  }
0x7a: {  	_ =	shalt  }
0x7b: {  	_ =	shalt  }
0x7c: {  	_ =	shalt  }
0x7d: {  	_ =	shalt  }
0x7e: {  	_ =	shalt  }
0x7f: {  	_ =	shalt  }
0x80: {  	_ =	shalt  }
0x81: {  	_ =	shalt  }
0x82: {  	_ =	shalt  }
0x83: {  	_ =	shalt  }
0x84: {  	_ =	shalt  }
0x85: {  	_ =	shalt  }
0x86: {  	_ =	shalt  }
0x87: {  	_ =	shalt  }
.Lfunc_end0:
.L_simem_size_0:
called_computation.2_lowered:
.L_overlay_start_0:
0x88: {  	s2 =	sld [smem:$0x3FD9]  }
0x89: {  	s3 =	sld [smem:$0x3FFE];
	_ =	sdelay $0x1  }
0x8a: {  	s1 =	srdreg.scid  }
0x8b: {  	s0 =	sand.u32 $0x1, s1  }
0x8c: {  	s17 =	sshll.u32 s0, $0xA;
	s2 =	sadd.s32 s3, s2  }
0x8d: {  	s2 =	sadd.s32 s2, s17  }
0x8e: {  	[smem:$0x3FC6] =	sst s2  }
0x8f: {  	_ = 	snop  }
0x90: {  	s2 =	sld [smem:$0x3FD0];
	(tm) =	ssettm $0x1  }
0x91: {  	s18 =	sld [smem:$0x3FFB];
	_ =	sdelay $0x3  }
0x92: {  	_ =	strace s18  }
0x93: {  	s3 =	sld [smem:$0x3FFC];
	_ =	sdelay $0x3  }
0x94: {  	_ =	strace s3  }
0x95: {  	s3 =	sld [smem:$0x3FFD];
	_ =	sdelay $0x3  }
0x96: {  	_ =	strace s3  }
0x97: {  	_ =	strace $0x8FFFFFFF  }
0x98: {  	s19 =	sld [smem:$0x3FDB];
	_ =	sdelay $0x1  }
0x99: {  	s4 =	simm.s32 $_scs_section_size  }
0x9a: {  	s5 =	simm.s32 $_size__tile_overlayer_lowered;
	s6 =	simm.s32 $_tile_overlayer_lowered  }
0x9b: {  	s22 =	simm.s32 $0x1BFF;
	s21 =	sshll.u32 s6, $0x1;
	s3 =	sadd.s32 s4, s19  }
0x9c: {  	s7 =	simm.s32 $0x0;
	s20 =	sshll.u32 s5, $0x1;
	s5 =	sadd.s32 s21, s3  }
0x9d: {  	[timem:s7], [sflag:s22] =	dma.local [hbm:s5], s20  }
0x9e: {  	_ =	swait.ge [sflag:s22], s20  }
0x9f: {  	s4 =	ssub.s32 $0x0, s20;
	[sflag:s22] =	ssyncset.done $0x0  }
0xa0: {  	[sflag:s22] =	ssyncadd.s32 s4;
	_ =	sdelay $0x1  }
0xa1: {  	s23 =	simm.s32 $0x1B8B  }
0xa2: {  	_ =	swait.ge [sflag:s23], $0x1  }
0xa3: {  	[sflag:s23] =	ssyncset.done $0x0  }
0xa4: {  	s25 =	simm.s32 $0x1B8E;
	s24 =	sld [smem:$0x3FFE];
	[sflag:s23] =	ssyncadd.s32 $0xFFFFFFFF  }
0xa5: {  	s26 =	simm.s32 $execute0_lowered;
	[smem:$0x3FD2] =	sst s25  }
0xa6: {  	s5 =	sshll.u32 s26, $0x1;
	_ =	strace $0x80000049;
	[dreg:$0x1] =	wrdreg $0xFFFFFFFF  }
0xa7: {  	s28 =	simm.s32 $_size_execute0_lowered;
	s3 =	sadd.s32 s3, s5;
	[dreg:$0x0] =	wrdreg $0x0  }
0xa8: {  	s5 =	sshll.u32 s28, $0x1;
	[dreg:$0x2] =	wrdreg s3  }
0xa9: {  	[dreg:$0x3] =	wrdreg s5  }
0xaa: {  	[dreg:$0x4] =	wrdreg $0xC0  }
0xab: {  	_ =	task [dreg:s7], $0x5FFFF  }
0xac: {  	[dreg:$0x1] =	wrdreg $0xFFFFFFFF  }
0xad: {  	[dreg:$0x0] =	wrdreg $0x60  }
0xae: {  	[dreg:$0x2] =	wrdreg s2  }
0xaf: {  	[dreg:$0x3] =	wrdreg s24  }
0xb0: {  	[dreg:$0x4] =	wrdreg $0x9  }
0xb1: {  	_ =	task.clear_ibuf [dreg:s7], $0x5FFFF;
	_ =	strace $0x90000049  }
0xb2: {  	s29 =	simm.s32 $0x9;
	_ =	strace $0x8000004B  }
0xb3: {  	_ =	swait.ge [sflag:s29], $0x1  }
0xb4: {  	[sflag:s29] =	ssyncadd.s32 $0xFFFFFFFF  }
0xb5: {  	_ =	strace $0x9000004B  }
0xb6: {  	_ =	sfence  }
0xb7: {  	s30 =	sld [smem:$0x0];
	_ =	sdelay $0x2  }
0xb8: {  	s31 =	sshll.u32 s1, $0xD;
	s1 =	sshrl.u32 s1, $0x2  }
0xb9: {  	s3 =	sand.u32 $0x4000, s31;
	s1 =	sadd.s32 s1, s30  }
0xba: {  	s0 =	sor.u32 s3, s0;
	s1 =	sshll.u32 s1, $0x11  }
0xbb: {  	s0 =	sor.u32 s1, s0  }
0xbc: {  	s0 =	sadd.s32 $0x8F2B, s0  }
0xbd: {  	[sflag:s0] =	ssyncadd.remote.s32 $0x1  }
0xbe: {  	_ =	sfence.sel $0xFFFF  }
0xbf: {  	[dreg:$0x0] =	wrdreg $0xFFFFFFFF;
	(pc) =	sbr.abs _section_cstart, $3  }
0xc0: {  	[dreg:$0x1] =	wrdreg $0xFFFFFFFF  }
0xc1: {  	_ =	task.clear_ibuf [dreg:s7], $0x2FFFF;
	_ =	strace $0x9FFFFFFF  }
0xc2: {  	(tm) =	ssettm $0x7FFFFFFF  }
0xc3: {  	_ =	shalt  }
tec
execute0_lowered:
.L_overlay_start_1:
0x0: {  	(tag) =	ssettag $0x1  }
0x1: {  	s0 =	rddreg [dreg:$0x0]  }
0x2: {  	s1 =	rddreg [dreg:$0x1];
	s2 =	simm.s32 $0x0;
	s24 =	srdreg.scid  }
0x3: {  	s4 =	stileid.u32;
	[smem:$0x7FF] =	sst s2;
	s2 =	sand.u32 $0x1, s24  }
0x4: {  	s4 =	sshll.u32 s4, $0x11;
	s3 =	ssub.s32 $0x2, s2;
	s2 =	sshll.u32 s2, $0x10  }
0x5: {  	s5 =	sadd.s32 $0xE00, s1;
	s6 =	sshrl.u32 s3, $0x1;
	s4 =	sor.u32 s2, s4  }
0x6: {  	s1 =	sadd.s32 $0x40E00, s1;
	s2 =	ssub.s32 s3, s6;
	s25 =	sshrl.u32 s4, $0x3  }
0x7: {  	s26 =	sshrl.u32 s4, $0x7;
	s7 =	sshrl.u32 s4, $0x1;
	s3 =	sadd.s32 s5, s25  }
0x8: {  	s8 =	sor.u32 $0x40, s26;
	s15 =	sadd.s32 s0, s7;
	s9 =	sor.u32 $0x10, s7  }
0x9: {  	s10 =	sor.u32 $0x20, s7;
	s11 =	sor.u32 $0x80, s26;
	s12 =	sor.u32 $0xC0, s26  }
0xa: {  	s13 =	sor.u32 $0x100, s26;
	s4 =	sor.u32 $0x180, s26;
	[dreg:$0x3] =	wrdreg s3  }
0xb: {  	s24 =	sor.u32 $0x30, s7;
	s7 =	sadd.s32 s1, s7;
	[dreg:$0x4] =	wrdreg s15  }
0xc: {  	s16 =	sshll.u32 s8, $0x4;
	s17 =	sadd.s32 s0, s9;
	[dreg:$0xd] =	wrdreg s7  }
0xd: {  	s25 =	sshll.u32 s8, $0x6;
	s8 =	sadd.s32 s0, s10;
	[dreg:$0x5] =	wrdreg s17  }
0xe: {  	s19 =	sshll.u32 s12, $0x4;
	s3 =	sadd.s32 s5, s16;
	[dreg:$0xf] =	wrdreg s8  }
0xf: {  	s14 =	sshll.u32 s13, $0x4;
	s20 =	sadd.s32 s5, s19;
	[dreg:$0x6] =	wrdreg s3  }
0x10: {  	s15 =	sshll.u32 s4, $0x4;
	s21 =	sadd.s32 s5, s14;
	[dreg:$0x8] =	wrdreg s20  }
0x11: {  	s18 =	sshll.u32 s11, $0x4;
	s23 =	sadd.s32 s5, s15;
	[dreg:$0x9] =	wrdreg s21  }
0x12: {  	s17 =	sor.u32 $0x10, s25;
	s3 =	sadd.s32 s5, s18;
	[dreg:$0xb] =	wrdreg s23  }
0x13: {  	s14 =	sor.u32 $0x140, s26;
	s19 =	sadd.s32 s0, s17;
	[dreg:$0x7] =	wrdreg s3  }
0x14: {  	s8 =	sor.u32 $0x20, s25;
	s20 =	sadd.s32 s1, s17;
	[dreg:$0x15] =	wrdreg s19  }
0x15: {  	s22 =	sshll.u32 s14, $0x4;
	s21 =	sadd.s32 s0, s8;
	[dreg:$0x16] =	wrdreg s20  }
0x16: {  	s6 =	sadd.s32 s5, s22;
	[dreg:$0x17] =	wrdreg s21  }
0x17: {  	s3 =	sor.u32 $0x1C0, s26;
	s26 =	sadd.s32 s1, s9;
	[dreg:$0xa] =	wrdreg s6  }
0x18: {  	s9 =	sadd.s32 s1, s10;
	[dreg:$0xe] =	wrdreg s26  }
0x19: {  	s10 =	sadd.s32 s0, s24;
	[dreg:$0x10] =	wrdreg s9  }
0x1a: {  	s18 =	sor.u32 $0x30, s25;
	s22 =	sadd.s32 s1, s8;
	[dreg:$0x11] =	wrdreg s10  }
0x1b: {  	s23 =	sadd.s32 s0, s18;
	[dreg:$0x18] =	wrdreg s22  }
0x1c: {  	s15 =	sshll.u32 s11, $0x6;
	s6 =	sadd.s32 s1, s25;
	[dreg:$0x19] =	wrdreg s23  }
0x1d: {  	s8 =	sor.u32 $0x10, s15;
	s26 =	sadd.s32 s0, s15;
	[dreg:$0x14] =	wrdreg s6  }
0x1e: {  	s16 =	sshll.u32 s3, $0x4;
	s11 =	sadd.s32 s0, s8;
	[dreg:$0x1b] =	wrdreg s26  }
0x1f: {  	s5 =	sadd.s32 s5, s16;
	[dreg:$0x1d] =	wrdreg s11  }
0x20: {  	s10 =	sor.u32 $0x30, s15;
	s16 =	sadd.s32 s0, s25;
	[dreg:$0xc] =	wrdreg s5  }
0x21: {  	s25 =	sshll.u32 s12, $0x6;
	s12 =	sadd.s32 s1, s8;
	[dreg:$0x13] =	wrdreg s16  }
0x22: {  	s19 =	sshll.u32 s13, $0x6;
	s17 =	sadd.s32 s0, s10;
	[dreg:$0x1e] =	wrdreg s12  }
0x23: {  	s11 =	sadd.s32 s0, s19;
	[smem:$0x7D8] =	sst s17  }
0x24: {  	s5 =	sadd.s32 s1, s24;
	[smem:$0x7E2] =	sst s11  }
0x25: {  	s9 =	sor.u32 $0x20, s15;
	s24 =	sadd.s32 s1, s18;
	[dreg:$0x12] =	wrdreg s5  }
0x26: {  	s16 =	sadd.s32 s1, s9;
	[dreg:$0x1a] =	wrdreg s24  }
0x27: {  	s18 =	sadd.s32 s1, s10;
	[smem:$0x7D7] =	sst s16  }
0x28: {  	s20 =	sadd.s32 s0, s25;
	[smem:$0x7D9] =	sst s18  }
0x29: {  	s13 =	sor.u32 $0x20, s19;
	s6 =	sadd.s32 s1, s25;
	[smem:$0x7DA] =	sst s20  }
0x2a: {  	s28 =	simm.s32 $0x18000;
	s17 =	sadd.s32 s0, s13;
	[smem:$0x7DB] =	sst s6  }
0x2b: {  	s29 =	simm.s32 $0x1A000;
	s5 =	sadd.s32 s1, s15;
	[smem:$0x7E6] =	sst s17  }
0x2c: {  	s21 =	sor.u32 $0x10, s25;
	s15 =	sadd.s32 s0, s9;
	[dreg:$0x1c] =	wrdreg s5  }
0x2d: {  	s22 =	sor.u32 $0x20, s25;
	s24 =	sadd.s32 s0, s21;
	[dreg:$0x1f] =	wrdreg s15  }
0x2e: {  	s23 =	sor.u32 $0x30, s25;
	s25 =	sadd.s32 s1, s21;
	[smem:$0x7DC] =	sst s24  }
0x2f: {  	s30 =	simm.s32 $0x1C000;
	s26 =	sadd.s32 s0, s22;
	[smem:$0x7DD] =	sst s25  }
0x30: {  	s31 =	simm.s32 $0x2;
	s7 =	sadd.s32 s1, s22;
	[smem:$0x7DE] =	sst s26  }
0x31: {  	s4 =	sshll.u32 s4, $0x6;
	s8 =	sadd.s32 s0, s23;
	[smem:$0x7DF] =	sst s7  }
0x32: {  	s12 =	sor.u32 $0x10, s19;
	s9 =	sadd.s32 s1, s23;
	[smem:$0x7E0] =	sst s8  }
0x33: {  	s10 =	sshll.u32 s14, $0x6;
	s16 =	sadd.s32 s1, s12;
	[smem:$0x7E1] =	sst s9  }
0x34: {  	s14 =	sor.u32 $0x30, s19;
	s18 =	sadd.s32 s1, s13;
	[smem:$0x7E5] =	sst s16  }
0x35: {  	s3 =	sshll.u32 s3, $0x6;
	s20 =	sadd.s32 s1, s14;
	[smem:$0x7E7] =	sst s18  }
0x36: {  	s11 =	sor.u32 $0x10, s4;
	s21 =	sadd.s32 s0, s10;
	[smem:$0x7E9] =	sst s20  }
0x37: {  	s22 =	sor.u32 $0x10, s10;
	s6 =	sadd.s32 s1, s10;
	[smem:$0x7EA] =	sst s21  }
0x38: {  	s23 =	sor.u32 $0x20, s10;
	s13 =	sadd.s32 s0, s11;
	[smem:$0x7EB] =	sst s6  }
0x39: {  	s17 =	sadd.s32 s0, s3;
	s5 =	sadd.s32 s1, s19;
	[smem:$0x7F3] =	sst s13  }
0x3a: {  	s15 =	sadd.s32 s0, s12;
	s19 =	sadd.s32 s0, s14;
	[smem:$0x7F6] =	sst s17  }
0x3b: {  	s24 =	sor.u32 $0x30, s10;
	s25 =	sadd.s32 s0, s22;
	[smem:$0x7E3] =	sst s5  }
0x3c: {  	s26 =	sadd.s32 s0, s23;
	s6 =	sadd.s32 s1, s23;
	[smem:$0x7E4] =	sst s15  }
0x3d: {  	s10 =	sadd.s32 s0, s4;
	s12 =	sor.u32 $0x20, s4;
	[smem:$0x7E8] =	sst s19  }
0x3e: {  	s18 =	sor.u32 $0x10, s3;
	s20 =	sor.u32 $0x20, s3;
	[smem:$0x7EC] =	sst s25  }
0x3f: {  	s21 =	sor.u32 $0x30, s3;
	s23 =	sadd.s32 s1, s4;
	[smem:$0x7EE] =	sst s26  }
0x40: {  	s8 =	sadd.s32 s1, s3;
	s13 =	simm.s32 $0x80;
	[smem:$0x7EF] =	sst s6  }
0x41: {  	s17 =	simm.s32 $0x6000;
	s3 =	simm.s32 $0x6;
	[smem:$0x7F2] =	sst s10  }
0x42: {  	s5 =	sadd.s32 s1, s22;
	s7 =	sadd.s32 s0, s24;
	[smem:$0x7FA] =	sst s23  }
0x43: {  	s9 =	sadd.s32 s1, s24;
	s14 =	sadd.s32 s0, s12;
	[smem:$0x7ED] =	sst s5  }
0x44: {  	s15 =	sor.u32 $0x30, s4;
	s19 =	sadd.s32 s0, s18;
	[smem:$0x7F0] =	sst s7  }
0x45: {  	s22 =	sadd.s32 s0, s20;
	s24 =	sadd.s32 s1, s11;
	[smem:$0x7F1] =	sst s9  }
0x46: {  	s25 =	sadd.s32 s1, s12;
	s10 =	sadd.s32 s1, s20;
	[smem:$0x7F4] =	sst s14  }
0x47: {  	s11 =	sadd.s32 s1, s21;
	s12 =	smax.u32 s2, $0x1;
	[smem:$0x7F7] =	sst s19  }
0x48: {  	s20 =	simm.s32 $0xC000;
	s23 =	simm.s32 $0x12000;
	[smem:$0x7F8] =	sst s22  }
0x49: {  	s2 =	simm.s32 $0x5;
	s4 =	simm.s32 $0x0;
	[smem:$0x7FB] =	sst s24  }
0x4a: {  	s16 =	sadd.s32 s0, s15;
	s0 =	sadd.s32 s0, s21;
	[smem:$0x7FC] =	sst s25  }
0x4b: {  	s26 =	sadd.s32 s1, s15;
	s9 =	sadd.s32 s1, s18;
	s14 =	simm.s32 $0x200  }
0x4c: {  	s15 =	simm.s32 $0x2000;
	s18 =	simm.s32 $0x8000;
	s19 =	simm.s32 $0xA000  }
0x4d: {  	s21 =	simm.s32 $0xE000;
	s22 =	simm.s32 $0x10000;
	[smem:$0x7F5] =	sst s16  }
0x4e: {  	s24 =	simm.s32 $0x1;
	s25 =	simm.s32 $0x14000;
	[smem:$0x7F9] =	sst s0  }
0x4f: {  	s1 =	simm.s32 $0x3;
	[smem:$0x7FD] =	sst s26;
	s16 =	simm.s32 $0x4000  }
0x50: {  	s26 =	simm.s32 $0x16000;
	s0 =	simm.s32 $0x4;
	_ =	strace $0x8000004A  }
.LBB2_1:
0x51: {  	s5 =	simm.s32 $0x0;
	s6 =	rddreg [dreg:$0x3]  }
0x52: {  	[tilespmem:s5], [sflag:$0x1] =	stream.linear.gather [hbm4b:s6+s5], $0x2000, $0x38;
	[tilespmem:$0x1E000] =	vst v63  }
0x53: {  	s7 =	rddreg [dreg:$0x4]  }
0x54: {  	[tilespmem:s15], [sflag:$0x1] =	stream.strided.gather [hbm4b:s7+s13], $0x2000, s14, s13, $0x38;
	[tilespmem:$0x1E000] =	vst v63  }
0x55: {  	s7 =	rddreg [dreg:$0x5]  }
0x56: {  	[tilespmem:s16], [sflag:$0x1] =	stream.strided.gather [hbm4b:s7+s13], $0x2000, s14, s13, $0x38;
	[tilespmem:$0x1E000] =	vst v63  }
0x57: {  	s7 =	rddreg [dreg:$0xf]  }
0x58: {  	[tilespmem:s17], [sflag:$0x1] =	stream.strided.gather [hbm4b:s7+s13], $0x2000, s14, s13, $0x38;
	[tilespmem:$0x1E000] =	vst v63  }
0x59: {  	s7 =	rddreg [dreg:$0x11]  }
0x5a: {  	[tilespmem:s18], [sflag:$0x1] =	stream.strided.gather [hbm4b:s7+s13], $0x2000, s14, s13, $0x38;
	[tilespmem:$0x1E000] =	vst v63  }
0x5b: {  	s7 =	rddreg [dreg:$0x6]  }
0x5c: {  	[tilespmem:s19], [sflag:$0x2] =	stream.linear.gather [hbm4b:s7+s5], $0x2000, $0x38;
	[tilespmem:$0x1E000] =	vst v63  }
0x5d: {  	s6 =	rddreg [dreg:$0x13]  }
0x5e: {  	[tilespmem:s20], [sflag:$0x2] =	stream.strided.gather [hbm4b:s6+s13], $0x2000, s14, s13, $0x38;
	[tilespmem:$0x1E000] =	vst v63  }
0x5f: {  	s7 =	rddreg [dreg:$0x15]  }
0x60: {  	[tilespmem:s21], [sflag:$0x2] =	stream.strided.gather [hbm4b:s7+s13], $0x2000, s14, s13, $0x38;
	[tilespmem:$0x1E000] =	vst v63  }
0x61: {  	s6 =	rddreg [dreg:$0x17]  }
0x62: {  	[tilespmem:s22], [sflag:$0x2] =	stream.strided.gather [hbm4b:s6+s13], $0x2000, s14, s13, $0x38;
	[tilespmem:$0x1E000] =	vst v63  }
0x63: {  	s7 =	rddreg [dreg:$0x19]  }
0x64: {  	[tilespmem:s23], [sflag:$0x2] =	stream.strided.gather [hbm4b:s7+s13], $0x2000, s14, s13, $0x38;
	[tilespmem:$0x1E000] =	vst v63  }
0x65: {  	_ =	swait.ge [sflag:s24], $0x2000  }
0x66: {  	[sflag:s24] =	ssyncset.done $0x0  }
0x67: {  	[sflag:s24] =	ssyncadd.s32 $0xFFFFE000  }
0x68: {  	_ =	swait.ge [sflag:s24], $0x2000  }
0x69: {  	[sflag:s24] =	ssyncset.done $0x0  }
0x6a: {  	[sflag:s24] =	ssyncadd.s32 $0xFFFFE000  }
0x6b: {  	_ =	swait.ge [sflag:s24], $0x2000  }
0x6c: {  	[sflag:s24] =	ssyncset.done $0x0  }
0x6d: {  	[sflag:s24] =	ssyncadd.s32 $0xFFFFE000  }
0x6e: {  	_ =	swait.ge [sflag:s24], $0x2000  }
0x6f: {  	[sflag:s24] =	ssyncset.done $0x0  }
0x70: {  	[sflag:s24] =	ssyncadd.s32 $0xFFFFE000  }
0x71: {  	_ =	swait.ge [sflag:s24], $0x2000  }
0x72: {  	[sflag:s24] =	ssyncset.done $0x0  }
0x73: {  	s5 =	simm.s32 $0x0;
	[sflag:s24] =	ssyncadd.s32 $0xFFFFE000  }
0x74: {  	v0 =	vld [tilespmem:s5+$0x0]  }
0x75: {  	v2 =	vld [tilespmem:s5+$0x2000]  }
0x76: {  	v3 =	vld [tilespmem:s5+$0x4000]  }
0x77: {  	s6 =	simm.s32 $0x40;
	v1 =	vld [tilespmem:s5+$0x6000]  }
.LBB2_2:
0x78: {  	p0 =	sne.s32 s6, $0x7FC0;
	v4 =	vld [tilespmem:s5+$0x8000]  }
0x79: {  	v5 =	vmov v0  }
0x7a: {  	v2 =	vadd.f32 v2, v5  }
.Ltmp0:
0x7b: {  	s7 =	sshra.s32 s6, $0x2;
	v3 =	vadd.f32 v3, v5;
	(pc) =	sbr.rel @p0 .LBB2_2-.Ltmp0, $4  }
0x7c: {  	v0 =	vld [tilespmem:s7+$0x0];
	[tilespmem:s5+$0x2000] =	vst v2;
	v1 =	vadd.f32 v1, v5  }
0x7d: {  	v2 =	vld [tilespmem:s7+$0x2000];
	[tilespmem:s5+$0x4000] =	vst v3;
	v4 =	vadd.f32 v4, v5  }
0x7e: {  	v3 =	vld [tilespmem:s7+$0x4000];
	[tilespmem:s5+$0x6000] =	vst v1  }
0x7f: {  	s6 =	sadd.s32 $0x40, s6;
	v1 =	vld [tilespmem:s7+$0x6000];
	[tilespmem:s5+$0x8000] =	vst v4;
	s5 =	smov.u32 s7  }
0x80: {  	v4 =	vld [tilespmem:s5+$0x8000];
	_ =	sdelay $0x1  }
0x81: {  	v2 =	vadd.f32 v2, v0  }
0x82: {  	v3 =	vadd.f32 v3, v0  }
0x83: {  	[tilespmem:s5+$0x2000] =	vst v2;
	v1 =	vadd.f32 v1, v0  }
0x84: {  	[tilespmem:s5+$0x4000] =	vst v3;
	v0 =	vadd.f32 v4, v0  }
0x85: {  	[tilespmem:s5+$0x6000] =	vst v1  }
0x86: {  	s7 =	rddreg [dreg:$0xd];
	[tilespmem:s5+$0x8000] =	vst v0  }
0x87: {  	[hbm4b:s7+s13] =	stream.strided.scatter [tilespmem:s15], [sflag:$0x4], $0x2000, s14, s13, $0x38;
	[tilespmem:$0x1E000] =	vst v63  }
0x88: {  	s6 =	rddreg [dreg:$0xe]  }
0x89: {  	[hbm4b:s6+s13] =	stream.strided.scatter [tilespmem:s16], [sflag:$0x4], $0x2000, s14, s13, $0x38;
	[tilespmem:$0x1E000] =	vst v63  }
0x8a: {  	s7 =	rddreg [dreg:$0x10]  }
0x8b: {  	[hbm4b:s7+s13] =	stream.strided.scatter [tilespmem:s17], [sflag:$0x4], $0x2000, s14, s13, $0x38;
	[tilespmem:$0x1E000] =	vst v63  }
0x8c: {  	s6 =	rddreg [dreg:$0x12]  }
0x8d: {  	[hbm4b:s6+s13] =	stream.strided.scatter [tilespmem:s18], [sflag:$0x4], $0x2000, s14, s13, $0x38;
	[tilespmem:$0x1E000] =	vst v63  }
0x8e: {  	s7 =	simm.s32 $0x0;
	s6 =	rddreg [dreg:$0x7]  }
0x8f: {  	[tilespmem:s25], [sflag:$0x3] =	stream.linear.gather [hbm4b:s6+s7], $0x2000, $0x38;
	[tilespmem:$0x1E000] =	vst v63  }
0x90: {  	s6 =	rddreg [dreg:$0x1b]  }
0x91: {  	s7 =	rddreg [dreg:$0x1d]  }
0x92: {  	[tilespmem:s26], [sflag:$0x3] =	stream.strided.gather [hbm4b:s6+s13], $0x2000, s14, s13, $0x38;
	[tilespmem:$0x1E000] =	vst v63  }
0x93: {  	s6 =	rddreg [dreg:$0x1f]  }
0x94: {  	[tilespmem:s28], [sflag:$0x3] =	stream.strided.gather [hbm4b:s7+s13], $0x2000, s14, s13, $0x38;
	[tilespmem:$0x1E000] =	vst v63  }
0x95: {  	s7 =	sld [smem:$0x7D8]  }
0x96: {  	[tilespmem:s29], [sflag:$0x3] =	stream.strided.gather [hbm4b:s6+s13], $0x2000, s14, s13, $0x38;
	[tilespmem:$0x1E000] =	vst v63  }
0x97: {  	_ = 	snop  }
0x98: {  	[tilespmem:s30], [sflag:$0x3] =	stream.strided.gather [hbm4b:s7+s13], $0x2000, s14, s13, $0x38;
	[tilespmem:$0x1E000] =	vst v63  }
0x99: {  	_ =	swait.ge [sflag:s31], $0x2000  }
0x9a: {  	[sflag:s31] =	ssyncset.done $0x0  }
0x9b: {  	[sflag:s31] =	ssyncadd.s32 $0xFFFFE000  }
0x9c: {  	_ =	swait.ge [sflag:s31], $0x2000  }
0x9d: {  	[sflag:s31] =	ssyncset.done $0x0  }
0x9e: {  	[sflag:s31] =	ssyncadd.s32 $0xFFFFE000  }
0x9f: {  	_ =	swait.ge [sflag:s31], $0x2000  }
0xa0: {  	[sflag:s31] =	ssyncset.done $0x0  }
0xa1: {  	[sflag:s31] =	ssyncadd.s32 $0xFFFFE000  }
0xa2: {  	_ =	swait.ge [sflag:s31], $0x2000  }
0xa3: {  	[sflag:s31] =	ssyncset.done $0x0  }
0xa4: {  	[sflag:s31] =	ssyncadd.s32 $0xFFFFE000  }
0xa5: {  	_ =	swait.ge [sflag:s31], $0x2000  }
0xa6: {  	[sflag:s31] =	ssyncset.done $0x0  }
0xa7: {  	s5 =	simm.s32 $0x0;
	[sflag:s31] =	ssyncadd.s32 $0xFFFFE000  }
0xa8: {  	v0 =	vld [tilespmem:s5+$0xA000]  }
0xa9: {  	v2 =	vld [tilespmem:s5+$0xC000]  }
0xaa: {  	v3 =	vld [tilespmem:s5+$0xE000]  }
0xab: {  	s6 =	simm.s32 $0x40;
	v1 =	vld [tilespmem:s5+$0x10000]  }
.LBB2_4:
0xac: {  	p0 =	sne.s32 s6, $0x7FC0;
	v4 =	vld [tilespmem:s5+$0x12000]  }
0xad: {  	v5 =	vmov v0  }
0xae: {  	v2 =	vadd.f32 v2, v5  }
.Ltmp1:
0xaf: {  	s7 =	sshra.s32 s6, $0x2;
	v3 =	vadd.f32 v3, v5;
	(pc) =	sbr.rel @p0 .LBB2_4-.Ltmp1, $4  }
0xb0: {  	v0 =	vld [tilespmem:s7+$0xA000];
	[tilespmem:s5+$0xC000] =	vst v2;
	v1 =	vadd.f32 v1, v5  }
0xb1: {  	v2 =	vld [tilespmem:s7+$0xC000];
	[tilespmem:s5+$0xE000] =	vst v3;
	v4 =	vadd.f32 v4, v5  }
0xb2: {  	v3 =	vld [tilespmem:s7+$0xE000];
	[tilespmem:s5+$0x10000] =	vst v1  }
0xb3: {  	s6 =	sadd.s32 $0x40, s6;
	v1 =	vld [tilespmem:s7+$0x10000];
	[tilespmem:s5+$0x12000] =	vst v4;
	s5 =	smov.u32 s7  }
0xb4: {  	v4 =	vld [tilespmem:s5+$0x12000];
	_ =	sdelay $0x1  }
0xb5: {  	v2 =	vadd.f32 v2, v0  }
0xb6: {  	v3 =	vadd.f32 v3, v0  }
0xb7: {  	[tilespmem:s5+$0xC000] =	vst v2;
	v1 =	vadd.f32 v1, v0  }
0xb8: {  	[tilespmem:s5+$0xE000] =	vst v3;
	v0 =	vadd.f32 v4, v0  }
0xb9: {  	[tilespmem:s5+$0x10000] =	vst v1  }
0xba: {  	s7 =	rddreg [dreg:$0x14];
	[tilespmem:s5+$0x12000] =	vst v0  }
0xbb: {  	[hbm4b:s7+s13] =	stream.strided.scatter [tilespmem:s20], [sflag:$0x5], $0x2000, s14, s13, $0x38;
	[tilespmem:$0x1E000] =	vst v63  }
0xbc: {  	s6 =	rddreg [dreg:$0x16]  }
0xbd: {  	[hbm4b:s6+s13] =	stream.strided.scatter [tilespmem:s21], [sflag:$0x5], $0x2000, s14, s13, $0x38;
	[tilespmem:$0x1E000] =	vst v63  }
0xbe: {  	s7 =	rddreg [dreg:$0x18]  }
0xbf: {  	[hbm4b:s7+s13] =	stream.strided.scatter [tilespmem:s22], [sflag:$0x5], $0x2000, s14, s13, $0x38;
	[tilespmem:$0x1E000] =	vst v63  }
0xc0: {  	s6 =	rddreg [dreg:$0x1a]  }
0xc1: {  	[hbm4b:s6+s13] =	stream.strided.scatter [tilespmem:s23], [sflag:$0x5], $0x2000, s14, s13, $0x38;
	[tilespmem:$0x1E000] =	vst v63  }
0xc2: {  	_ =	swait.ge [sflag:s0], $0x2000  }
0xc3: {  	[sflag:s0] =	ssyncset.done $0x0  }
0xc4: {  	[sflag:s0] =	ssyncadd.s32 $0xFFFFE000  }
0xc5: {  	_ =	swait.ge [sflag:s0], $0x2000  }
0xc6: {  	[sflag:s0] =	ssyncset.done $0x0  }
0xc7: {  	[sflag:s0] =	ssyncadd.s32 $0xFFFFE000  }
0xc8: {  	_ =	swait.ge [sflag:s0], $0x2000  }
0xc9: {  	[sflag:s0] =	ssyncset.done $0x0  }
0xca: {  	[sflag:s0] =	ssyncadd.s32 $0xFFFFE000  }
0xcb: {  	_ =	swait.ge [sflag:s0], $0x2000  }
0xcc: {  	[sflag:s0] =	ssyncset.done $0x0  }
0xcd: {  	s7 =	simm.s32 $0x0;
	s6 =	rddreg [dreg:$0x8];
	[sflag:s0] =	ssyncadd.s32 $0xFFFFE000  }
0xce: {  	[tilespmem:s7], [sflag:$0x1] =	stream.linear.gather [hbm4b:s6+s7], $0x2000, $0x38;
	[tilespmem:$0x1E000] =	vst v63  }
0xcf: {  	s6 =	sld [smem:$0x7DA];
	_ =	sdelay $0x1  }
0xd0: {  	s7 =	sld [smem:$0x7DC]  }
0xd1: {  	[tilespmem:s15], [sflag:$0x1] =	stream.strided.gather [hbm4b:s6+s13], $0x2000, s14, s13, $0x38;
	[tilespmem:$0x1E000] =	vst v63  }
0xd2: {  	s6 =	sld [smem:$0x7DE]  }
0xd3: {  	[tilespmem:s16], [sflag:$0x1] =	stream.strided.gather [hbm4b:s7+s13], $0x2000, s14, s13, $0x38;
	[tilespmem:$0x1E000] =	vst v63  }
0xd4: {  	s7 =	sld [smem:$0x7E0]  }
0xd5: {  	[tilespmem:s17], [sflag:$0x1] =	stream.strided.gather [hbm4b:s6+s13], $0x2000, s14, s13, $0x38;
	[tilespmem:$0x1E000] =	vst v63  }
0xd6: {  	_ = 	snop  }
0xd7: {  	[tilespmem:s18], [sflag:$0x1] =	stream.strided.gather [hbm4b:s7+s13], $0x2000, s14, s13, $0x38;
	[tilespmem:$0x1E000] =	vst v63  }
0xd8: {  	_ =	swait.ge [sflag:s1], $0x2000  }
0xd9: {  	[sflag:s1] =	ssyncset.done $0x0  }
0xda: {  	[sflag:s1] =	ssyncadd.s32 $0xFFFFE000  }
0xdb: {  	_ =	swait.ge [sflag:s1], $0x2000  }
0xdc: {  	[sflag:s1] =	ssyncset.done $0x0  }
0xdd: {  	[sflag:s1] =	ssyncadd.s32 $0xFFFFE000  }
0xde: {  	_ =	swait.ge [sflag:s1], $0x2000  }
0xdf: {  	[sflag:s1] =	ssyncset.done $0x0  }
0xe0: {  	[sflag:s1] =	ssyncadd.s32 $0xFFFFE000  }
0xe1: {  	_ =	swait.ge [sflag:s1], $0x2000  }
0xe2: {  	[sflag:s1] =	ssyncset.done $0x0  }
0xe3: {  	[sflag:s1] =	ssyncadd.s32 $0xFFFFE000  }
0xe4: {  	_ =	swait.ge [sflag:s1], $0x2000  }
0xe5: {  	[sflag:s1] =	ssyncset.done $0x0  }
0xe6: {  	s5 =	simm.s32 $0x0;
	[sflag:s1] =	ssyncadd.s32 $0xFFFFE000  }
0xe7: {  	v0 =	vld [tilespmem:s5+$0x14000]  }
0xe8: {  	v2 =	vld [tilespmem:s5+$0x16000]  }
0xe9: {  	v3 =	vld [tilespmem:s5+$0x18000]  }
0xea: {  	s6 =	simm.s32 $0x40;
	v1 =	vld [tilespmem:s5+$0x1A000]  }
.LBB2_6:
0xeb: {  	p0 =	sne.s32 s6, $0x7FC0;
	v4 =	vld [tilespmem:s5+$0x1C000]  }
0xec: {  	v5 =	vmov v0  }
0xed: {  	v2 =	vadd.f32 v2, v5  }
.Ltmp2:
0xee: {  	s7 =	sshra.s32 s6, $0x2;
	v3 =	vadd.f32 v3, v5;
	(pc) =	sbr.rel @p0 .LBB2_6-.Ltmp2, $4  }
0xef: {  	v0 =	vld [tilespmem:s7+$0x14000];
	[tilespmem:s5+$0x16000] =	vst v2;
	v1 =	vadd.f32 v1, v5  }
0xf0: {  	v2 =	vld [tilespmem:s7+$0x16000];
	[tilespmem:s5+$0x18000] =	vst v3;
	v4 =	vadd.f32 v4, v5  }
0xf1: {  	v3 =	vld [tilespmem:s7+$0x18000];
	[tilespmem:s5+$0x1A000] =	vst v1  }
0xf2: {  	s6 =	sadd.s32 $0x40, s6;
	v1 =	vld [tilespmem:s7+$0x1A000];
	[tilespmem:s5+$0x1C000] =	vst v4;
	s5 =	smov.u32 s7  }
0xf3: {  	v4 =	vld [tilespmem:s5+$0x1C000];
	_ =	sdelay $0x1  }
0xf4: {  	v2 =	vadd.f32 v2, v0  }
0xf5: {  	v3 =	vadd.f32 v3, v0  }
0xf6: {  	[tilespmem:s5+$0x16000] =	vst v2;
	v1 =	vadd.f32 v1, v0  }
0xf7: {  	[tilespmem:s5+$0x18000] =	vst v3;
	v0 =	vadd.f32 v4, v0  }
0xf8: {  	s7 =	rddreg [dreg:$0x1c];
	[tilespmem:s5+$0x1A000] =	vst v1  }
0xf9: {  	s6 =	rddreg [dreg:$0x1e];
	[tilespmem:s5+$0x1C000] =	vst v0  }
0xfa: {  	[hbm4b:s7+s13] =	stream.strided.scatter [tilespmem:s26], [sflag:$0x6], $0x2000, s14, s13, $0x38;
	[tilespmem:$0x1E000] =	vst v63  }
0xfb: {  	s7 =	sld [smem:$0x7D7]  }
0xfc: {  	[hbm4b:s6+s13] =	stream.strided.scatter [tilespmem:s28], [sflag:$0x6], $0x2000, s14, s13, $0x38;
	[tilespmem:$0x1E000] =	vst v63  }
0xfd: {  	s6 =	sld [smem:$0x7D9]  }
0xfe: {  	[hbm4b:s7+s13] =	stream.strided.scatter [tilespmem:s29], [sflag:$0x6], $0x2000, s14, s13, $0x38;
	[tilespmem:$0x1E000] =	vst v63  }
0xff: {  	_ = 	snop  }
0x100: {  	[hbm4b:s6+s13] =	stream.strided.scatter [tilespmem:s30], [sflag:$0x6], $0x2000, s14, s13, $0x38;
	[tilespmem:$0x1E000] =	vst v63  }
0x101: {  	_ =	swait.ge [sflag:s2], $0x2000  }
0x102: {  	[sflag:s2] =	ssyncset.done $0x0  }
0x103: {  	[sflag:s2] =	ssyncadd.s32 $0xFFFFE000  }
0x104: {  	_ =	swait.ge [sflag:s2], $0x2000  }
0x105: {  	[sflag:s2] =	ssyncset.done $0x0  }
0x106: {  	[sflag:s2] =	ssyncadd.s32 $0xFFFFE000  }
0x107: {  	_ =	swait.ge [sflag:s2], $0x2000  }
0x108: {  	[sflag:s2] =	ssyncset.done $0x0  }
0x109: {  	[sflag:s2] =	ssyncadd.s32 $0xFFFFE000  }
0x10a: {  	_ =	swait.ge [sflag:s2], $0x2000  }
0x10b: {  	[sflag:s2] =	ssyncset.done $0x0  }
0x10c: {  	s7 =	simm.s32 $0x0;
	s6 =	rddreg [dreg:$0x9];
	[sflag:s2] =	ssyncadd.s32 $0xFFFFE000  }
0x10d: {  	[tilespmem:s19], [sflag:$0x2] =	stream.linear.gather [hbm4b:s6+s7], $0x2000, $0x38;
	[tilespmem:$0x1E000] =	vst v63  }
0x10e: {  	s6 =	sld [smem:$0x7E2];
	_ =	sdelay $0x1  }
0x10f: {  	s7 =	sld [smem:$0x7E4]  }
0x110: {  	[tilespmem:s20], [sflag:$0x2] =	stream.strided.gather [hbm4b:s6+s13], $0x2000, s14, s13, $0x38;
	[tilespmem:$0x1E000] =	vst v63  }
0x111: {  	s6 =	sld [smem:$0x7E6]  }
0x112: {  	[tilespmem:s21], [sflag:$0x2] =	stream.strided.gather [hbm4b:s7+s13], $0x2000, s14, s13, $0x38;
	[tilespmem:$0x1E000] =	vst v63  }
0x113: {  	s7 =	sld [smem:$0x7E8]  }
0x114: {  	[tilespmem:s22], [sflag:$0x2] =	stream.strided.gather [hbm4b:s6+s13], $0x2000, s14, s13, $0x38;
	[tilespmem:$0x1E000] =	vst v63  }
0x115: {  	_ = 	snop  }
0x116: {  	[tilespmem:s23], [sflag:$0x2] =	stream.strided.gather [hbm4b:s7+s13], $0x2000, s14, s13, $0x38;
	[tilespmem:$0x1E000] =	vst v63  }
0x117: {  	_ =	swait.ge [sflag:s24], $0x2000  }
0x118: {  	[sflag:s24] =	ssyncset.done $0x0  }
0x119: {  	[sflag:s24] =	ssyncadd.s32 $0xFFFFE000  }
0x11a: {  	_ =	swait.ge [sflag:s24], $0x2000  }
0x11b: {  	[sflag:s24] =	ssyncset.done $0x0  }
0x11c: {  	[sflag:s24] =	ssyncadd.s32 $0xFFFFE000  }
0x11d: {  	_ =	swait.ge [sflag:s24], $0x2000  }
0x11e: {  	[sflag:s24] =	ssyncset.done $0x0  }
0x11f: {  	[sflag:s24] =	ssyncadd.s32 $0xFFFFE000  }
0x120: {  	_ =	swait.ge [sflag:s24], $0x2000  }
0x121: {  	[sflag:s24] =	ssyncset.done $0x0  }
0x122: {  	[sflag:s24] =	ssyncadd.s32 $0xFFFFE000  }
0x123: {  	_ =	swait.ge [sflag:s24], $0x2000  }
0x124: {  	[sflag:s24] =	ssyncset.done $0x0  }
0x125: {  	s5 =	simm.s32 $0x0;
	[sflag:s24] =	ssyncadd.s32 $0xFFFFE000  }
0x126: {  	v0 =	vld [tilespmem:s5+$0x0]  }
0x127: {  	v2 =	vld [tilespmem:s5+$0x2000]  }
0x128: {  	v3 =	vld [tilespmem:s5+$0x4000]  }
0x129: {  	s6 =	simm.s32 $0x40;
	v1 =	vld [tilespmem:s5+$0x6000]  }
.LBB2_8:
0x12a: {  	p0 =	sne.s32 s6, $0x7FC0;
	v4 =	vld [tilespmem:s5+$0x8000]  }
0x12b: {  	v5 =	vmov v0  }
0x12c: {  	v2 =	vadd.f32 v2, v5  }
.Ltmp3:
0x12d: {  	s7 =	sshra.s32 s6, $0x2;
	v3 =	vadd.f32 v3, v5;
	(pc) =	sbr.rel @p0 .LBB2_8-.Ltmp3, $4  }
0x12e: {  	v0 =	vld [tilespmem:s7+$0x0];
	[tilespmem:s5+$0x2000] =	vst v2;
	v1 =	vadd.f32 v1, v5  }
0x12f: {  	v2 =	vld [tilespmem:s7+$0x2000];
	[tilespmem:s5+$0x4000] =	vst v3;
	v4 =	vadd.f32 v4, v5  }
0x130: {  	v3 =	vld [tilespmem:s7+$0x4000];
	[tilespmem:s5+$0x6000] =	vst v1  }
0x131: {  	s6 =	sadd.s32 $0x40, s6;
	v1 =	vld [tilespmem:s7+$0x6000];
	[tilespmem:s5+$0x8000] =	vst v4;
	s5 =	smov.u32 s7  }
0x132: {  	v4 =	vld [tilespmem:s5+$0x8000];
	_ =	sdelay $0x1  }
0x133: {  	v2 =	vadd.f32 v2, v0  }
0x134: {  	v3 =	vadd.f32 v3, v0  }
0x135: {  	[tilespmem:s5+$0x2000] =	vst v2;
	v1 =	vadd.f32 v1, v0  }
0x136: {  	s7 =	sld [smem:$0x7DB];
	[tilespmem:s5+$0x4000] =	vst v3;
	v0 =	vadd.f32 v4, v0  }
0x137: {  	[tilespmem:s5+$0x6000] =	vst v1  }
0x138: {  	s6 =	sld [smem:$0x7DD];
	[tilespmem:s5+$0x8000] =	vst v0  }
0x139: {  	[hbm4b:s7+s13] =	stream.strided.scatter [tilespmem:s15], [sflag:$0x4], $0x2000, s14, s13, $0x38;
	[tilespmem:$0x1E000] =	vst v63  }
0x13a: {  	s7 =	sld [smem:$0x7DF]  }
0x13b: {  	[hbm4b:s6+s13] =	stream.strided.scatter [tilespmem:s16], [sflag:$0x4], $0x2000, s14, s13, $0x38;
	[tilespmem:$0x1E000] =	vst v63  }
0x13c: {  	s6 =	sld [smem:$0x7E1]  }
0x13d: {  	[hbm4b:s7+s13] =	stream.strided.scatter [tilespmem:s17], [sflag:$0x4], $0x2000, s14, s13, $0x38;
	[tilespmem:$0x1E000] =	vst v63  }
0x13e: {  	_ = 	snop  }
0x13f: {  	[hbm4b:s6+s13] =	stream.strided.scatter [tilespmem:s18], [sflag:$0x4], $0x2000, s14, s13, $0x38;
	[tilespmem:$0x1E000] =	vst v63  }
0x140: {  	_ =	swait.ge [sflag:s3], $0x2000  }
0x141: {  	[sflag:s3] =	ssyncset.done $0x0  }
0x142: {  	[sflag:s3] =	ssyncadd.s32 $0xFFFFE000  }
0x143: {  	_ =	swait.ge [sflag:s3], $0x2000  }
0x144: {  	[sflag:s3] =	ssyncset.done $0x0  }
0x145: {  	[sflag:s3] =	ssyncadd.s32 $0xFFFFE000  }
0x146: {  	_ =	swait.ge [sflag:s3], $0x2000  }
0x147: {  	[sflag:s3] =	ssyncset.done $0x0  }
0x148: {  	[sflag:s3] =	ssyncadd.s32 $0xFFFFE000  }
0x149: {  	_ =	swait.ge [sflag:s3], $0x2000  }
0x14a: {  	[sflag:s3] =	ssyncset.done $0x0  }
0x14b: {  	s7 =	simm.s32 $0x0;
	s6 =	rddreg [dreg:$0xa];
	[sflag:s3] =	ssyncadd.s32 $0xFFFFE000  }
0x14c: {  	[tilespmem:s25], [sflag:$0x3] =	stream.linear.gather [hbm4b:s6+s7], $0x2000, $0x38;
	[tilespmem:$0x1E000] =	vst v63  }
0x14d: {  	s6 =	sld [smem:$0x7EA];
	_ =	sdelay $0x1  }
0x14e: {  	s7 =	sld [smem:$0x7EC]  }
0x14f: {  	[tilespmem:s26], [sflag:$0x3] =	stream.strided.gather [hbm4b:s6+s13], $0x2000, s14, s13, $0x38;
	[tilespmem:$0x1E000] =	vst v63  }
0x150: {  	s6 =	sld [smem:$0x7EE]  }
0x151: {  	[tilespmem:s28], [sflag:$0x3] =	stream.strided.gather [hbm4b:s7+s13], $0x2000, s14, s13, $0x38;
	[tilespmem:$0x1E000] =	vst v63  }
0x152: {  	s7 =	sld [smem:$0x7F0]  }
0x153: {  	[tilespmem:s29], [sflag:$0x3] =	stream.strided.gather [hbm4b:s6+s13], $0x2000, s14, s13, $0x38;
	[tilespmem:$0x1E000] =	vst v63  }
0x154: {  	_ = 	snop  }
0x155: {  	[tilespmem:s30], [sflag:$0x3] =	stream.strided.gather [hbm4b:s7+s13], $0x2000, s14, s13, $0x38;
	[tilespmem:$0x1E000] =	vst v63  }
0x156: {  	_ =	swait.ge [sflag:s31], $0x2000  }
0x157: {  	[sflag:s31] =	ssyncset.done $0x0  }
0x158: {  	[sflag:s31] =	ssyncadd.s32 $0xFFFFE000  }
0x159: {  	_ =	swait.ge [sflag:s31], $0x2000  }
0x15a: {  	[sflag:s31] =	ssyncset.done $0x0  }
0x15b: {  	[sflag:s31] =	ssyncadd.s32 $0xFFFFE000  }
0x15c: {  	_ =	swait.ge [sflag:s31], $0x2000  }
0x15d: {  	[sflag:s31] =	ssyncset.done $0x0  }
0x15e: {  	[sflag:s31] =	ssyncadd.s32 $0xFFFFE000  }
0x15f: {  	_ =	swait.ge [sflag:s31], $0x2000  }
0x160: {  	[sflag:s31] =	ssyncset.done $0x0  }
0x161: {  	[sflag:s31] =	ssyncadd.s32 $0xFFFFE000  }
0x162: {  	_ =	swait.ge [sflag:s31], $0x2000  }
0x163: {  	[sflag:s31] =	ssyncset.done $0x0  }
0x164: {  	s5 =	simm.s32 $0x0;
	[sflag:s31] =	ssyncadd.s32 $0xFFFFE000  }
0x165: {  	v0 =	vld [tilespmem:s5+$0xA000]  }
0x166: {  	v2 =	vld [tilespmem:s5+$0xC000]  }
0x167: {  	v3 =	vld [tilespmem:s5+$0xE000]  }
0x168: {  	s6 =	simm.s32 $0x40;
	v1 =	vld [tilespmem:s5+$0x10000]  }
.LBB2_10:
0x169: {  	p0 =	sne.s32 s6, $0x7FC0;
	v4 =	vld [tilespmem:s5+$0x12000]  }
0x16a: {  	v5 =	vmov v0  }
0x16b: {  	v2 =	vadd.f32 v2, v5  }
.Ltmp4:
0x16c: {  	s7 =	sshra.s32 s6, $0x2;
	v3 =	vadd.f32 v3, v5;
	(pc) =	sbr.rel @p0 .LBB2_10-.Ltmp4, $4  }
0x16d: {  	v0 =	vld [tilespmem:s7+$0xA000];
	[tilespmem:s5+$0xC000] =	vst v2;
	v1 =	vadd.f32 v1, v5  }
0x16e: {  	v2 =	vld [tilespmem:s7+$0xC000];
	[tilespmem:s5+$0xE000] =	vst v3;
	v4 =	vadd.f32 v4, v5  }
0x16f: {  	v3 =	vld [tilespmem:s7+$0xE000];
	[tilespmem:s5+$0x10000] =	vst v1  }
0x170: {  	s6 =	sadd.s32 $0x40, s6;
	v1 =	vld [tilespmem:s7+$0x10000];
	[tilespmem:s5+$0x12000] =	vst v4;
	s5 =	smov.u32 s7  }
0x171: {  	v4 =	vld [tilespmem:s5+$0x12000];
	_ =	sdelay $0x1  }
0x172: {  	v2 =	vadd.f32 v2, v0  }
0x173: {  	v3 =	vadd.f32 v3, v0  }
0x174: {  	[tilespmem:s5+$0xC000] =	vst v2;
	v1 =	vadd.f32 v1, v0  }
0x175: {  	s7 =	sld [smem:$0x7E3];
	[tilespmem:s5+$0xE000] =	vst v3;
	v0 =	vadd.f32 v4, v0  }
0x176: {  	[tilespmem:s5+$0x10000] =	vst v1  }
0x177: {  	s6 =	sld [smem:$0x7E5];
	[tilespmem:s5+$0x12000] =	vst v0  }
0x178: {  	[hbm4b:s7+s13] =	stream.strided.scatter [tilespmem:s20], [sflag:$0x5], $0x2000, s14, s13, $0x38;
	[tilespmem:$0x1E000] =	vst v63  }
0x179: {  	s7 =	sld [smem:$0x7E7]  }
0x17a: {  	[hbm4b:s6+s13] =	stream.strided.scatter [tilespmem:s21], [sflag:$0x5], $0x2000, s14, s13, $0x38;
	[tilespmem:$0x1E000] =	vst v63  }
0x17b: {  	s6 =	sld [smem:$0x7E9]  }
0x17c: {  	[hbm4b:s7+s13] =	stream.strided.scatter [tilespmem:s22], [sflag:$0x5], $0x2000, s14, s13, $0x38;
	[tilespmem:$0x1E000] =	vst v63  }
0x17d: {  	_ = 	snop  }
0x17e: {  	[hbm4b:s6+s13] =	stream.strided.scatter [tilespmem:s23], [sflag:$0x5], $0x2000, s14, s13, $0x38;
	[tilespmem:$0x1E000] =	vst v63  }
0x17f: {  	_ =	swait.ge [sflag:s0], $0x2000  }
0x180: {  	[sflag:s0] =	ssyncset.done $0x0  }
0x181: {  	[sflag:s0] =	ssyncadd.s32 $0xFFFFE000  }
0x182: {  	_ =	swait.ge [sflag:s0], $0x2000  }
0x183: {  	[sflag:s0] =	ssyncset.done $0x0  }
0x184: {  	[sflag:s0] =	ssyncadd.s32 $0xFFFFE000  }
0x185: {  	_ =	swait.ge [sflag:s0], $0x2000  }
0x186: {  	[sflag:s0] =	ssyncset.done $0x0  }
0x187: {  	[sflag:s0] =	ssyncadd.s32 $0xFFFFE000  }
0x188: {  	_ =	swait.ge [sflag:s0], $0x2000  }
0x189: {  	[sflag:s0] =	ssyncset.done $0x0  }
0x18a: {  	s7 =	simm.s32 $0x0;
	s6 =	rddreg [dreg:$0xb];
	[sflag:s0] =	ssyncadd.s32 $0xFFFFE000  }
0x18b: {  	[tilespmem:s7], [sflag:$0x1] =	stream.linear.gather [hbm4b:s6+s7], $0x2000, $0x38;
	[tilespmem:$0x1E000] =	vst v63  }
0x18c: {  	s6 =	sld [smem:$0x7F2];
	_ =	sdelay $0x1  }
0x18d: {  	s7 =	sld [smem:$0x7F3]  }
0x18e: {  	[tilespmem:s15], [sflag:$0x1] =	stream.strided.gather [hbm4b:s6+s13], $0x2000, s14, s13, $0x38;
	[tilespmem:$0x1E000] =	vst v63  }
0x18f: {  	s6 =	sld [smem:$0x7F4]  }
0x190: {  	[tilespmem:s16], [sflag:$0x1] =	stream.strided.gather [hbm4b:s7+s13], $0x2000, s14, s13, $0x38;
	[tilespmem:$0x1E000] =	vst v63  }
0x191: {  	s7 =	sld [smem:$0x7F5]  }
0x192: {  	[tilespmem:s17], [sflag:$0x1] =	stream.strided.gather [hbm4b:s6+s13], $0x2000, s14, s13, $0x38;
	[tilespmem:$0x1E000] =	vst v63  }
0x193: {  	_ = 	snop  }
0x194: {  	[tilespmem:s18], [sflag:$0x1] =	stream.strided.gather [hbm4b:s7+s13], $0x2000, s14, s13, $0x38;
	[tilespmem:$0x1E000] =	vst v63  }
0x195: {  	_ =	swait.ge [sflag:s1], $0x2000  }
0x196: {  	[sflag:s1] =	ssyncset.done $0x0  }
0x197: {  	[sflag:s1] =	ssyncadd.s32 $0xFFFFE000  }
0x198: {  	_ =	swait.ge [sflag:s1], $0x2000  }
0x199: {  	[sflag:s1] =	ssyncset.done $0x0  }
0x19a: {  	[sflag:s1] =	ssyncadd.s32 $0xFFFFE000  }
0x19b: {  	_ =	swait.ge [sflag:s1], $0x2000  }
0x19c: {  	[sflag:s1] =	ssyncset.done $0x0  }
0x19d: {  	[sflag:s1] =	ssyncadd.s32 $0xFFFFE000  }
0x19e: {  	_ =	swait.ge [sflag:s1], $0x2000  }
0x19f: {  	[sflag:s1] =	ssyncset.done $0x0  }
0x1a0: {  	[sflag:s1] =	ssyncadd.s32 $0xFFFFE000  }
0x1a1: {  	_ =	swait.ge [sflag:s1], $0x2000  }
0x1a2: {  	[sflag:s1] =	ssyncset.done $0x0  }
0x1a3: {  	s5 =	simm.s32 $0x0;
	[sflag:s1] =	ssyncadd.s32 $0xFFFFE000  }
0x1a4: {  	v0 =	vld [tilespmem:s5+$0x14000]  }
0x1a5: {  	v2 =	vld [tilespmem:s5+$0x16000]  }
0x1a6: {  	v3 =	vld [tilespmem:s5+$0x18000]  }
0x1a7: {  	s6 =	simm.s32 $0x40;
	v1 =	vld [tilespmem:s5+$0x1A000]  }
.LBB2_12:
0x1a8: {  	p0 =	sne.s32 s6, $0x7FC0;
	v4 =	vld [tilespmem:s5+$0x1C000]  }
0x1a9: {  	v5 =	vmov v0  }
0x1aa: {  	v2 =	vadd.f32 v2, v5  }
.Ltmp5:
0x1ab: {  	s7 =	sshra.s32 s6, $0x2;
	v3 =	vadd.f32 v3, v5;
	(pc) =	sbr.rel @p0 .LBB2_12-.Ltmp5, $4  }
0x1ac: {  	v0 =	vld [tilespmem:s7+$0x14000];
	[tilespmem:s5+$0x16000] =	vst v2;
	v1 =	vadd.f32 v1, v5  }
0x1ad: {  	v2 =	vld [tilespmem:s7+$0x16000];
	[tilespmem:s5+$0x18000] =	vst v3;
	v4 =	vadd.f32 v4, v5  }
0x1ae: {  	v3 =	vld [tilespmem:s7+$0x18000];
	[tilespmem:s5+$0x1A000] =	vst v1  }
0x1af: {  	s6 =	sadd.s32 $0x40, s6;
	v1 =	vld [tilespmem:s7+$0x1A000];
	[tilespmem:s5+$0x1C000] =	vst v4;
	s5 =	smov.u32 s7  }
0x1b0: {  	v4 =	vld [tilespmem:s5+$0x1C000];
	_ =	sdelay $0x1  }
0x1b1: {  	v2 =	vadd.f32 v2, v0  }
0x1b2: {  	v3 =	vadd.f32 v3, v0  }
0x1b3: {  	[tilespmem:s5+$0x16000] =	vst v2;
	v1 =	vadd.f32 v1, v0  }
0x1b4: {  	s7 =	sld [smem:$0x7EB];
	[tilespmem:s5+$0x18000] =	vst v3;
	v0 =	vadd.f32 v4, v0  }
0x1b5: {  	[tilespmem:s5+$0x1A000] =	vst v1  }
0x1b6: {  	s6 =	sld [smem:$0x7ED];
	[tilespmem:s5+$0x1C000] =	vst v0  }
0x1b7: {  	[hbm4b:s7+s13] =	stream.strided.scatter [tilespmem:s26], [sflag:$0x6], $0x2000, s14, s13, $0x38;
	[tilespmem:$0x1E000] =	vst v63  }
0x1b8: {  	s7 =	sld [smem:$0x7EF]  }
0x1b9: {  	[hbm4b:s6+s13] =	stream.strided.scatter [tilespmem:s28], [sflag:$0x6], $0x2000, s14, s13, $0x38;
	[tilespmem:$0x1E000] =	vst v63  }
0x1ba: {  	s6 =	sld [smem:$0x7F1]  }
0x1bb: {  	[hbm4b:s7+s13] =	stream.strided.scatter [tilespmem:s29], [sflag:$0x6], $0x2000, s14, s13, $0x38;
	[tilespmem:$0x1E000] =	vst v63  }
0x1bc: {  	_ = 	snop  }
0x1bd: {  	[hbm4b:s6+s13] =	stream.strided.scatter [tilespmem:s30], [sflag:$0x6], $0x2000, s14, s13, $0x38;
	[tilespmem:$0x1E000] =	vst v63  }
0x1be: {  	_ =	swait.ge [sflag:s2], $0x2000  }
0x1bf: {  	[sflag:s2] =	ssyncset.done $0x0  }
0x1c0: {  	[sflag:s2] =	ssyncadd.s32 $0xFFFFE000  }
0x1c1: {  	_ =	swait.ge [sflag:s2], $0x2000  }
0x1c2: {  	[sflag:s2] =	ssyncset.done $0x0  }
0x1c3: {  	[sflag:s2] =	ssyncadd.s32 $0xFFFFE000  }
0x1c4: {  	_ =	swait.ge [sflag:s2], $0x2000  }
0x1c5: {  	[sflag:s2] =	ssyncset.done $0x0  }
0x1c6: {  	[sflag:s2] =	ssyncadd.s32 $0xFFFFE000  }
0x1c7: {  	_ =	swait.ge [sflag:s2], $0x2000  }
0x1c8: {  	[sflag:s2] =	ssyncset.done $0x0  }
0x1c9: {  	s7 =	simm.s32 $0x0;
	s6 =	rddreg [dreg:$0xc];
	[sflag:s2] =	ssyncadd.s32 $0xFFFFE000  }
0x1ca: {  	[tilespmem:s19], [sflag:$0x2] =	stream.linear.gather [hbm4b:s6+s7], $0x2000, $0x38;
	[tilespmem:$0x1E000] =	vst v63  }
0x1cb: {  	s6 =	sld [smem:$0x7F6];
	_ =	sdelay $0x1  }
0x1cc: {  	s7 =	sld [smem:$0x7F7]  }
0x1cd: {  	[tilespmem:s20], [sflag:$0x2] =	stream.strided.gather [hbm4b:s6+s13], $0x2000, s14, s13, $0x38;
	[tilespmem:$0x1E000] =	vst v63  }
0x1ce: {  	s6 =	sld [smem:$0x7F8]  }
0x1cf: {  	[tilespmem:s21], [sflag:$0x2] =	stream.strided.gather [hbm4b:s7+s13], $0x2000, s14, s13, $0x38;
	[tilespmem:$0x1E000] =	vst v63  }
0x1d0: {  	s7 =	sld [smem:$0x7F9]  }
0x1d1: {  	[tilespmem:s22], [sflag:$0x2] =	stream.strided.gather [hbm4b:s6+s13], $0x2000, s14, s13, $0x38;
	[tilespmem:$0x1E000] =	vst v63  }
0x1d2: {  	_ = 	snop  }
0x1d3: {  	[tilespmem:s23], [sflag:$0x2] =	stream.strided.gather [hbm4b:s7+s13], $0x2000, s14, s13, $0x38;
	[tilespmem:$0x1E000] =	vst v63  }
0x1d4: {  	_ =	swait.ge [sflag:s24], $0x2000  }
0x1d5: {  	[sflag:s24] =	ssyncset.done $0x0  }
0x1d6: {  	[sflag:s24] =	ssyncadd.s32 $0xFFFFE000  }
0x1d7: {  	_ =	swait.ge [sflag:s24], $0x2000  }
0x1d8: {  	[sflag:s24] =	ssyncset.done $0x0  }
0x1d9: {  	[sflag:s24] =	ssyncadd.s32 $0xFFFFE000  }
0x1da: {  	_ =	swait.ge [sflag:s24], $0x2000  }
0x1db: {  	[sflag:s24] =	ssyncset.done $0x0  }
0x1dc: {  	[sflag:s24] =	ssyncadd.s32 $0xFFFFE000  }
0x1dd: {  	_ =	swait.ge [sflag:s24], $0x2000  }
0x1de: {  	[sflag:s24] =	ssyncset.done $0x0  }
0x1df: {  	[sflag:s24] =	ssyncadd.s32 $0xFFFFE000  }
0x1e0: {  	_ =	swait.ge [sflag:s24], $0x2000  }
0x1e1: {  	[sflag:s24] =	ssyncset.done $0x0  }
0x1e2: {  	s5 =	simm.s32 $0x0;
	[sflag:s24] =	ssyncadd.s32 $0xFFFFE000  }
0x1e3: {  	v0 =	vld [tilespmem:s5+$0x0]  }
0x1e4: {  	v2 =	vld [tilespmem:s5+$0x2000]  }
0x1e5: {  	v3 =	vld [tilespmem:s5+$0x4000]  }
0x1e6: {  	s6 =	simm.s32 $0x40;
	v1 =	vld [tilespmem:s5+$0x6000]  }
.LBB2_14:
0x1e7: {  	p0 =	sne.s32 s6, $0x7FC0;
	v4 =	vld [tilespmem:s5+$0x8000]  }
0x1e8: {  	v5 =	vmov v0  }
0x1e9: {  	v2 =	vadd.f32 v2, v5  }
.Ltmp6:
0x1ea: {  	s7 =	sshra.s32 s6, $0x2;
	v3 =	vadd.f32 v3, v5;
	(pc) =	sbr.rel @p0 .LBB2_14-.Ltmp6, $4  }
0x1eb: {  	v0 =	vld [tilespmem:s7+$0x0];
	[tilespmem:s5+$0x2000] =	vst v2;
	v1 =	vadd.f32 v1, v5  }
0x1ec: {  	v2 =	vld [tilespmem:s7+$0x2000];
	[tilespmem:s5+$0x4000] =	vst v3;
	v4 =	vadd.f32 v4, v5  }
0x1ed: {  	v3 =	vld [tilespmem:s7+$0x4000];
	[tilespmem:s5+$0x6000] =	vst v1  }
0x1ee: {  	s6 =	sadd.s32 $0x40, s6;
	v1 =	vld [tilespmem:s7+$0x6000];
	[tilespmem:s5+$0x8000] =	vst v4;
	s5 =	smov.u32 s7  }
0x1ef: {  	v4 =	vld [tilespmem:s5+$0x8000];
	_ =	sdelay $0x1  }
0x1f0: {  	v2 =	vadd.f32 v2, v0  }
0x1f1: {  	v3 =	vadd.f32 v3, v0  }
0x1f2: {  	[tilespmem:s5+$0x2000] =	vst v2;
	v1 =	vadd.f32 v1, v0  }
0x1f3: {  	s6 =	sld [smem:$0x7FA];
	[tilespmem:s5+$0x4000] =	vst v3;
	v0 =	vadd.f32 v4, v0  }
0x1f4: {  	[tilespmem:s5+$0x6000] =	vst v1  }
0x1f5: {  	s7 =	sld [smem:$0x7FB];
	[tilespmem:s5+$0x8000] =	vst v0  }
0x1f6: {  	[hbm4b:s6+s13] =	stream.strided.scatter [tilespmem:s15], [sflag:$0x4], $0x2000, s14, s13, $0x38;
	[tilespmem:$0x1E000] =	vst v63  }
0x1f7: {  	s6 =	sld [smem:$0x7FC]  }
0x1f8: {  	[hbm4b:s7+s13] =	stream.strided.scatter [tilespmem:s16], [sflag:$0x4], $0x2000, s14, s13, $0x38;
	[tilespmem:$0x1E000] =	vst v63  }
0x1f9: {  	s7 =	sld [smem:$0x7FD]  }
0x1fa: {  	[hbm4b:s6+s13] =	stream.strided.scatter [tilespmem:s17], [sflag:$0x4], $0x2000, s14, s13, $0x38;
	[tilespmem:$0x1E000] =	vst v63  }
0x1fb: {  	_ = 	snop  }
0x1fc: {  	[hbm4b:s7+s13] =	stream.strided.scatter [tilespmem:s18], [sflag:$0x4], $0x2000, s14, s13, $0x38;
	[tilespmem:$0x1E000] =	vst v63  }
0x1fd: {  	_ =	swait.ge [sflag:s31], $0x2000  }
0x1fe: {  	[sflag:s31] =	ssyncset.done $0x0  }
0x1ff: {  	[sflag:s31] =	ssyncadd.s32 $0xFFFFE000  }
0x200: {  	_ =	swait.ge [sflag:s31], $0x2000  }
0x201: {  	[sflag:s31] =	ssyncset.done $0x0  }
0x202: {  	[sflag:s31] =	ssyncadd.s32 $0xFFFFE000  }
0x203: {  	_ =	swait.ge [sflag:s31], $0x2000  }
0x204: {  	[sflag:s31] =	ssyncset.done $0x0  }
0x205: {  	[sflag:s31] =	ssyncadd.s32 $0xFFFFE000  }
0x206: {  	_ =	swait.ge [sflag:s31], $0x2000  }
0x207: {  	[sflag:s31] =	ssyncset.done $0x0  }
0x208: {  	[sflag:s31] =	ssyncadd.s32 $0xFFFFE000  }
0x209: {  	_ =	swait.ge [sflag:s31], $0x2000  }
0x20a: {  	[sflag:s31] =	ssyncset.done $0x0  }
0x20b: {  	s5 =	simm.s32 $0x0;
	[sflag:s31] =	ssyncadd.s32 $0xFFFFE000  }
0x20c: {  	v0 =	vld [tilespmem:s5+$0xA000]  }
0x20d: {  	v2 =	vld [tilespmem:s5+$0xC000]  }
0x20e: {  	v3 =	vld [tilespmem:s5+$0xE000]  }
0x20f: {  	s6 =	simm.s32 $0x40;
	v1 =	vld [tilespmem:s5+$0x10000]  }
.LBB2_16:
0x210: {  	p0 =	sne.s32 s6, $0x7FC0;
	v4 =	vld [tilespmem:s5+$0x12000]  }
0x211: {  	v5 =	vmov v0  }
0x212: {  	v2 =	vadd.f32 v2, v5  }
.Ltmp7:
0x213: {  	s7 =	sshra.s32 s6, $0x2;
	v3 =	vadd.f32 v3, v5;
	(pc) =	sbr.rel @p0 .LBB2_16-.Ltmp7, $4  }
0x214: {  	v0 =	vld [tilespmem:s7+$0xA000];
	[tilespmem:s5+$0xC000] =	vst v2;
	v1 =	vadd.f32 v1, v5  }
0x215: {  	v2 =	vld [tilespmem:s7+$0xC000];
	[tilespmem:s5+$0xE000] =	vst v3;
	v4 =	vadd.f32 v4, v5  }
0x216: {  	v3 =	vld [tilespmem:s7+$0xE000];
	[tilespmem:s5+$0x10000] =	vst v1  }
0x217: {  	s6 =	sadd.s32 $0x40, s6;
	v1 =	vld [tilespmem:s7+$0x10000];
	[tilespmem:s5+$0x12000] =	vst v4;
	s5 =	smov.u32 s7  }
0x218: {  	v4 =	vld [tilespmem:s5+$0x12000];
	_ =	sdelay $0x1  }
0x219: {  	v2 =	vadd.f32 v2, v0  }
0x21a: {  	v3 =	vadd.f32 v3, v0  }
0x21b: {  	[tilespmem:s5+$0xC000] =	vst v2;
	v1 =	vadd.f32 v1, v0  }
0x21c: {  	[tilespmem:s5+$0xE000] =	vst v3;
	v63 =	vadd.f32 v4, v0  }
0x21d: {  	[tilespmem:s5+$0x10000] =	vst v1  }
0x21e: {  	[tilespmem:s5+$0x12000] =	vst v63  }
0x21f: {  	[hbm4b:s8+s13] =	stream.strided.scatter [tilespmem:s20], [sflag:$0x5], $0x2000, s14, s13, $0x38;
	[tilespmem:$0x1E000] =	vst v63  }
0x220: {  	_ = 	snop  }
0x221: {  	[hbm4b:s9+s13] =	stream.strided.scatter [tilespmem:s21], [sflag:$0x5], $0x2000, s14, s13, $0x38;
	[tilespmem:$0x1E000] =	vst v63  }
0x222: {  	_ = 	snop  }
0x223: {  	[hbm4b:s10+s13] =	stream.strided.scatter [tilespmem:s22], [sflag:$0x5], $0x2000, s14, s13, $0x38;
	[tilespmem:$0x1E000] =	vst v63  }
0x224: {  	_ = 	snop  }
0x225: {  	[hbm4b:s11+s13] =	stream.strided.scatter [tilespmem:s23], [sflag:$0x5], $0x2000, s14, s13, $0x38;
	[tilespmem:$0x1E000] =	vst v63  }
0x226: {  	_ =	swait.ge [sflag:s0], $0x2000  }
0x227: {  	[sflag:s0] =	ssyncset.done $0x0  }
0x228: {  	[sflag:s0] =	ssyncadd.s32 $0xFFFFE000  }
0x229: {  	_ =	swait.ge [sflag:s0], $0x2000  }
0x22a: {  	[sflag:s0] =	ssyncset.done $0x0  }
0x22b: {  	[sflag:s0] =	ssyncadd.s32 $0xFFFFE000  }
0x22c: {  	_ =	swait.ge [sflag:s0], $0x2000  }
0x22d: {  	[sflag:s0] =	ssyncset.done $0x0  }
0x22e: {  	[sflag:s0] =	ssyncadd.s32 $0xFFFFE000  }
0x22f: {  	_ =	swait.ge [sflag:s0], $0x2000  }
0x230: {  	[sflag:s0] =	ssyncset.done $0x0  }
0x231: {  	[sflag:s0] =	ssyncadd.s32 $0xFFFFE000  }
0x232: {  	_ =	swait.ge [sflag:s2], $0x2000  }
0x233: {  	[sflag:s2] =	ssyncset.done $0x0  }
0x234: {  	[sflag:s2] =	ssyncadd.s32 $0xFFFFE000  }
0x235: {  	_ =	swait.ge [sflag:s2], $0x2000  }
0x236: {  	[sflag:s2] =	ssyncset.done $0x0  }
0x237: {  	[sflag:s2] =	ssyncadd.s32 $0xFFFFE000  }
0x238: {  	_ =	swait.ge [sflag:s2], $0x2000  }
0x239: {  	[sflag:s2] =	ssyncset.done $0x0  }
0x23a: {  	[sflag:s2] =	ssyncadd.s32 $0xFFFFE000  }
0x23b: {  	_ =	swait.ge [sflag:s2], $0x2000  }
0x23c: {  	[sflag:s2] =	ssyncset.done $0x0  }
0x23d: {  	[sflag:s2] =	ssyncadd.s32 $0xFFFFE000  }
0x23e: {  	_ =	swait.ge [sflag:s3], $0x2000  }
0x23f: {  	[sflag:s3] =	ssyncset.done $0x0  }
0x240: {  	[sflag:s3] =	ssyncadd.s32 $0xFFFFE000  }
0x241: {  	_ =	swait.ge [sflag:s3], $0x2000  }
0x242: {  	[sflag:s3] =	ssyncset.done $0x0  }
0x243: {  	s4 =	sadd.s32 $0x1, s4;
	[sflag:s3] =	ssyncadd.s32 $0xFFFFE000  }
0x244: {  	p0 =	sne.s32 s4, s12;
	_ =	swait.ge [sflag:s3], $0x2000  }
.Ltmp8:
0x245: {  	[sflag:s3] =	ssyncset.done $0x0;
	(pc) =	sbr.rel @p0 .LBB2_1-.Ltmp8, $4  }
0x246: {  	[sflag:s3] =	ssyncadd.s32 $0xFFFFE000  }
0x247: {  	_ =	swait.ge [sflag:s3], $0x2000  }
0x248: {  	[sflag:s3] =	ssyncset.done $0x0  }
0x249: {  	[sflag:s3] =	ssyncadd.s32 $0xFFFFE000  }
0x24a: {  	_ =	sfence.sel $0x180000  }
0x24b: {  	[bflag:$0x0] =	sbarrier.arrive $0xFFFF  }
0x24c: {  	_ =	strace $0x9000004A  }
0x24d: {  	s0 =	stileid.u32;
	[bflag:$0x2] =	sbarrier.arrive $0xFFFF  }
0x24e: {  	p0 =	sne.s32 s0, $0x0;
	s0 =	rddreg [dreg:$0x2]  }
0x24f: {  	s0 =	sadd.s32 @!p0 $0x100000, s0  }
0x250: {  	[sflag:s0] =	ssyncadd.tile.s32 @!p0 $0x1;
	_ =	shalt  }
.Lfunc_end2:
_tile_overlayer_lowered:
.L_overlay_start_2:
0x251: {  	(tag) =	ssettag $0x2  }
0x252: {  	s0 =	rddreg [dreg:$0x0];
	s2 =	stileid.u32  }
0x253: {  	s1 =	rddreg [dreg:$0x1];
	p0 =	sne.s32 s2, $0x0  }
0x254: {  	s3 =	rddreg [dreg:$0x2];
	[bflag:$0x3] =	sbarrier.arrive $0xFFFF;
	s2 =	simm.s32 @!p0 $0x1C07  }
0x255: {  	[timem:s3], [sflag:s2] =	dma.local @!p0 [hbm:s0], s1  }
0x256: {  	s0 =	simm.s32 @!p0 $0x7  }
0x257: {  	_ =	swait.ge @!p0 [sflag:s0], s1  }
0x258: {  	s1 =	ssub.s32 @!p0 $0x0, s1;
	[sflag:s0] =	ssyncset.done @!p0 $0x0  }
0x259: {  	[sflag:s0] =	ssyncadd.s32 @!p0 s1  }
0x25a: {  	[bflag:$0x3] =	sbarrier.arrive $0xFFFF  }
0x25b: {  	_ =	shalt  }

// kernel: sparse-core-data-format-call.1.cloned.1.call-start
scs
called_computation.1_lowered:
.L_overlay_start_0:
0x0: {  	s2 =	sld [smem:$0x3FD9]  }
0x1: {  	s3 =	sld [smem:$0x3FFE];
	_ =	sdelay $0x1  }
0x2: {  	s1 =	srdreg.scid  }
0x3: {  	s0 =	sand.u32 $0x1, s1  }
0x4: {  	s19 =	sshll.u32 s0, $0xA;
	s2 =	sadd.s32 s3, s2  }
0x5: {  	s2 =	sadd.s32 s2, s19  }
0x6: {  	[smem:$0x3FC6] =	sst s2  }
0x7: {  	_ = 	snop  }
0x8: {  	s2 =	sld [smem:$0x3FC9]  }
0x9: {  	s20 =	sld [smem:$0x3FD0];
	(tm) =	ssettm $0x1  }
0xa: {  	s4 =	sld [smem:$0x3FFB];
	_ =	sdelay $0x3  }
0xb: {  	_ =	strace s4  }
0xc: {  	s4 =	sld [smem:$0x3FFC];
	_ =	sdelay $0x3  }
0xd: {  	_ =	strace s4  }
0xe: {  	s4 =	sld [smem:$0x3FFD];
	_ =	sdelay $0x3  }
0xf: {  	_ =	strace s4  }
0x10: {  	_ =	strace $0x8FFFFFFF  }
0x11: {  	s21 =	sld [smem:$0x3FDB];
	_ =	sdelay $0x1  }
0x12: {  	s5 =	simm.s32 $_scs_section_size  }
0x13: {  	s6 =	simm.s32 $_size__tile_overlayer_lowered;
	s7 =	simm.s32 $_tile_overlayer_lowered  }
0x14: {  	s24 =	simm.s32 $0x1BFF;
	s23 =	sshll.u32 s7, $0x1;
	s4 =	sadd.s32 s5, s21  }
0x15: {  	s8 =	simm.s32 $0x0;
	s22 =	sshll.u32 s6, $0x1;
	s6 =	sadd.s32 s23, s4  }
0x16: {  	[timem:s8], [sflag:s24] =	dma.local [hbm:s6], s22  }
0x17: {  	_ =	swait.ge [sflag:s24], s22  }
0x18: {  	s5 =	ssub.s32 $0x0, s22;
	[sflag:s24] =	ssyncset.done $0x0  }
0x19: {  	[sflag:s24] =	ssyncadd.s32 s5;
	_ =	sdelay $0x1  }
0x1a: {  	s25 =	simm.s32 $0x1B8B  }
0x1b: {  	_ =	swait.ge [sflag:s25], $0x1  }
0x1c: {  	[sflag:s25] =	ssyncset.done $0x0  }
0x1d: {  	s26 =	simm.s32 $0x1B8E;
	[sflag:s25] =	ssyncadd.s32 $0xFFFFFFFF  }
0x1e: {  	s27 =	simm.s32 $execute0_lowered;
	[smem:$0x3FD2] =	sst s26  }
0x1f: {  	s5 =	sshll.u32 s27, $0x1;
	_ =	strace $0x80000046;
	[dreg:$0x1] =	wrdreg $0xFFFFFFFF  }
0x20: {  	s28 =	simm.s32 $_size_execute0_lowered;
	s4 =	sadd.s32 s4, s5;
	[dreg:$0x0] =	wrdreg $0x0  }
0x21: {  	s5 =	sshll.u32 s28, $0x1;
	[dreg:$0x2] =	wrdreg s4  }
0x22: {  	[dreg:$0x3] =	wrdreg s5  }
0x23: {  	[dreg:$0x4] =	wrdreg $0xC0  }
0x24: {  	_ =	task [dreg:s8], $0x5FFFF  }
0x25: {  	[dreg:$0x1] =	wrdreg $0xFFFFFFFF  }
0x26: {  	[dreg:$0x0] =	wrdreg $0x60  }
0x27: {  	[dreg:$0x2] =	wrdreg s2  }
0x28: {  	[dreg:$0x3] =	wrdreg s20  }
0x29: {  	[dreg:$0x4] =	wrdreg $0x9  }
0x2a: {  	_ =	task.clear_ibuf [dreg:s8], $0x5FFFF;
	_ =	strace $0x90000046  }
0x2b: {  	s29 =	simm.s32 $0x9;
	_ =	strace $0x80000048  }
0x2c: {  	_ =	swait.ge [sflag:s29], $0x1  }
0x2d: {  	[sflag:s29] =	ssyncadd.s32 $0xFFFFFFFF  }
0x2e: {  	_ =	strace $0x90000048  }
0x2f: {  	_ =	sfence  }
0x30: {  	s30 =	sld [smem:$0x0];
	_ =	sdelay $0x2  }
0x31: {  	s31 =	sshll.u32 s1, $0xD;
	s1 =	sshrl.u32 s1, $0x2  }
0x32: {  	s3 =	sand.u32 $0x4000, s31;
	s1 =	sadd.s32 s1, s30  }
0x33: {  	s0 =	sor.u32 s3, s0;
	s1 =	sshll.u32 s1, $0x11  }
0x34: {  	s0 =	sor.u32 s1, s0  }
0x35: {  	s0 =	sadd.s32 $0x8F2B, s0  }
0x36: {  	[sflag:s0] =	ssyncadd.remote.s32 $0x1  }
0x37: {  	_ =	sfence.sel $0xFFFF  }
0x38: {  	[dreg:$0x0] =	wrdreg $0xFFFFFFFF;
	(pc) =	sbr.abs _section_cstart, $3  }
0x39: {  	[dreg:$0x1] =	wrdreg $0xFFFFFFFF  }
0x3a: {  	_ =	task.clear_ibuf [dreg:s8], $0x2FFFF;
	_ =	strace $0x9FFFFFFF  }
0x3b: {  	(tm) =	ssettm $0x7FFFFFFF  }
tec
execute0_lowered:
.L_overlay_start_1:
0x0: {  	(tag) =	ssettag $0x1  }
0x1: {  	s0 =	stileid.u32;
	s3 =	rddreg [dreg:$0x0]  }
0x2: {  	s1 =	srdreg.scid;
	s4 =	rddreg [dreg:$0x1]  }
0x3: {  	s7 =	simm.s32 $0x1;
	s2 =	sshll.u32 s0, $0x5;
	s1 =	sshll.u32 s1, $0x9  }
0x4: {  	s31 =	simm.s32 $0x2;
	s15 =	simm.s32 $0x0;
	s1 =	sor.u32 s2, s1  }
0x5: {  	s9 =	simm.s32 $0x1000;
	s10 =	simm.s32 $0x0;
	s2 =	sand.u32 $0x380, s1  }
0x6: {  	s16 =	simm.s32 $0x0;
	s17 =	simm.s32 $0x0;
	s5 =	ssub.s32 $0x800, s2  }
0x7: {  	s11 =	simm.s32 $0x0;
	s14 =	simm.s32 $0x0;
	s6 =	sand.u32 $0x380, s5  }
.Ltmp0:
0x8: {  	s1 =	rddreg [dreg:$0x2];
	p0 =	sne.s32 s6, $0x0;
	(pc) =	sbr.rel .LBB1_1-.Ltmp0, $4  }
0x9: {  	_ =	strace $0x80000047;
	s8 =	sshrl.u32 s5, $0xA;
	s7 =	simm.s32 @!p0 $0x0  }
0xa: {  	s12 =	smov.u32 s2;
	s6 =	simm.s32 $0x1;
	s7 =	sadd.s32 s7, s8  }
0xb: {  	s5 =	sand.u32 $0x3, s0;
	[sflag:s6] =	ssyncpa.u1 $0x0;
	s7 =	sshll.u32 s7, $0x3  }
0xc: {  	s13 =	smov.u32 s5;
	[sflag:s31] =	ssyncpa.u1 $0x0;
	s8 =	sor.u32 $0x1, s7  }
.LBB1_4:
0xd: {  	_ =	sdelay $0x3  }
0xe: {  	[tilespmem:v0+s20+$0xFFFFFFA0 ss:$0x1] =	vst.idx.msk $0xffff, v6  }
0xf: {  	v56 =	vld.idx.msk [tilespmem:v1+s19+$0x30 ss:$0x1], $0xffff;
	[tilespmem:v0+s20+$0xFFFFFFB0 ss:$0x1] =	vst.idx.msk $0xffff, v4  }
0x10: {  	v57 =	vld.idx.msk [tilespmem:v1+s19+$0xFFFFFFC0 ss:$0x1], $0xffff;
	[tilespmem:v0+s20+$0xFFFFFFC0 ss:$0x1] =	vst.idx.msk $0xffff, v2  }
0x11: {  	v58 =	vld.idx.msk [tilespmem:v1+s19+$0xFFFFFFD0 ss:$0x1], $0xffff;
	[tilespmem:v0+s20+$0xFFFFFFD0 ss:$0x1] =	vst.idx.msk $0xffff, v3  }
0x12: {  	v59 =	vld.idx.msk [tilespmem:v1+s19+$0xFFFFFFE0 ss:$0x1], $0xffff;
	[tilespmem:v0+s20+$0xFFFFFFE0 ss:$0x1] =	vst.idx.msk $0xffff, v5  }
0x13: {  	v60 =	vld.idx.msk [tilespmem:v1+s19+$0xFFFFFFF0 ss:$0x1], $0xffff;
	[tilespmem:v0+s20+$0xFFFFFFF0 ss:$0x1] =	vst.idx.msk $0xffff, v7  }
0x14: {  	v61 =	vld.idx.msk [tilespmem:v1+s19+$0x0 ss:$0x1], $0xffff;
	[tilespmem:v0+s19+$0x0 ss:$0x1] =	vst.idx.msk $0xffff, v56  }
0x15: {  	v62 =	vld.idx.msk [tilespmem:v1+s19+$0x10 ss:$0x1], $0xffff;
	[tilespmem:v0+s19+$0xFFFFFF90 ss:$0x1] =	vst.idx.msk $0xffff, v57  }
0x16: {  	s17 =	sshll.u32 s17, $0x7;
	v63 =	vld.idx.msk [tilespmem:v1+s19+$0x20 ss:$0x1], $0xffff;
	s28 =	sand.u32 $0x78, s15;
	s21 =	sshll.u32 s15, $0x2;
	[tilespmem:v0+s19+$0xFFFFFFA0 ss:$0x1] =	vst.idx.msk $0xffff, v58  }
0x17: {  	s16 =	sshll.u32 s16, $0x9;
	s30 =	sshrl.u32 s15, $0x1;
	s17 =	sand.u32 $0x180, s17;
	[tilespmem:v0+s19+$0xFFFFFFB0 ss:$0x1] =	vst.idx.msk $0xffff, v59  }
0x18: {  	s31 =	sand.u32 $0x7, s15;
	s29 =	sand.u32 $0x200, s21;
	s17 =	sor.u32 s17, s28;
	[tilespmem:v0+s19+$0xFFFFFFC0 ss:$0x1] =	vst.idx.msk $0xffff, v60  }
0x19: {  	s20 =	sand.u32 $0x180, s30;
	s16 =	sadd.s32 s4, s16;
	s17 =	sor.u32 s29, s17;
	[tilespmem:v0+s19+$0xFFFFFFD0 ss:$0x1] =	vst.idx.msk $0xffff, v61  }
0x1a: {  	s15 =	sshll.u32 s31, $0x12;
	s16 =	sadd.s32 s20, s16;
	s17 =	sshrl.u32 s17, $0x3;
	[tilespmem:v0+s19+$0xFFFFFFE0 ss:$0x1] =	vst.idx.msk $0xffff, v62  }
0x1b: {  	s15 =	sor.u32 $0x80, s15;
	[tilespmem:v0+s19+$0xFFFFFFF0 ss:$0x1] =	vst.idx.msk $0xffff, v63;
	s16 =	sadd.s32 s17, s16  }
0x1c: {  	[hbm4b:s16+s15] =	stream.strided.scatter [tilespmem:s18], [sflag:$0x2], $0x4000, s9, s15, $0x38;
	[tilespmem:$0x10000] =	vst v63  }
.LBB1_5:
0x1d: {  	s18 =	sadd.s32 $0x80, s11  }
0x1e: {  	s15 =	sadd.s32 $0x400, s12;
	s19 =	smov.u32 s12;
	p1 =	sgt.s32 s18, $0x3FF  }
0x1f: {  	s19 =	smov.u32 @p1 s15  }
0x20: {  	s21 =	smov.u32 s13;
	s15 =	sadd.s32 $0x4, s13;
	p2 =	sgt.s32 s19, $0x7FF  }
0x21: {  	s21 =	smov.u32 @p2 s15  }
0x22: {  	s18 =	simm.s32 @p1 $0x0;
	p1 =	sgt.s32 s21, $0x3  }
0x23: {  	p0 =	slt.u32 s14, $0x2;
	s21 =	smov.u32 @p1 s5;
	p1 =	sne.s32 s14, s8  }
.Ltmp1:
0x24: {  	s20 =	simm.s32 @!p0 $0x2;
	(pc) =	sbr.rel @!p1 .LBB1_6-.Ltmp1, $4  }
0x25: {  	s16 =	smov.u32 s12;
	s17 =	smov.u32 s13;
	_ =	swait.ge @!p0 [sflag:s20], $0x4000  }
0x26: {  	s10 =	sadd.s32 $0x4000, s10;
	[sflag:s20] =	ssyncset.done @!p0 $0x0;
	s19 =	smov.u32 @p2 s2  }
0x27: {  	s15 =	smov.u32 s11;
	[sflag:s20] =	ssyncadd.s32 @!p0 $0xFFFFC000;
	s11 =	smov.u32 s18  }
0x28: {  	s12 =	smov.u32 s19;
	s14 =	sadd.s32 $0x1, s14;
	s13 =	smov.u32 s21  }
.LBB1_1:
0x29: {  	p0 =	sge.u32 s14, s7  }
0x2a: {  	s31 =	sadd.s32 $0xFFFFFFFF, s14;
	s18 =	sshll.u32 @!p0 s12, $0x7  }
0x2b: {  	s19 =	sxor.u32 @!p0 $0xFFFFFFFF, s14;
	s20 =	sand.u32 @!p0 $0x78, s11;
	s21 =	sand.u32 @!p0 $0x380, s18  }
0x2c: {  	s19 =	sshll.u32 @!p0 s19, $0xE;
	s20 =	sor.u32 @!p0 s20, s21;
	s21 =	sshll.u32 @!p0 s13, $0x12  }
0x2d: {  	s18 =	sand.u32 @!p0 $0x3FC00, s18;
	s20 =	sshrl.u32 @!p0 s20, $0x3;
	s21 =	sadd.s32 @!p0 s3, s21  }
0x2e: {  	s18 =	sadd.s32 @!p0 s11, s18;
	s20 =	sadd.s32 @!p0 s20, s21;
	s21 =	sand.u32 @!p0 $0x7, s11  }
0x2f: {  	s19 =	sand.u32 @!p0 $0x4000, s19;
	s18 =	sand.u32 @!p0 $0x3FF80, s18;
	s21 =	sshll.u32 @!p0 s21, $0x12  }
0x30: {  	s18 =	sadd.s32 @!p0 s18, s20;
	s20 =	sor.u32 @!p0 $0x400, s21;
	s21 =	simm.s32 @!p0 $0x2000  }
0x31: {  	[tilespmem:s19], [sflag:$0x1] =	stream.strided.gather @!p0 [hbm4b:s18+s20], $0x4000, s21, s20, $0x38;
	[tilespmem:$0x10000] =	vst v63  }
0x32: {  	p0 =	sge.u32 s31, s7  }
.Ltmp2:
0x33: {  	_ = 	snop;
	(pc) =	sbr.rel @p0 .LBB1_5-.Ltmp2, $1  }
0x34: {  	_ =	sdelay $0x3  }
0x35: {  	s18 =	sand.u32 $0x4000, s10  }
0x36: {  	s19 =	sor.u32 $0x40, s18  }
0x37: {  	v1 =	vmov s19;
	_ =	sdelay $0x1  }
0x38: {  	_ =	swait.ge [sflag:s6], $0x4000  }
0x39: {  	[sflag:s6] =	ssyncset.done $0x0  }
0x3a: {  	s20 =	simm.s32 $0x0;
	[sflag:s6] =	ssyncadd.s32 $0xFFFFC000  }
0x3b: {  	s18 =	sor.u32 $0x8070, s18;
	v7 =	vld.idx.msk [tilespmem:v1+s20+$0x30 ss:$0x1], $0xffff  }
0x3c: {  	v0 =	vmov s18;
	v8 =	vld.idx.msk [tilespmem:v1+s20+$0xFFFFFFC0 ss:$0x1], $0xffff  }
0x3d: {  	v6 =	vld.idx.msk [tilespmem:v1+s20+$0xFFFFFFD0 ss:$0x1], $0xffff  }
0x3e: {  	v4 =	vld.idx.msk [tilespmem:v1+s20+$0xFFFFFFE0 ss:$0x1], $0xffff  }
0x3f: {  	v2 =	vld.idx.msk [tilespmem:v1+s20+$0xFFFFFFF0 ss:$0x1], $0xffff  }
0x40: {  	s31 =	sshll.u32 s14, $0xE;
	v3 =	vld.idx.msk [tilespmem:v1+s20+$0x0 ss:$0x1], $0xffff  }
0x41: {  	s18 =	sand.u32 $0x4000, s31;
	v5 =	vld.idx.msk [tilespmem:v1+s20+$0x10 ss:$0x1], $0xffff;
	[tilespmem:v0+s20+$0x0 ss:$0x1] =	vst.idx.msk $0xffff, v7  }
0x42: {  	s21 =	simm.s32 $0x400;
	s19 =	simm.s32 $0x80;
	s18 =	sor.u32 $0x8000, s18;
	[tilespmem:v0+s20+$0xFFFFFF90 ss:$0x1] =	vst.idx.msk $0xffff, v8;
	v7 =	vld.idx.msk [tilespmem:v1+s20+$0x20 ss:$0x1], $0xffff  }
.LBB1_3:
0x43: {  	p0 =	sne.s32 s21, $0xFE00;
	v8 =	vld.idx.msk [tilespmem:v1+s19+$0x30 ss:$0x1], $0xffff;
	[tilespmem:v0+s20+$0xFFFFFFA0 ss:$0x1] =	vst.idx.msk $0xffff, v6  }
0x44: {  	v9 =	vld.idx.msk [tilespmem:v1+s19+$0xFFFFFFC0 ss:$0x1], $0xffff;
	[tilespmem:v0+s20+$0xFFFFFFB0 ss:$0x1] =	vst.idx.msk $0xffff, v4  }
0x45: {  	v6 =	vld.idx.msk [tilespmem:v1+s19+$0xFFFFFFD0 ss:$0x1], $0xffff;
	[tilespmem:v0+s20+$0xFFFFFFC0 ss:$0x1] =	vst.idx.msk $0xffff, v2  }
.Ltmp3:
0x46: {  	v4 =	vld.idx.msk [tilespmem:v1+s19+$0xFFFFFFE0 ss:$0x1], $0xffff;
	[tilespmem:v0+s20+$0xFFFFFFD0 ss:$0x1] =	vst.idx.msk $0xffff, v3;
	(pc) =	sbr.rel @p0 .LBB1_3-.Ltmp3, $4  }
0x47: {  	v2 =	vld.idx.msk [tilespmem:v1+s19+$0xFFFFFFF0 ss:$0x1], $0xffff;
	[tilespmem:v0+s20+$0xFFFFFFE0 ss:$0x1] =	vst.idx.msk $0xffff, v5  }
0x48: {  	v3 =	vld.idx.msk [tilespmem:v1+s19+$0x0 ss:$0x1], $0xffff;
	[tilespmem:v0+s20+$0xFFFFFFF0 ss:$0x1] =	vst.idx.msk $0xffff, v7;
	s20 =	smov.u32 s19  }
0x49: {  	v5 =	vld.idx.msk [tilespmem:v1+s20+$0x10 ss:$0x1], $0xffff;
	[tilespmem:v0+s20+$0x0 ss:$0x1] =	vst.idx.msk $0xffff, v8  }
0x4a: {  	s19 =	sshra.s32 s21, $0x2;
	s21 =	sadd.s32 $0x200, s21;
	[tilespmem:v0+s20+$0xFFFFFF90 ss:$0x1] =	vst.idx.msk $0xffff, v9;
	v7 =	vld.idx.msk [tilespmem:v1+s20+$0x20 ss:$0x1], $0xffff  }
.Ltmp4:
0x4b: {  	_ = 	snop;
	(pc) =	sbr.rel .LBB1_4-.Ltmp4, $1  }
0x4c: {  	_ =	sdelay $0x3  }
.LBB1_6:
0x4d: {  	_ =	sfence.sel $0x180000  }
0x4e: {  	s2 =	simm.s32 $0x1;
	[bflag:$0x0] =	sbarrier.arrive $0xFFFF  }
0x4f: {  	s31 =	simm.s32 $0x2;
	[sflag:s2] =	ssyncpa.u1 $0x1  }
0x50: {  	[sflag:s31] =	ssyncpa.u1 $0x1  }
0x51: {  	p0 =	sne.s32 s0, $0x0;
	_ =	strace $0x90000047  }
0x52: {  	s0 =	sadd.s32 @!p0 $0x100000, s1;
	[bflag:$0x2] =	sbarrier.arrive $0xFFFF  }
0x53: {  	[sflag:s0] =	ssyncadd.tile.s32 @!p0 $0x1;
	_ =	shalt  }
.Lfunc_end1:
_tile_overlayer_lowered:
.L_overlay_start_2:
0x54: {  	(tag) =	ssettag $0x2  }
0x55: {  	s0 =	rddreg [dreg:$0x0];
	s2 =	stileid.u32  }
0x56: {  	s1 =	rddreg [dreg:$0x1];
	p0 =	sne.s32 s2, $0x0  }
0x57: {  	s3 =	rddreg [dreg:$0x2];
	[bflag:$0x3] =	sbarrier.arrive $0xFFFF;
	s2 =	simm.s32 @!p0 $0x1C01  }
0x58: {  	[timem:s3], [sflag:s2] =	dma.local @!p0 [hbm:s0], s1  }
0x59: {  	s0 =	simm.s32 @!p0 $0x1  }
0x5a: {  	_ =	swait.ge @!p0 [sflag:s0], s1  }
0x5b: {  	s1 =	ssub.s32 @!p0 $0x0, s1;
	[sflag:s0] =	ssyncset.done @!p0 $0x0  }
0x5c: {  	[sflag:s0] =	ssyncadd.s32 @!p0 s1  }
0x5d: {  	[bflag:$0x3] =	sbarrier.arrive $0xFFFF  }
0x5e: {  	_ =	shalt  }

// kernel: sparse-core-data-format-call.cloned.1.call-start
scs
called_computation_lowered:
.L_overlay_start_0:
0x0: {  	s2 =	sld [smem:$0x3FD9]  }
0x1: {  	s3 =	sld [smem:$0x3FFE];
	_ =	sdelay $0x1  }
0x2: {  	s1 =	srdreg.scid  }
0x3: {  	s0 =	sand.u32 $0x1, s1  }
0x4: {  	s18 =	sshll.u32 s0, $0xA;
	s2 =	sadd.s32 s3, s2  }
0x5: {  	s2 =	sadd.s32 s2, s18  }
0x6: {  	[smem:$0x3FC6] =	sst s2  }
0x7: {  	_ = 	snop  }
0x8: {  	s2 =	sld [smem:$0x3FD0];
	(tm) =	ssettm $0x1  }
0x9: {  	s19 =	sld [smem:$0x3FFB];
	_ =	sdelay $0x3  }
0xa: {  	_ =	strace s19  }
0xb: {  	s3 =	sld [smem:$0x3FFC];
	_ =	sdelay $0x3  }
0xc: {  	_ =	strace s3  }
0xd: {  	s3 =	sld [smem:$0x3FFD];
	_ =	sdelay $0x3  }
0xe: {  	_ =	strace s3  }
0xf: {  	_ =	strace $0x8FFFFFFF  }
0x10: {  	s20 =	sld [smem:$0x3FDB];
	_ =	sdelay $0x1  }
0x11: {  	s4 =	simm.s32 $_scs_section_size  }
0x12: {  	s5 =	simm.s32 $_size__tile_overlayer_lowered;
	s6 =	simm.s32 $_tile_overlayer_lowered  }
0x13: {  	s23 =	simm.s32 $0x1BFF;
	s22 =	sshll.u32 s6, $0x1;
	s3 =	sadd.s32 s4, s20  }
0x14: {  	s7 =	simm.s32 $0x0;
	s21 =	sshll.u32 s5, $0x1;
	s5 =	sadd.s32 s22, s3  }
0x15: {  	[timem:s7], [sflag:s23] =	dma.local [hbm:s5], s21  }
0x16: {  	_ =	swait.ge [sflag:s23], s21  }
0x17: {  	s4 =	ssub.s32 $0x0, s21;
	[sflag:s23] =	ssyncset.done $0x0  }
0x18: {  	[sflag:s23] =	ssyncadd.s32 s4;
	_ =	sdelay $0x1  }
0x19: {  	s24 =	simm.s32 $0x1B8B  }
0x1a: {  	_ =	swait.ge [sflag:s24], $0x1  }
0x1b: {  	[sflag:s24] =	ssyncset.done $0x0  }
0x1c: {  	s26 =	simm.s32 $0x1B8E;
	s25 =	sld [smem:$0x3FFE];
	[sflag:s24] =	ssyncadd.s32 $0xFFFFFFFF  }
0x1d: {  	s27 =	simm.s32 $execute0_lowered;
	[smem:$0x3FD2] =	sst s26  }
0x1e: {  	s5 =	sshll.u32 s27, $0x1;
	_ =	strace $0x8000004C;
	[dreg:$0x1] =	wrdreg $0xFFFFFFFF  }
0x1f: {  	s28 =	simm.s32 $_size_execute0_lowered;
	s3 =	sadd.s32 s3, s5;
	[dreg:$0x0] =	wrdreg $0x0  }
0x20: {  	s5 =	sshll.u32 s28, $0x1;
	[dreg:$0x2] =	wrdreg s3  }
0x21: {  	[dreg:$0x3] =	wrdreg s5  }
0x22: {  	[dreg:$0x4] =	wrdreg $0xC0  }
0x23: {  	_ =	task [dreg:s7], $0x5FFFF  }
0x24: {  	[dreg:$0x1] =	wrdreg $0xFFFFFFFF  }
0x25: {  	[dreg:$0x0] =	wrdreg $0x60  }
0x26: {  	[dreg:$0x2] =	wrdreg s25  }
0x27: {  	[dreg:$0x3] =	wrdreg s2  }
0x28: {  	[dreg:$0x4] =	wrdreg $0x9  }
0x29: {  	_ =	task.clear_ibuf [dreg:s7], $0x5FFFF;
	_ =	strace $0x9000004C  }
0x2a: {  	s29 =	simm.s32 $0x9;
	_ =	strace $0x8000004E  }
0x2b: {  	_ =	swait.ge [sflag:s29], $0x1  }
0x2c: {  	[sflag:s29] =	ssyncadd.s32 $0xFFFFFFFF  }
0x2d: {  	_ =	strace $0x9000004E  }
0x2e: {  	_ =	sfence  }
0x2f: {  	s30 =	sld [smem:$0x0];
	_ =	sdelay $0x2  }
0x30: {  	s31 =	sshll.u32 s1, $0xD;
	s1 =	sshrl.u32 s1, $0x2  }
0x31: {  	s3 =	sand.u32 $0x4000, s31;
	s1 =	sadd.s32 s1, s30  }
0x32: {  	s0 =	sor.u32 s3, s0;
	s1 =	sshll.u32 s1, $0x11  }
0x33: {  	s0 =	sor.u32 s1, s0  }
0x34: {  	s0 =	sadd.s32 $0x8F2B, s0  }
0x35: {  	[sflag:s0] =	ssyncadd.remote.s32 $0x1  }
0x36: {  	_ =	sfence.sel $0xFFFF  }
0x37: {  	[dreg:$0x0] =	wrdreg $0xFFFFFFFF;
	(pc) =	sbr.abs _section_cstart, $3  }
0x38: {  	[dreg:$0x1] =	wrdreg $0xFFFFFFFF  }
0x39: {  	_ =	task.clear_ibuf [dreg:s7], $0x2FFFF;
	_ =	strace $0x9FFFFFFF  }
0x3a: {  	(tm) =	ssettm $0x7FFFFFFF  }
0x3b: {  	_ =	shalt  }
tec
execute0_lowered:
.L_overlay_start_1:
0x0: {  	(tag) =	ssettag $0x1  }
0x1: {  	s5 =	rddreg [dreg:$0x0]  }
0x2: {  	s0 =	srdreg.scid;
	s3 =	rddreg [dreg:$0x1];
	s7 =	simm.s32 $0x1  }
0x3: {  	s8 =	simm.s32 $0x2;
	s14 =	simm.s32 $0x0;
	s1 =	sshll.u32 s0, $0x4  }
0x4: {  	s9 =	simm.s32 $0x0;
	s0 =	stileid.u32;
	s1 =	sand.u32 $0x10, s1  }
0x5: {  	s15 =	simm.s32 $0x0;
	s16 =	simm.s32 $0x0;
	s1 =	sor.u32 s0, s1  }
0x6: {  	s10 =	simm.s32 $0x0;
	s11 =	simm.s32 $0x0;
	s2 =	sshll.u32 s1, $0x3  }
0x7: {  	s13 =	simm.s32 $0x0;
	s5 =	sadd.s32 $0x40E00, s5;
	s6 =	ssub.s32 $0x800, s2  }
.Ltmp0:
0x8: {  	s1 =	rddreg [dreg:$0x2];
	s4 =	sand.u32 $0xF8, s6;
	(pc) =	sbr.rel .LBB1_1-.Ltmp0, $4  }
0x9: {  	_ =	strace $0x8000004D;
	p0 =	sne.s32 s4, $0x0;
	s4 =	simm.s32 $0x1  }
0xa: {  	s6 =	sshrl.u32 s6, $0x8;
	s7 =	simm.s32 @!p0 $0x0;
	[sflag:s4] =	ssyncpa.u1 $0x0  }
0xb: {  	s12 =	smov.u32 s2;
	s7 =	sadd.s32 s7, s6;
	[sflag:s8] =	ssyncpa.u1 $0x0  }
0xc: {  	s8 =	simm.s32 $0x200000;
	s6 =	sshll.u32 s7, $0x1;
	s7 =	sshllo.u32 s7, $0x1  }
.LBB1_7:
0xd: {  	s17 =	sadd.s32 $0x200, s10  }
0xe: {  	s14 =	sadd.s32 $0x4, s11;
	s18 =	smov.u32 s11;
	p1 =	sgt.s32 s17, $0x3FF  }
0xf: {  	s18 =	smov.u32 @p1 s14  }
0x10: {  	s20 =	smov.u32 s12;
	s14 =	sadd.s32 $0x100, s12;
	p2 =	sgt.s32 s18, $0x3  }
0x11: {  	s20 =	smov.u32 @p2 s14  }
0x12: {  	s17 =	simm.s32 @p1 $0x0;
	p1 =	sgt.s32 s20, $0x7FF  }
0x13: {  	p0 =	slt.u32 s13, $0x2;
	s20 =	smov.u32 @p1 s2;
	p1 =	sne.s32 s13, s7  }
.Ltmp1:
0x14: {  	s19 =	simm.s32 @!p0 $0x2;
	(pc) =	sbr.rel @!p1 .LBB1_8-.Ltmp1, $4  }
0x15: {  	s15 =	smov.u32 s11;
	s16 =	smov.u32 s12;
	_ =	swait.ge @!p0 [sflag:s19], $0x4000  }
0x16: {  	s9 =	sadd.s32 $0x4000, s9;
	[sflag:s19] =	ssyncset.done @!p0 $0x0;
	s18 =	simm.s32 @p2 $0x0  }
0x17: {  	s14 =	smov.u32 s10;
	[sflag:s19] =	ssyncadd.s32 @!p0 $0xFFFFC000;
	s10 =	smov.u32 s17  }
0x18: {  	s11 =	smov.u32 s18;
	s13 =	sadd.s32 $0x1, s13;
	s12 =	smov.u32 s20  }
.LBB1_1:
0x19: {  	p0 =	sge.u32 s13, s6  }
0x1a: {  	s17 =	sshll.u32 @!p0 s11, $0x7  }
0x1b: {  	s18 =	sand.u32 @!p0 $0x78, s10;
	s19 =	sshll.u32 @!p0 s10, $0x2;
	s17 =	sand.u32 @!p0 $0x180, s17  }
0x1c: {  	s31 =	sadd.s32 $0xFFFFFFFF, s13;
	s19 =	sand.u32 @!p0 $0x200, s19;
	s17 =	sor.u32 @!p0 s17, s18  }
0x1d: {  	s18 =	sshll.u32 @!p0 s12, $0x9;
	s17 =	sor.u32 @!p0 s19, s17;
	s19 =	sshrl.u32 @!p0 s10, $0x1  }
0x1e: {  	s20 =	sxor.u32 @!p0 $0xFFFFFFFF, s13;
	s18 =	sadd.s32 @!p0 s5, s18;
	s19 =	sand.u32 @!p0 $0x180, s19  }
0x1f: {  	s20 =	sshll.u32 @!p0 s20, $0xE;
	s18 =	sadd.s32 @!p0 s19, s18;
	s19 =	sand.u32 @!p0 $0x7, s10  }
0x20: {  	s20 =	sand.u32 @!p0 $0x4000, s20;
	s17 =	sshrl.u32 @!p0 s17, $0x3;
	s19 =	sshll.u32 @!p0 s19, $0x12  }
0x21: {  	s17 =	sadd.s32 @!p0 s17, s18;
	s18 =	sor.u32 @!p0 $0x800, s19;
	s19 =	simm.s32 @!p0 $0x1000  }
0x22: {  	[tilespmem:s20], [sflag:$0x1] =	stream.strided.gather @!p0 [hbm4b:s17+s18], $0x4000, s19, s18, $0x38;
	[tilespmem:$0x10000] =	vst v63  }
0x23: {  	p0 =	sge.u32 s31, s6  }
.Ltmp2:
0x24: {  	_ = 	snop;
	(pc) =	sbr.rel @p0 .LBB1_7-.Ltmp2, $1  }
0x25: {  	_ =	sdelay $0x3  }
0x26: {  	s17 =	sshll.u32 s9, $0x2;
	_ =	swait.ge [sflag:s4], $0x4000;
	s31 =	sshll.u32 s13, $0xE  }
0x27: {  	s21 =	simm.s32 $0x0;
	s22 =	simm.s32 $0x0;
	s17 =	sand.u32 $0x10000, s17  }
0x28: {  	s23 =	simm.s32 $0x0;
	[sflag:s4] =	ssyncset.done $0x0;
	s20 =	sshrl.u32 s17, $0x2  }
0x29: {  	s17 =	sand.u32 $0x4000, s31;
	[sflag:s4] =	ssyncadd.s32 $0xFFFFC000;
	s18 =	sor.u32 $0x400, s20  }
0x2a: {  	s19 =	sor.u32 $0x8000, s20;
	s17 =	sor.u32 $0x8000, s17;
	s20 =	sadd.s32 $0x8C00, s20  }
.LBB1_3:
0x2b: {  	v0 =	vmov s19;
	v1 =	vld [tilespmem:s18+$0x270]  }
0x2c: {  	v2 =	vld [tilespmem:s18+$0xFFFFFC10]  }
0x2d: {  	v3 =	vld [tilespmem:s18+$0xFFFFFC20]  }
0x2e: {  	s24 =	sshll.u32 s22, $0x2;
	s25 =	sand.u32 $0x3, s21;
	v4 =	vld [tilespmem:s18+$0xFFFFFC30]  }
0x2f: {  	v5 =	vld [tilespmem:s18+$0xFFFFFC40];
	s26 =	sand.u32 $0xFFFFF800, s24;
	s25 =	sshll.u32 s25, $0x9;
	s24 =	simm.s32 $0x0  }
0x30: {  	v6 =	vld [tilespmem:s18+$0xFFFFFC50];
	s25 =	sor.u32 s25, s26;
	[tilespmem:v0+s24+$0xC70 ss:$0x1] =	vst.idx.msk $0xffff, v1  }
0x31: {  	v7 =	vld [tilespmem:s18+$0x220];
	s25 =	sshrl.u32 s25, $0x2;
	[tilespmem:v0+s24+$0x10 ss:$0x1] =	vst.idx.msk $0xffff, v2  }
0x32: {  	v8 =	vld [tilespmem:s18+$0x230];
	s25 =	sadd.s32 s25, s20;
	[tilespmem:v0+s24+$0x20 ss:$0x1] =	vst.idx.msk $0xffff, v3  }
0x33: {  	v1 =	vmov s25;
	[tilespmem:v0+s24+$0x30 ss:$0x1] =	vst.idx.msk $0xffff, v4;
	v4 =	vld [tilespmem:s18+$0xFFFFFE00]  }
0x34: {  	[tilespmem:v0+s24+$0x40 ss:$0x1] =	vst.idx.msk $0xffff, v5;
	v5 =	vld [tilespmem:s18+$0xFFFFFE10]  }
0x35: {  	[tilespmem:v0+s24+$0x50 ss:$0x1] =	vst.idx.msk $0xffff, v6;
	v6 =	vld [tilespmem:s18+$0xFFFFFE20]  }
0x36: {  	v2 =	vld [tilespmem:s18+$0xFFFFFC60];
	[tilespmem:v0+s24+$0xC20 ss:$0x1] =	vst.idx.msk $0xffff, v7  }
0x37: {  	v3 =	vld [tilespmem:s18+$0xFFFFFC70];
	[tilespmem:v0+s24+$0xC30 ss:$0x1] =	vst.idx.msk $0xffff, v8  }
0x38: {  	[tilespmem:v1+s24+$0xFFFFF800 ss:$0x1] =	vst.idx.msk $0xffff, v4;
	v4 =	vld [tilespmem:s18+$0xFFFFFE50]  }
0x39: {  	[tilespmem:v0+s24+$0x410 ss:$0x1] =	vst.idx.msk $0xffff, v5;
	v5 =	vld [tilespmem:s18+$0xFFFFFE60]  }
0x3a: {  	[tilespmem:v0+s24+$0x420 ss:$0x1] =	vst.idx.msk $0xffff, v6;
	v6 =	vld [tilespmem:s18+$0xFFFFFE70]  }
0x3b: {  	[tilespmem:v0+s24+$0x60 ss:$0x1] =	vst.idx.msk $0xffff, v2;
	v2 =	vld [tilespmem:s18+$0xFFFFFE30]  }
0x3c: {  	[tilespmem:v0+s24+$0x70 ss:$0x1] =	vst.idx.msk $0xffff, v3;
	v3 =	vld [tilespmem:s18+$0xFFFFFE40]  }
0x3d: {  	[tilespmem:v0+s24+$0x450 ss:$0x1] =	vst.idx.msk $0xffff, v4;
	v4 =	vld [tilespmem:s18+$0x20]  }
0x3e: {  	[tilespmem:v0+s24+$0x460 ss:$0x1] =	vst.idx.msk $0xffff, v5;
	v5 =	vld [tilespmem:s18+$0x30]  }
0x3f: {  	[tilespmem:v0+s24+$0x470 ss:$0x1] =	vst.idx.msk $0xffff, v6;
	v6 =	vld [tilespmem:s18+$0x40]  }
0x40: {  	[tilespmem:v0+s24+$0x430 ss:$0x1] =	vst.idx.msk $0xffff, v2;
	v2 =	vld [tilespmem:s18+$0x0]  }
0x41: {  	[tilespmem:v0+s24+$0x440 ss:$0x1] =	vst.idx.msk $0xffff, v3;
	v3 =	vld [tilespmem:s18+$0x10]  }
0x42: {  	[tilespmem:v0+s24+$0x820 ss:$0x1] =	vst.idx.msk $0xffff, v4;
	v4 =	vld [tilespmem:s18+$0x70]  }
0x43: {  	[tilespmem:v0+s24+$0x830 ss:$0x1] =	vst.idx.msk $0xffff, v5;
	v5 =	vld [tilespmem:s18+$0x200]  }
0x44: {  	[tilespmem:v0+s24+$0x840 ss:$0x1] =	vst.idx.msk $0xffff, v6;
	v6 =	vld [tilespmem:s18+$0x210]  }
0x45: {  	[tilespmem:v1+s24+$0xFFFFFC00 ss:$0x1] =	vst.idx.msk $0xffff, v2;
	v2 =	vld [tilespmem:s18+$0x50]  }
0x46: {  	[tilespmem:v0+s24+$0x810 ss:$0x1] =	vst.idx.msk $0xffff, v3;
	v3 =	vld [tilespmem:s18+$0x60]  }
0x47: {  	[tilespmem:v0+s24+$0x870 ss:$0x1] =	vst.idx.msk $0xffff, v4;
	v4 =	vld [tilespmem:s18+$0x240]  }
0x48: {  	[tilespmem:v1+s24+$0x0 ss:$0x1] =	vst.idx.msk $0xffff, v5;
	v5 =	vld [tilespmem:s18+$0x250]  }
0x49: {  	[tilespmem:v0+s24+$0xC10 ss:$0x1] =	vst.idx.msk $0xffff, v6;
	v6 =	vld [tilespmem:s18+$0x260]  }
0x4a: {  	s25 =	sadd.s32 $0x80, s18;
	[tilespmem:v0+s24+$0x850 ss:$0x1] =	vst.idx.msk $0xffff, v2;
	v2 =	vld [tilespmem:s18+$0xFFFFFC00]  }
0x4b: {  	s27 =	simm.s32 $0x8000;
	s26 =	simm.s32 $0x4000;
	[tilespmem:v0+s24+$0x860 ss:$0x1] =	vst.idx.msk $0xffff, v3;
	v3 =	vld [tilespmem:s25+$0x270]  }
.LBB1_4:
0x4c: {  	p0 =	sne.s32 s27, $0xC000;
	v7 =	vld [tilespmem:s25+$0xFFFFFC10];
	[tilespmem:v0+s24+$0xC40 ss:$0x1] =	vst.idx.msk $0xffff, v4  }
0x4d: {  	v4 =	vld [tilespmem:s25+$0xFFFFFC20];
	[tilespmem:v0+s24+$0xC50 ss:$0x1] =	vst.idx.msk $0xffff, v5  }
0x4e: {  	v5 =	vld [tilespmem:s25+$0xFFFFFC30];
	[tilespmem:v0+s24+$0xC60 ss:$0x1] =	vst.idx.msk $0xffff, v6  }
0x4f: {  	v6 =	vld [tilespmem:s25+$0xFFFFFC40];
	[tilespmem:v0+s24+$0x0 ss:$0x1] =	vst.idx.msk $0xffff, v2;
	s24 =	sshra.s32 s26, $0x2;
	s26 =	smov.u32 s27  }
0x50: {  	v2 =	vld [tilespmem:s25+$0xFFFFFC50];
	[tilespmem:v0+s24+$0xC70 ss:$0x1] =	vst.idx.msk $0xffff, v3  }
0x51: {  	[tilespmem:v0+s24+$0x10 ss:$0x1] =	vst.idx.msk $0xffff, v7;
	v3 =	vld [tilespmem:s25+$0xFFFFFC60]  }
0x52: {  	[tilespmem:v0+s24+$0x20 ss:$0x1] =	vst.idx.msk $0xffff, v4;
	v4 =	vld [tilespmem:s25+$0xFFFFFC70]  }
0x53: {  	[tilespmem:v0+s24+$0x30 ss:$0x1] =	vst.idx.msk $0xffff, v5;
	v5 =	vld [tilespmem:s25+$0xFFFFFE00]  }
0x54: {  	[tilespmem:v0+s24+$0x40 ss:$0x1] =	vst.idx.msk $0xffff, v6;
	v6 =	vld [tilespmem:s25+$0xFFFFFE10]  }
0x55: {  	[tilespmem:v0+s24+$0x50 ss:$0x1] =	vst.idx.msk $0xffff, v2;
	v2 =	vld [tilespmem:s25+$0xFFFFFE20]  }
0x56: {  	[tilespmem:v0+s24+$0x60 ss:$0x1] =	vst.idx.msk $0xffff, v3;
	v3 =	vld [tilespmem:s25+$0xFFFFFE30]  }
0x57: {  	[tilespmem:v0+s24+$0x70 ss:$0x1] =	vst.idx.msk $0xffff, v4;
	v4 =	vld [tilespmem:s25+$0xFFFFFE40]  }
0x58: {  	[tilespmem:v1+s24+$0xFFFFF800 ss:$0x1] =	vst.idx.msk $0xffff, v5;
	v5 =	vld [tilespmem:s25+$0xFFFFFE50]  }
0x59: {  	[tilespmem:v0+s24+$0x410 ss:$0x1] =	vst.idx.msk $0xffff, v6;
	v6 =	vld [tilespmem:s25+$0xFFFFFE60]  }
0x5a: {  	[tilespmem:v0+s24+$0x420 ss:$0x1] =	vst.idx.msk $0xffff, v2;
	v2 =	vld [tilespmem:s25+$0xFFFFFE70]  }
0x5b: {  	[tilespmem:v0+s24+$0x430 ss:$0x1] =	vst.idx.msk $0xffff, v3;
	v3 =	vld [tilespmem:s25+$0x0]  }
0x5c: {  	[tilespmem:v0+s24+$0x440 ss:$0x1] =	vst.idx.msk $0xffff, v4;
	v4 =	vld [tilespmem:s25+$0x10]  }
0x5d: {  	[tilespmem:v0+s24+$0x450 ss:$0x1] =	vst.idx.msk $0xffff, v5;
	v5 =	vld [tilespmem:s25+$0x20]  }
0x5e: {  	[tilespmem:v0+s24+$0x460 ss:$0x1] =	vst.idx.msk $0xffff, v6;
	v6 =	vld [tilespmem:s25+$0x30]  }
0x5f: {  	[tilespmem:v0+s24+$0x470 ss:$0x1] =	vst.idx.msk $0xffff, v2;
	v2 =	vld [tilespmem:s25+$0x40]  }
0x60: {  	[tilespmem:v1+s24+$0xFFFFFC00 ss:$0x1] =	vst.idx.msk $0xffff, v3;
	v3 =	vld [tilespmem:s25+$0x50]  }
0x61: {  	[tilespmem:v0+s24+$0x810 ss:$0x1] =	vst.idx.msk $0xffff, v4;
	v4 =	vld [tilespmem:s25+$0x60]  }
0x62: {  	[tilespmem:v0+s24+$0x820 ss:$0x1] =	vst.idx.msk $0xffff, v5;
	v5 =	vld [tilespmem:s25+$0x70]  }
0x63: {  	[tilespmem:v0+s24+$0x830 ss:$0x1] =	vst.idx.msk $0xffff, v6;
	v6 =	vld [tilespmem:s25+$0x200]  }
0x64: {  	[tilespmem:v0+s24+$0x840 ss:$0x1] =	vst.idx.msk $0xffff, v2;
	v2 =	vld [tilespmem:s25+$0x210]  }
0x65: {  	[tilespmem:v0+s24+$0x850 ss:$0x1] =	vst.idx.msk $0xffff, v3;
	v3 =	vld [tilespmem:s25+$0x220]  }
0x66: {  	[tilespmem:v0+s24+$0x860 ss:$0x1] =	vst.idx.msk $0xffff, v4;
	v7 =	vld [tilespmem:s25+$0x230]  }
.Ltmp3:
0x67: {  	[tilespmem:v0+s24+$0x870 ss:$0x1] =	vst.idx.msk $0xffff, v5;
	v4 =	vld [tilespmem:s25+$0x240];
	(pc) =	sbr.rel @p0 .LBB1_4-.Ltmp3, $4  }
0x68: {  	[tilespmem:v1+s24+$0x0 ss:$0x1] =	vst.idx.msk $0xffff, v6;
	v5 =	vld [tilespmem:s25+$0x250]  }
0x69: {  	[tilespmem:v0+s24+$0xC10 ss:$0x1] =	vst.idx.msk $0xffff, v2;
	v6 =	vld [tilespmem:s25+$0x260]  }
0x6a: {  	v2 =	vld [tilespmem:s25+$0xFFFFFC00];
	[tilespmem:v0+s24+$0xC20 ss:$0x1] =	vst.idx.msk $0xffff, v3;
	s25 =	sadd.s32 $0x80, s25  }
0x6b: {  	s27 =	sadd.s32 $0x4000, s27;
	v3 =	vld [tilespmem:s25+$0x270];
	[tilespmem:v0+s24+$0xC30 ss:$0x1] =	vst.idx.msk $0xffff, v7  }
0x6c: {  	_ =	sdelay $0x3  }
0x6d: {  	v7 =	vld [tilespmem:s25+$0xFFFFFC10];
	[tilespmem:v0+s24+$0xC40 ss:$0x1] =	vst.idx.msk $0xffff, v4  }
0x6e: {  	v34 =	vld [tilespmem:s25+$0xFFFFFC20];
	[tilespmem:v0+s24+$0xC50 ss:$0x1] =	vst.idx.msk $0xffff, v5  }
0x6f: {  	v35 =	vld [tilespmem:s25+$0xFFFFFC30];
	[tilespmem:v0+s24+$0xC60 ss:$0x1] =	vst.idx.msk $0xffff, v6  }
0x70: {  	s26 =	sshra.s32 s26, $0x2;
	v36 =	vld [tilespmem:s25+$0xFFFFFC40];
	[tilespmem:v0+s24+$0x0 ss:$0x1] =	vst.idx.msk $0xffff, v2  }
0x71: {  	v37 =	vld [tilespmem:s25+$0xFFFFFC50];
	[tilespmem:v0+s26+$0xC70 ss:$0x1] =	vst.idx.msk $0xffff, v3  }
0x72: {  	v38 =	vld [tilespmem:s25+$0xFFFFFC60];
	[tilespmem:v0+s26+$0x10 ss:$0x1] =	vst.idx.msk $0xffff, v7  }
0x73: {  	v39 =	vld [tilespmem:s25+$0xFFFFFC70];
	[tilespmem:v0+s26+$0x20 ss:$0x1] =	vst.idx.msk $0xffff, v34  }
0x74: {  	v40 =	vld [tilespmem:s25+$0xFFFFFE00];
	[tilespmem:v0+s26+$0x30 ss:$0x1] =	vst.idx.msk $0xffff, v35  }
0x75: {  	v41 =	vld [tilespmem:s25+$0xFFFFFE10];
	[tilespmem:v0+s26+$0x40 ss:$0x1] =	vst.idx.msk $0xffff, v36  }
0x76: {  	v42 =	vld [tilespmem:s25+$0xFFFFFE20];
	[tilespmem:v0+s26+$0x50 ss:$0x1] =	vst.idx.msk $0xffff, v37  }
0x77: {  	v43 =	vld [tilespmem:s25+$0xFFFFFE30];
	[tilespmem:v0+s26+$0x60 ss:$0x1] =	vst.idx.msk $0xffff, v38  }
0x78: {  	v44 =	vld [tilespmem:s25+$0xFFFFFE40];
	[tilespmem:v0+s26+$0x70 ss:$0x1] =	vst.idx.msk $0xffff, v39  }
0x79: {  	v45 =	vld [tilespmem:s25+$0xFFFFFE50];
	[tilespmem:v1+s26+$0xFFFFF800 ss:$0x1] =	vst.idx.msk $0xffff, v40  }
0x7a: {  	v46 =	vld [tilespmem:s25+$0xFFFFFE60];
	[tilespmem:v0+s26+$0x410 ss:$0x1] =	vst.idx.msk $0xffff, v41  }
0x7b: {  	v47 =	vld [tilespmem:s25+$0xFFFFFE70];
	[tilespmem:v0+s26+$0x420 ss:$0x1] =	vst.idx.msk $0xffff, v42  }
0x7c: {  	v48 =	vld [tilespmem:s25+$0x0];
	[tilespmem:v0+s26+$0x430 ss:$0x1] =	vst.idx.msk $0xffff, v43  }
0x7d: {  	v49 =	vld [tilespmem:s25+$0x10];
	[tilespmem:v0+s26+$0x440 ss:$0x1] =	vst.idx.msk $0xffff, v44  }
0x7e: {  	v50 =	vld [tilespmem:s25+$0x20];
	[tilespmem:v0+s26+$0x450 ss:$0x1] =	vst.idx.msk $0xffff, v45  }
0x7f: {  	v51 =	vld [tilespmem:s25+$0x30];
	[tilespmem:v0+s26+$0x460 ss:$0x1] =	vst.idx.msk $0xffff, v46  }
0x80: {  	v52 =	vld [tilespmem:s25+$0x40];
	[tilespmem:v0+s26+$0x470 ss:$0x1] =	vst.idx.msk $0xffff, v47  }
0x81: {  	v53 =	vld [tilespmem:s25+$0x50];
	[tilespmem:v1+s26+$0xFFFFFC00 ss:$0x1] =	vst.idx.msk $0xffff, v48  }
0x82: {  	v54 =	vld [tilespmem:s25+$0x60];
	[tilespmem:v0+s26+$0x810 ss:$0x1] =	vst.idx.msk $0xffff, v49  }
0x83: {  	v55 =	vld [tilespmem:s25+$0x70];
	[tilespmem:v0+s26+$0x820 ss:$0x1] =	vst.idx.msk $0xffff, v50  }
0x84: {  	v56 =	vld [tilespmem:s25+$0x200];
	[tilespmem:v0+s26+$0x830 ss:$0x1] =	vst.idx.msk $0xffff, v51  }
0x85: {  	v57 =	vld [tilespmem:s25+$0x210];
	[tilespmem:v0+s26+$0x840 ss:$0x1] =	vst.idx.msk $0xffff, v52  }
0x86: {  	v58 =	vld [tilespmem:s25+$0x220];
	[tilespmem:v0+s26+$0x850 ss:$0x1] =	vst.idx.msk $0xffff, v53  }
0x87: {  	v59 =	vld [tilespmem:s25+$0x230];
	[tilespmem:v0+s26+$0x860 ss:$0x1] =	vst.idx.msk $0xffff, v54  }
0x88: {  	v60 =	vld [tilespmem:s25+$0x240];
	[tilespmem:v0+s26+$0x870 ss:$0x1] =	vst.idx.msk $0xffff, v55  }
0x89: {  	v61 =	vld [tilespmem:s25+$0x250];
	[tilespmem:v1+s26+$0x0 ss:$0x1] =	vst.idx.msk $0xffff, v56  }
0x8a: {  	v62 =	vld [tilespmem:s25+$0x260];
	s23 =	sadd.s32 $0x1, s23;
	[tilespmem:v0+s26+$0xC10 ss:$0x1] =	vst.idx.msk $0xffff, v57  }
0x8b: {  	v63 =	vld [tilespmem:s25+$0xFFFFFC00];
	p0 =	sne.s32 s23, $0x8;
	[tilespmem:v0+s26+$0xC20 ss:$0x1] =	vst.idx.msk $0xffff, v58  }
.Ltmp4:
0x8c: {  	[tilespmem:v0+s26+$0xC30 ss:$0x1] =	vst.idx.msk $0xffff, v59;
	(pc) =	sbr.rel @p0 .LBB1_3-.Ltmp4, $4  }
0x8d: {  	[tilespmem:v0+s26+$0xC40 ss:$0x1] =	vst.idx.msk $0xffff, v60  }
0x8e: {  	[tilespmem:v0+s26+$0xC50 ss:$0x1] =	vst.idx.msk $0xffff, v61  }
0x8f: {  	s18 =	sadd.s32 $0x800, s18;
	[tilespmem:v0+s26+$0xC60 ss:$0x1] =	vst.idx.msk $0xffff, v62  }
0x90: {  	s22 =	sadd.s32 $0x80, s22;
	s21 =	sadd.s32 $0x1, s21;
	s19 =	sadd.s32 $0x80, s19;
	[tilespmem:v0+s26+$0x0 ss:$0x1] =	vst.idx.msk $0xffff, v63  }
0x91: {  	s16 =	sshll.u32 s16, $0x7;
	s18 =	sand.u32 $0x78, s14  }
0x92: {  	s15 =	sshll.u32 s15, $0x12;
	s31 =	sand.u32 $0x7, s14;
	s19 =	sand.u32 $0x380, s16  }
.Ltmp5:
0x93: {  	s16 =	sand.u32 $0x3FC00, s16;
	s18 =	sor.u32 s19, s18;
	(pc) =	sbr.rel .LBB1_7-.Ltmp5, $4  }
0x94: {  	s15 =	sadd.s32 s3, s15;
	s16 =	sadd.s32 s14, s16;
	s18 =	sshrl.u32 s18, $0x3  }
0x95: {  	s14 =	sshll.u32 s31, $0x12;
	s16 =	sand.u32 $0x3FF80, s16;
	s15 =	sadd.s32 s18, s15  }
0x96: {  	s14 =	sor.u32 $0x1000, s14;
	s15 =	sadd.s32 s16, s15  }
0x97: {  	[hbm4b:s15+s14] =	stream.strided.scatter [tilespmem:s17], [sflag:$0x2], $0x4000, s8, s14, $0x38;
	[tilespmem:$0x10000] =	vst v63  }
.LBB1_8:
0x98: {  	_ =	sfence.sel $0x180000  }
0x99: {  	s2 =	simm.s32 $0x1;
	[bflag:$0x0] =	sbarrier.arrive $0xFFFF  }
0x9a: {  	s31 =	simm.s32 $0x2;
	[sflag:s2] =	ssyncpa.u1 $0x1  }
0x9b: {  	[sflag:s31] =	ssyncpa.u1 $0x1  }
0x9c: {  	p0 =	sne.s32 s0, $0x0;
	_ =	strace $0x9000004D  }
0x9d: {  	s0 =	sadd.s32 @!p0 $0x100000, s1;
	[bflag:$0x2] =	sbarrier.arrive $0xFFFF  }
0x9e: {  	[sflag:s0] =	ssyncadd.tile.s32 @!p0 $0x1;
	_ =	shalt  }
.Lfunc_end1:
_tile_overlayer_lowered:
.L_overlay_start_2:
0x9f: {  	(tag) =	ssettag $0x2  }
0xa0: {  	s0 =	rddreg [dreg:$0x0];
	s2 =	stileid.u32  }
0xa1: {  	s1 =	rddreg [dreg:$0x1];
	p0 =	sne.s32 s2, $0x0  }
0xa2: {  	s3 =	rddreg [dreg:$0x2];
	[bflag:$0x3] =	sbarrier.arrive $0xFFFF;
	s2 =	simm.s32 @!p0 $0x1C01  }
0xa3: {  	[timem:s3], [sflag:s2] =	dma.local @!p0 [hbm:s0], s1  }
0xa4: {  	s0 =	simm.s32 @!p0 $0x1  }
0xa5: {  	_ =	swait.ge @!p0 [sflag:s0], s1  }
0xa6: {  	s1 =	ssub.s32 @!p0 $0x0, s1;
	[sflag:s0] =	ssyncset.done @!p0 $0x0  }
0xa7: {  	[sflag:s0] =	ssyncadd.s32 @!p0 s1  }
0xa8: {  	[bflag:$0x3] =	sbarrier.arrive $0xFFFF  }
0xa9: {  	_ =	shalt  }

</sc_bundles>
